<compile_context>
chip_gen: v7x
topology: tpu7x:2x2x1
jax: 0.10.2.dev20260603
libtpu: 0.0.44.dev20260713+nightly
codegen_flags: <defaults>
</compile_context>

<pallas_src>
import functools

import jax
import jax.numpy as jnp
from jax import lax
from jax.experimental import pallas as pl
from jax.experimental.pallas import tpu as pltpu
from jax.experimental.pallas import tpu_sc as plsc

N = 10000
E = 320000
D = 128

NC = 2
NS = 16
NW = NC * NS
B = 96
NB = 112
NBUF = 3
CH = 8
NCH = NB // CH

EPT = NB * B
E_PAD = NW * EPT
N_PAD = 10240
RPT = N_PAD // NS
PK = N_PAD // 128
PKT = PK // NS

_MESH = plsc.VectorSubcoreMesh(
    core_axis_name="c", subcore_axis_name="s", num_cores=NC, num_subcores=NS
)


@functools.partial(
    pl.kernel,
    out_type=jax.ShapeDtypeStruct((NC, N_PAD, D), jnp.float32),
    mesh=_MESH,
    scratch_types=[
        pltpu.VMEM((3, CH, B), jnp.int32),
        pltpu.VMEM((3, CH, B), jnp.int32),
        pltpu.VMEM((NBUF, B, D), jnp.float32),
        pltpu.VMEM_SHARED((N_PAD, D), jnp.float32),
        pltpu.SemaphoreType.DMA,
        pltpu.SemaphoreType.DMA,
        pltpu.SemaphoreType.DMA,
    ],
)
def _sc_edge_pass(h_hbm, src_hbm, dst_hbm, zeros_hbm, out_hbm,
                  src_ch, dst_ch, rows, acc_sh, isem, gsem, ssem):
    c = lax.axis_index("c")
    s = lax.axis_index("s")
    wid = s * NC + c
    row0 = pl.multiple_of(s * RPT, 8)
    pltpu.sync_copy(zeros_hbm.at[pl.ds(row0, RPT)], acc_sh.at[pl.ds(row0, RPT)])

    def i_start(k):
        slot = lax.rem(k, 3)
        pltpu.async_copy(src_hbm.at[wid, pl.ds(k * CH, CH)], src_ch.at[slot], isem)
        pltpu.async_copy(dst_hbm.at[wid, pl.ds(k * CH, CH)], dst_ch.at[slot], isem)

    def i_wait(k):
        slot = lax.rem(k, 3)
        pltpu.make_async_copy(
            src_hbm.at[wid, pl.ds(k * CH, CH)], src_ch.at[slot], isem).wait()
        pltpu.make_async_copy(
            dst_hbm.at[wid, pl.ds(k * CH, CH)], dst_ch.at[slot], isem).wait()

    def _slot_jj(i):
        k = lax.div(i, CH)
        return lax.rem(k, 3), lax.rem(i, CH)

    def g_start(i):
        slot, jj = _slot_jj(i)
        pltpu.async_copy(
            h_hbm.at[src_ch.at[slot, jj]], rows.at[lax.rem(i, NBUF)], gsem)

    def g_wait(i):
        slot, jj = _slot_jj(i)
        pltpu.make_async_copy(
            h_hbm.at[src_ch.at[slot, jj]], rows.at[lax.rem(i, NBUF)], gsem).wait()

    def s_start(i):
        slot, jj = _slot_jj(i)
        pltpu.async_copy(
            rows.at[lax.rem(i, NBUF)], acc_sh.at[dst_ch.at[slot, jj]], ssem,
            add=True)

    def s_wait(i):
        slot, jj = _slot_jj(i)
        pltpu.make_async_copy(
            rows.at[lax.rem(i, NBUF)], acc_sh.at[dst_ch.at[slot, jj]], ssem).wait()

    i_start(0)
    i_wait(0)
    i_start(1)
    for i in range(2):
        g_start(i)
    plsc.subcore_barrier()

    def body(i, carry):
        g_wait(i)
        s_start(i)
        pl.when(i >= 1)(lambda: s_wait(i - 1))

        def lookahead():
            nxt = i + 2

            def chunk_turn():
                k = lax.div(nxt, CH)
                i_wait(k)
                pl.when(k + 1 < NCH)(lambda: i_start(k + 1))

            pl.when(lax.rem(nxt, CH) == 0)(chunk_turn)
            g_start(nxt)

        pl.when(i + 2 < NB)(lookahead)
        return carry

    lax.fori_loop(0, NB, body, 0)
    s_wait(NB - 1)

    plsc.subcore_barrier()
    pltpu.sync_copy(acc_sh.at[pl.ds(row0, RPT)], out_hbm.at[c, pl.ds(row0, RPT)])


@functools.partial(
    pl.kernel,
    out_type=jax.ShapeDtypeStruct((NC, PK, 128), jnp.float32),
    mesh=_MESH,
    scratch_types=[
        pltpu.VMEM((NB, B), jnp.int32),
        pltpu.VMEM((B,), jnp.float32),
        pltpu.VMEM_SHARED((N_PAD,), jnp.float32),
        pltpu.SemaphoreType.DMA,
    ],
)
def _sc_deg_pass(dst_hbm, zeros_hbm, out_hbm, dst_all, ones_v, acc_sh, ssem):
    c = lax.axis_index("c")
    s = lax.axis_index("s")
    wid = s * NC + c
    el0 = pl.multiple_of(s * RPT, 128)
    pltpu.sync_copy(zeros_hbm.at[pl.ds(el0, RPT)], acc_sh.at[pl.ds(el0, RPT)])
    pltpu.sync_copy(dst_hbm.at[wid], dst_all)
    for j in range(B // 16):
        ones_v[pl.ds(16 * j, 16)] = jnp.full((16,), 1.0, jnp.float32)
    plsc.subcore_barrier()

    def s_start(i):
        pltpu.async_copy(ones_v, acc_sh.at[dst_all.at[i]], ssem, add=True)

    def s_wait(i):
        pltpu.make_async_copy(ones_v, acc_sh.at[dst_all.at[i]], ssem).wait()

    def body(i, carry):
        s_start(i)
        pl.when(i >= 3)(lambda: s_wait(i - 3))
        return carry

    lax.fori_loop(0, NB, body, 0)
    for i in range(NB - 3, NB):
        s_wait(i)

    plsc.subcore_barrier()
    for jj in range(PKT):
        j = s * PKT + jj
        pltpu.sync_copy(acc_sh.at[pl.ds(pl.multiple_of(j * 128, 128), 128)],
                        out_hbm.at[c, j])


_TC_R = 1280
_TC_PK = _TC_R // 128


def _tc_layer_body(relu, h_ref, p_ref, dpq_ref, a_ref, m_ref,
                   wo_ref, b_ref, wr_ref, o_ref):
    hb = h_ref[...]
    agg = hb + p_ref[0] + p_ref[1]
    pk = dpq_ref[0] + dpq_ref[1]
    deg1 = jnp.dot(a_ref[...], pk, preferred_element_type=jnp.float32)
    dcol = jnp.sum(deg1 * m_ref[...], axis=1, keepdims=True)
    agg = agg / jnp.maximum(1.0 + dcol, 1.0)
    out = (
        jnp.dot(agg, wo_ref[...], preferred_element_type=jnp.float32)
        + jnp.dot(hb, wr_ref[...], preferred_element_type=jnp.float32)
        + b_ref[...]
    )
    o_ref[...] = jnp.maximum(out, 0.0) if relu else out


def _tc_layer(h, p, dpq, a_sel, m_sel, w_out, b_out, w_root, relu):
    grid = (N_PAD // _TC_R,)
    return pl.pallas_call(
        functools.partial(_tc_layer_body, relu),
        grid=grid,
        in_specs=[
            pl.BlockSpec((_TC_R, D), lambda i: (i, 0)),
            pl.BlockSpec((NC, _TC_R, D), lambda i: (0, i, 0)),
            pl.BlockSpec((NC, PK, 128), lambda i: (0, 0, 0)),
            pl.BlockSpec((_TC_R, PK), lambda i: (i, 0)),
            pl.BlockSpec((_TC_R, 128), lambda i: (0, 0)),
            pl.BlockSpec((D, D), lambda i: (0, 0)),
            pl.BlockSpec((1, D), lambda i: (0, 0)),
            pl.BlockSpec((D, D), lambda i: (0, 0)),
        ],
        out_specs=pl.BlockSpec((_TC_R, D), lambda i: (i, 0)),
        out_shape=jax.ShapeDtypeStruct((N_PAD, D), jnp.float32),
    )(h, p, dpq, a_sel, m_sel, w_out, b_out, w_root)


def kernel(x, edge_index, training,
           W_out0, b_out0, W_root0,
           W_out1, b_out1, W_root1,
           W_out2, b_out2, W_root2):
    del training
    src = edge_index[0]
    dst = edge_index[1]
    pad_e = E_PAD - E
    pad_ar = jnp.arange(pad_e, dtype=jnp.int32)
    src_p = jnp.concatenate([src, pad_ar % N])
    dst_p = jnp.concatenate([dst, N + pad_ar % (N_PAD - N)])
    src3 = src_p.reshape(NW, NB, B)
    dst3 = dst_p.reshape(NW, NB, B)
    zeros_tbl = jnp.zeros((N_PAD, D), jnp.float32)
    zeros_1d = jnp.zeros((N_PAD,), jnp.float32)
    a_sel = (jnp.arange(N_PAD)[:, None] // 128
             == jnp.arange(PK)[None, :]).astype(jnp.float32)
    m_sel = (jnp.arange(_TC_R)[:, None] % 128
             == jnp.arange(128)[None, :]).astype(jnp.float32)

    dpq = _sc_deg_pass(dst3, zeros_1d)

    b0 = b_out0.reshape(1, D)
    b1 = b_out1.reshape(1, D)
    b2 = b_out2.reshape(1, D)

    h = jnp.concatenate([x, jnp.zeros((N_PAD - N, D), jnp.float32)])
    p = _sc_edge_pass(h, src3, dst3, zeros_tbl)
    h = _tc_layer(h, p, dpq, a_sel, m_sel, W_out0, b0, W_root0, relu=True)
    p = _sc_edge_pass(h, src3, dst3, zeros_tbl)
    h = _tc_layer(h, p, dpq, a_sel, m_sel, W_out1, b1, W_root1, relu=True)
    p = _sc_edge_pass(h, src3, dst3, zeros_tbl)
    out = _tc_layer(h, p, dpq, a_sel, m_sel, W_out2, b2, W_root2, relu=False)
    return out[:N]

# --- scband reference (transcript-rebuilt; emitter-appended) ---
"""Pipeline reference for scband-clust-gcn-vs-73555609911566 (READ-ONLY COPY).

The authoritative reference and input builder live on the scoring server;
editing this copy changes nothing except your own understanding.
"""

import jax, jax.numpy as jnp
import numpy as np

N = 10000
E = 320000
D_IN = 128
D_HID = 128
D_OUT = 128
DIAG_LAMBDA = 0.0


def setup_inputs(seed: int = 0) -> dict:
    key = jax.random.key(seed)
    ks = jax.random.split(key, 12)
    inp = {}
    inp["x"] = jax.random.normal(ks[0], (N, D_IN), dtype=jnp.float32)
    inp["edge_index"] = jax.random.randint(ks[1], (2, E), 0, N, dtype=jnp.int32)
    inp["training"] = False
    dims = [(D_IN, D_HID), (D_HID, D_HID), (D_HID, D_OUT)]
    for i, (din, dout) in enumerate(dims):
        s = 1.0 / np.sqrt(din)
        inp[f"W_out{i}"] = jax.random.uniform(ks[2 + 3 * i], (din, dout), minval=-s, maxval=s, dtype=jnp.float32)
        inp[f"b_out{i}"] = jax.random.uniform(ks[3 + 3 * i], (dout,), minval=-s, maxval=s, dtype=jnp.float32)
        inp[f"W_root{i}"] = jax.random.uniform(ks[4 + 3 * i], (din, dout), minval=-s, maxval=s, dtype=jnp.float32)
    return inp


def _cluster_gcn_conv(x, edge_index, W_out, b_out, W_root, diag_lambda):
    # Faithful ClusterGCNConv: add self-loops, norm = deg_inv[dst],
    # self-loop weights boosted by diag_lambda; out = lin_out(Ahat x) + lin_root(x)
    n = x.shape[0]
    src = edge_index[0]
    dst = edge_index[1]
    loop = jnp.arange(n, dtype=src.dtype)
    src = jnp.concatenate([src, loop])
    dst = jnp.concatenate([dst, loop])
    deg = jax.ops.segment_sum(jnp.ones_like(dst, dtype=x.dtype), dst, num_segments=n)
    deg_inv = 1.0 / jnp.clip(deg, 1.0)
    w = deg_inv[dst]
    w = w + diag_lambda * w * (src == dst).astype(x.dtype)
    msg = x[src] * w[:, None]
    agg = jax.ops.segment_sum(msg, dst, num_segments=n)
    return agg @ W_out + b_out + x @ W_root


def reference(x, edge_index, training, W_out0, b_out0, W_root0, W_out1, b_out1, W_root1, W_out2, b_out2, W_root2):
    h = _cluster_gcn_conv(x, edge_index, W_out0, b_out0, W_root0, DIAG_LAMBDA)
    h = jax.nn.relu(h)
    h = _cluster_gcn_conv(h, edge_index, W_out1, b_out1, W_root1, DIAG_LAMBDA)
    h = jax.nn.relu(h)
    # F.dropout with training=False is identity (eval-mode reference)
    out = _cluster_gcn_conv(h, edge_index, W_out2, b_out2, W_root2, DIAG_LAMBDA)
    return out

if __name__ == "__main__":
    import jax
    _d = setup_inputs()
    print(jax.jit(kernel)(*tuple(_d.values())))

</pallas_src>

<mosaic_0001>
#map = affine_map<(d0, d1) -> (0, 0)>
#map1 = affine_map<(d0, d1) -> (0, 0, 0)>
module attributes {stable_mosaic.version = 14 : i64} {
  func.func @_sc_edge_pass(%arg0: i32, %arg1: i32, %arg2: memref<10240x128xf32, #tpu.memory_space<hbm>>, %arg3: memref<32x112x96xi32, #tpu.memory_space<hbm>>, %arg4: memref<32x112x96xi32, #tpu.memory_space<hbm>>, %arg5: memref<10240x128xf32, #tpu.memory_space<hbm>>, %arg6: memref<2x10240x128xf32, #tpu.memory_space<hbm>>, %arg7: memref<3x8x96xi32, #tpu.memory_space<vmem>>, %arg8: memref<3x8x96xi32, #tpu.memory_space<vmem>>, %arg9: memref<3x96x128xf32, #tpu.memory_space<vmem>>, %arg10: memref<10240x128xf32, #tpu.memory_space<vmem_shared>>, %arg11: memref<!tpu.dma_semaphore, #tpu.memory_space<semaphore_mem>>, %arg12: memref<!tpu.dma_semaphore, #tpu.memory_space<semaphore_mem>>, %arg13: memref<!tpu.dma_semaphore, #tpu.memory_space<semaphore_mem>>) attributes {dimension_semantics = [#tpu.dimension_semantics<core_parallel>, #tpu.dimension_semantics<subcore_parallel>], iteration_bounds = array<i64: 2, 16>, scalar_prefetch = 0 : i64, scratch_operands = 7 : i64, tpu.core_type = #tpu.core_type<sc_vector_subcore>, window_params = [{transform_indices = #map}, {transform_indices = #map1}, {transform_indices = #map1}, {transform_indices = #map}, {transform_indices = #map1}]} {
    %mul3A = arith.constant 2 : i32
    %mul3A_0 = arith.muli %arg1, %mul3A : i32
    %add3A = arith.addi %mul3A_0, %arg0 : i32
    %mul3A_1 = arith.constant 640 : i32
    %mul3A_2 = arith.muli %arg1, %mul3A_1 : i32
    %multiple_of3A = tpu.assume_multiple %mul3A_2, 8 : i32
    "tpu.region"() ({
      %run_scoped3A = tpu.sem_alloc : memref<!tpu.dma_semaphore, #tpu.memory_space<semaphore_mem>>
      %dma_start3A_173 = arith.constant 0 : i32
      %dma_start3A_174 = tpu.memref_slice %arg10[%multiple_of3A, %dma_start3A_173] : memref<10240x128xf32, #tpu.memory_space<vmem_shared>> -> memref<640x128xf32, #tpu.memory_space<vmem_shared>>
      %dma_start3A_175 = arith.constant 0 : i32
      %dma_start3A_176 = tpu.memref_slice %arg5[%multiple_of3A, %dma_start3A_175] : memref<10240x128xf32, #tpu.memory_space<hbm>> -> memref<640x128xf32, #tpu.memory_space<hbm>>
      tpu.enqueue_dma source(%dma_start3A_176 : memref<640x128xf32, #tpu.memory_space<hbm>>) target(%dma_start3A_174 : memref<640x128xf32, #tpu.memory_space<vmem_shared>>) target_semaphore(%run_scoped3A : memref<!tpu.dma_semaphore, #tpu.memory_space<semaphore_mem>>)
      %dma_wait3A_177 = arith.constant 0 : i32
      %dma_wait3A_178 = tpu.memref_slice %arg10[%multiple_of3A, %dma_wait3A_177] : memref<10240x128xf32, #tpu.memory_space<vmem_shared>> -> memref<640x128xf32, #tpu.memory_space<vmem_shared>>
      %dma_wait3A_179 = arith.constant 0 : i32
      %dma_wait3A_180 = tpu.memref_slice %arg5[%multiple_of3A, %dma_wait3A_179] : memref<10240x128xf32, #tpu.memory_space<hbm>> -> memref<640x128xf32, #tpu.memory_space<hbm>>
      tpu.wait_dma2 semaphore(%run_scoped3A : memref<!tpu.dma_semaphore, #tpu.memory_space<semaphore_mem>>) src(%dma_wait3A_180 : memref<640x128xf32, #tpu.memory_space<hbm>>) dst(%dma_wait3A_178 : memref<640x128xf32, #tpu.memory_space<vmem_shared>>)
      tpu.yield
    }) : () -> ()
    %rem3A = arith.constant 0 : i32
    %rem3A_3 = arith.constant 3 : i32
    %rem3A_4 = arith.remsi %rem3A, %rem3A_3 : i32
    %dma_start3A = arith.constant 0 : i32
    %dma_start3A_5 = arith.constant 0 : i32
    %dma_start3A_6 = tpu.memref_slice %arg7[%rem3A_4, %dma_start3A, %dma_start3A_5] : memref<3x8x96xi32, #tpu.memory_space<vmem>> -> memref<1x8x96xi32, #tpu.memory_space<vmem>>
    %dma_start3A_7 = tpu.memref_squeeze %dma_start3A_6 : memref<1x8x96xi32, #tpu.memory_space<vmem>> -> memref<8x96xi32, #tpu.memory_space<vmem>>
    %dma_start3A_8 = arith.constant 0 : i32
    %dma_start3A_9 = arith.constant 0 : i32
    %dma_start3A_10 = tpu.memref_slice %arg3[%add3A, %dma_start3A_8, %dma_start3A_9] : memref<32x112x96xi32, #tpu.memory_space<hbm>> -> memref<1x8x96xi32, #tpu.memory_space<hbm>>
    %dma_start3A_11 = tpu.memref_squeeze %dma_start3A_10 : memref<1x8x96xi32, #tpu.memory_space<hbm>> -> memref<8x96xi32, #tpu.memory_space<hbm>>
    %dma_start3A_12 = arith.constant 0 : i32
    %dma_start3A_13 = arith.constant 0 : i32
    %dma_start3A_14 = tpu.memref_slice %arg7[%rem3A_4, %dma_start3A_12, %dma_start3A_13] : memref<3x8x96xi32, #tpu.memory_space<vmem>> -> memref<1x8x96xi32, #tpu.memory_space<vmem>>
    %dma_start3A_15 = tpu.memref_squeeze %dma_start3A_14 : memref<1x8x96xi32, #tpu.memory_space<vmem>> -> memref<8x96xi32, #tpu.memory_space<vmem>>
    %dma_start3A_16 = arith.constant 0 : i32
    %dma_start3A_17 = arith.constant 0 : i32
    %dma_start3A_18 = tpu.memref_slice %arg3[%add3A, %dma_start3A_16, %dma_start3A_17] : memref<32x112x96xi32, #tpu.memory_space<hbm>> -> memref<1x8x96xi32, #tpu.memory_space<hbm>>
    %dma_start3A_19 = tpu.memref_squeeze %dma_start3A_18 : memref<1x8x96xi32, #tpu.memory_space<hbm>> -> memref<8x96xi32, #tpu.memory_space<hbm>>
    tpu.enqueue_dma source(%dma_start3A_19 : memref<8x96xi32, #tpu.memory_space<hbm>>) target(%dma_start3A_15 : memref<8x96xi32, #tpu.memory_space<vmem>>) target_semaphore(%arg11 : memref<!tpu.dma_semaphore, #tpu.memory_space<semaphore_mem>>)
    %dma_start3A_20 = arith.constant 0 : i32
    %dma_start3A_21 = arith.constant 0 : i32
    %dma_start3A_22 = tpu.memref_slice %arg8[%rem3A_4, %dma_start3A_20, %dma_start3A_21] : memref<3x8x96xi32, #tpu.memory_space<vmem>> -> memref<1x8x96xi32, #tpu.memory_space<vmem>>
    %dma_start3A_23 = tpu.memref_squeeze %dma_start3A_22 : memref<1x8x96xi32, #tpu.memory_space<vmem>> -> memref<8x96xi32, #tpu.memory_space<vmem>>
    %dma_start3A_24 = arith.constant 0 : i32
    %dma_start3A_25 = arith.constant 0 : i32
    %dma_start3A_26 = tpu.memref_slice %arg4[%add3A, %dma_start3A_24, %dma_start3A_25] : memref<32x112x96xi32, #tpu.memory_space<hbm>> -> memref<1x8x96xi32, #tpu.memory_space<hbm>>
    %dma_start3A_27 = tpu.memref_squeeze %dma_start3A_26 : memref<1x8x96xi32, #tpu.memory_space<hbm>> -> memref<8x96xi32, #tpu.memory_space<hbm>>
    %dma_start3A_28 = arith.constant 0 : i32
    %dma_start3A_29 = arith.constant 0 : i32
    %dma_start3A_30 = tpu.memref_slice %arg8[%rem3A_4, %dma_start3A_28, %dma_start3A_29] : memref<3x8x96xi32, #tpu.memory_space<vmem>> -> memref<1x8x96xi32, #tpu.memory_space<vmem>>
    %dma_start3A_31 = tpu.memref_squeeze %dma_start3A_30 : memref<1x8x96xi32, #tpu.memory_space<vmem>> -> memref<8x96xi32, #tpu.memory_space<vmem>>
    %dma_start3A_32 = arith.constant 0 : i32
    %dma_start3A_33 = arith.constant 0 : i32
    %dma_start3A_34 = tpu.memref_slice %arg4[%add3A, %dma_start3A_32, %dma_start3A_33] : memref<32x112x96xi32, #tpu.memory_space<hbm>> -> memref<1x8x96xi32, #tpu.memory_space<hbm>>
    %dma_start3A_35 = tpu.memref_squeeze %dma_start3A_34 : memref<1x8x96xi32, #tpu.memory_space<hbm>> -> memref<8x96xi32, #tpu.memory_space<hbm>>
    tpu.enqueue_dma source(%dma_start3A_35 : memref<8x96xi32, #tpu.memory_space<hbm>>) target(%dma_start3A_31 : memref<8x96xi32, #tpu.memory_space<vmem>>) target_semaphore(%arg11 : memref<!tpu.dma_semaphore, #tpu.memory_space<semaphore_mem>>)
    %rem3A_36 = arith.constant 0 : i32
    %rem3A_37 = arith.constant 3 : i32
    %rem3A_38 = arith.remsi %rem3A_36, %rem3A_37 : i32
    %dma_wait3A = arith.constant 0 : i32
    %dma_wait3A_39 = arith.constant 0 : i32
    %dma_wait3A_40 = tpu.memref_slice %arg7[%rem3A_38, %dma_wait3A, %dma_wait3A_39] : memref<3x8x96xi32, #tpu.memory_space<vmem>> -> memref<1x8x96xi32, #tpu.memory_space<vmem>>
    %dma_wait3A_41 = tpu.memref_squeeze %dma_wait3A_40 : memref<1x8x96xi32, #tpu.memory_space<vmem>> -> memref<8x96xi32, #tpu.memory_space<vmem>>
    %dma_wait3A_42 = arith.constant 0 : i32
    %dma_wait3A_43 = arith.constant 0 : i32
    %dma_wait3A_44 = tpu.memref_slice %arg3[%add3A, %dma_wait3A_42, %dma_wait3A_43] : memref<32x112x96xi32, #tpu.memory_space<hbm>> -> memref<1x8x96xi32, #tpu.memory_space<hbm>>
    %dma_wait3A_45 = tpu.memref_squeeze %dma_wait3A_44 : memref<1x8x96xi32, #tpu.memory_space<hbm>> -> memref<8x96xi32, #tpu.memory_space<hbm>>
    %dma_wait3A_46 = arith.constant 0 : i32
    %dma_wait3A_47 = arith.constant 0 : i32
    %dma_wait3A_48 = tpu.memref_slice %arg7[%rem3A_38, %dma_wait3A_46, %dma_wait3A_47] : memref<3x8x96xi32, #tpu.memory_space<vmem>> -> memref<1x8x96xi32, #tpu.memory_space<vmem>>
    %dma_wait3A_49 = tpu.memref_squeeze %dma_wait3A_48 : memref<1x8x96xi32, #tpu.memory_space<vmem>> -> memref<8x96xi32, #tpu.memory_space<vmem>>
    %dma_wait3A_50 = arith.constant 0 : i32
    %dma_wait3A_51 = arith.constant 0 : i32
    %dma_wait3A_52 = tpu.memref_slice %arg3[%add3A, %dma_wait3A_50, %dma_wait3A_51] : memref<32x112x96xi32, #tpu.memory_space<hbm>> -> memref<1x8x96xi32, #tpu.memory_space<hbm>>
    %dma_wait3A_53 = tpu.memref_squeeze %dma_wait3A_52 : memref<1x8x96xi32, #tpu.memory_space<hbm>> -> memref<8x96xi32, #tpu.memory_space<hbm>>
    tpu.wait_dma2 semaphore(%arg11 : memref<!tpu.dma_semaphore, #tpu.memory_space<semaphore_mem>>) src(%dma_wait3A_53 : memref<8x96xi32, #tpu.memory_space<hbm>>) dst(%dma_wait3A_49 : memref<8x96xi32, #tpu.memory_space<vmem>>)
    %dma_wait3A_54 = arith.constant 0 : i32
    %dma_wait3A_55 = arith.constant 0 : i32
    %dma_wait3A_56 = tpu.memref_slice %arg8[%rem3A_38, %dma_wait3A_54, %dma_wait3A_55] : memref<3x8x96xi32, #tpu.memory_space<vmem>> -> memref<1x8x96xi32, #tpu.memory_space<vmem>>
    %dma_wait3A_57 = tpu.memref_squeeze %dma_wait3A_56 : memref<1x8x96xi32, #tpu.memory_space<vmem>> -> memref<8x96xi32, #tpu.memory_space<vmem>>
    %dma_wait3A_58 = arith.constant 0 : i32
    %dma_wait3A_59 = arith.constant 0 : i32
    %dma_wait3A_60 = tpu.memref_slice %arg4[%add3A, %dma_wait3A_58, %dma_wait3A_59] : memref<32x112x96xi32, #tpu.memory_space<hbm>> -> memref<1x8x96xi32, #tpu.memory_space<hbm>>
    %dma_wait3A_61 = tpu.memref_squeeze %dma_wait3A_60 : memref<1x8x96xi32, #tpu.memory_space<hbm>> -> memref<8x96xi32, #tpu.memory_space<hbm>>
    %dma_wait3A_62 = arith.constant 0 : i32
    %dma_wait3A_63 = arith.constant 0 : i32
    %dma_wait3A_64 = tpu.memref_slice %arg8[%rem3A_38, %dma_wait3A_62, %dma_wait3A_63] : memref<3x8x96xi32, #tpu.memory_space<vmem>> -> memref<1x8x96xi32, #tpu.memory_space<vmem>>
    %dma_wait3A_65 = tpu.memref_squeeze %dma_wait3A_64 : memref<1x8x96xi32, #tpu.memory_space<vmem>> -> memref<8x96xi32, #tpu.memory_space<vmem>>
    %dma_wait3A_66 = arith.constant 0 : i32
    %dma_wait3A_67 = arith.constant 0 : i32
    %dma_wait3A_68 = tpu.memref_slice %arg4[%add3A, %dma_wait3A_66, %dma_wait3A_67] : memref<32x112x96xi32, #tpu.memory_space<hbm>> -> memref<1x8x96xi32, #tpu.memory_space<hbm>>
    %dma_wait3A_69 = tpu.memref_squeeze %dma_wait3A_68 : memref<1x8x96xi32, #tpu.memory_space<hbm>> -> memref<8x96xi32, #tpu.memory_space<hbm>>
    tpu.wait_dma2 semaphore(%arg11 : memref<!tpu.dma_semaphore, #tpu.memory_space<semaphore_mem>>) src(%dma_wait3A_69 : memref<8x96xi32, #tpu.memory_space<hbm>>) dst(%dma_wait3A_65 : memref<8x96xi32, #tpu.memory_space<vmem>>)
    %rem3A_70 = arith.constant 1 : i32
    %rem3A_71 = arith.constant 3 : i32
    %rem3A_72 = arith.remsi %rem3A_70, %rem3A_71 : i32
    %dma_start3A_73 = arith.constant 0 : i32
    %dma_start3A_74 = arith.constant 0 : i32
    %dma_start3A_75 = tpu.memref_slice %arg7[%rem3A_72, %dma_start3A_73, %dma_start3A_74] : memref<3x8x96xi32, #tpu.memory_space<vmem>> -> memref<1x8x96xi32, #tpu.memory_space<vmem>>
    %dma_start3A_76 = tpu.memref_squeeze %dma_start3A_75 : memref<1x8x96xi32, #tpu.memory_space<vmem>> -> memref<8x96xi32, #tpu.memory_space<vmem>>
    %dma_start3A_77 = arith.constant 8 : i32
    %dma_start3A_78 = arith.constant 0 : i32
    %dma_start3A_79 = tpu.memref_slice %arg3[%add3A, %dma_start3A_77, %dma_start3A_78] : memref<32x112x96xi32, #tpu.memory_space<hbm>> -> memref<1x8x96xi32, #tpu.memory_space<hbm>>
    %dma_start3A_80 = tpu.memref_squeeze %dma_start3A_79 : memref<1x8x96xi32, #tpu.memory_space<hbm>> -> memref<8x96xi32, #tpu.memory_space<hbm>>
    %dma_start3A_81 = arith.constant 0 : i32
    %dma_start3A_82 = arith.constant 0 : i32
    %dma_start3A_83 = tpu.memref_slice %arg7[%rem3A_72, %dma_start3A_81, %dma_start3A_82] : memref<3x8x96xi32, #tpu.memory_space<vmem>> -> memref<1x8x96xi32, #tpu.memory_space<vmem>>
    %dma_start3A_84 = tpu.memref_squeeze %dma_start3A_83 : memref<1x8x96xi32, #tpu.memory_space<vmem>> -> memref<8x96xi32, #tpu.memory_space<vmem>>
    %dma_start3A_85 = arith.constant 8 : i32
    %dma_start3A_86 = arith.constant 0 : i32
    %dma_start3A_87 = tpu.memref_slice %arg3[%add3A, %dma_start3A_85, %dma_start3A_86] : memref<32x112x96xi32, #tpu.memory_space<hbm>> -> memref<1x8x96xi32, #tpu.memory_space<hbm>>
    %dma_start3A_88 = tpu.memref_squeeze %dma_start3A_87 : memref<1x8x96xi32, #tpu.memory_space<hbm>> -> memref<8x96xi32, #tpu.memory_space<hbm>>
    tpu.enqueue_dma source(%dma_start3A_88 : memref<8x96xi32, #tpu.memory_space<hbm>>) target(%dma_start3A_84 : memref<8x96xi32, #tpu.memory_space<vmem>>) target_semaphore(%arg11 : memref<!tpu.dma_semaphore, #tpu.memory_space<semaphore_mem>>)
    %dma_start3A_89 = arith.constant 0 : i32
    %dma_start3A_90 = arith.constant 0 : i32
    %dma_start3A_91 = tpu.memref_slice %arg8[%rem3A_72, %dma_start3A_89, %dma_start3A_90] : memref<3x8x96xi32, #tpu.memory_space<vmem>> -> memref<1x8x96xi32, #tpu.memory_space<vmem>>
    %dma_start3A_92 = tpu.memref_squeeze %dma_start3A_91 : memref<1x8x96xi32, #tpu.memory_space<vmem>> -> memref<8x96xi32, #tpu.memory_space<vmem>>
    %dma_start3A_93 = arith.constant 8 : i32
    %dma_start3A_94 = arith.constant 0 : i32
    %dma_start3A_95 = tpu.memref_slice %arg4[%add3A, %dma_start3A_93, %dma_start3A_94] : memref<32x112x96xi32, #tpu.memory_space<hbm>> -> memref<1x8x96xi32, #tpu.memory_space<hbm>>
    %dma_start3A_96 = tpu.memref_squeeze %dma_start3A_95 : memref<1x8x96xi32, #tpu.memory_space<hbm>> -> memref<8x96xi32, #tpu.memory_space<hbm>>
    %dma_start3A_97 = arith.constant 0 : i32
    %dma_start3A_98 = arith.constant 0 : i32
    %dma_start3A_99 = tpu.memref_slice %arg8[%rem3A_72, %dma_start3A_97, %dma_start3A_98] : memref<3x8x96xi32, #tpu.memory_space<vmem>> -> memref<1x8x96xi32, #tpu.memory_space<vmem>>
    %dma_start3A_100 = tpu.memref_squeeze %dma_start3A_99 : memref<1x8x96xi32, #tpu.memory_space<vmem>> -> memref<8x96xi32, #tpu.memory_space<vmem>>
    %dma_start3A_101 = arith.constant 8 : i32
    %dma_start3A_102 = arith.constant 0 : i32
    %dma_start3A_103 = tpu.memref_slice %arg4[%add3A, %dma_start3A_101, %dma_start3A_102] : memref<32x112x96xi32, #tpu.memory_space<hbm>> -> memref<1x8x96xi32, #tpu.memory_space<hbm>>
    %dma_start3A_104 = tpu.memref_squeeze %dma_start3A_103 : memref<1x8x96xi32, #tpu.memory_space<hbm>> -> memref<8x96xi32, #tpu.memory_space<hbm>>
    tpu.enqueue_dma source(%dma_start3A_104 : memref<8x96xi32, #tpu.memory_space<hbm>>) target(%dma_start3A_100 : memref<8x96xi32, #tpu.memory_space<vmem>>) target_semaphore(%arg11 : memref<!tpu.dma_semaphore, #tpu.memory_space<semaphore_mem>>)
    %div3A = arith.constant 0 : i32
    %div3A_105 = arith.constant 8 : i32
    %div3A_106 = arith.divsi %div3A, %div3A_105 : i32
    %rem3A_107 = arith.constant 3 : i32
    %rem3A_108 = arith.remsi %div3A_106, %rem3A_107 : i32
    %rem3A_109 = arith.constant 0 : i32
    %rem3A_110 = arith.constant 8 : i32
    %rem3A_111 = arith.remsi %rem3A_109, %rem3A_110 : i32
    %rem3A_112 = arith.constant 0 : i32
    %rem3A_113 = arith.constant 3 : i32
    %rem3A_114 = arith.remsi %rem3A_112, %rem3A_113 : i32
    %dma_start3A_115 = arith.constant 0 : i32
    %dma_start3A_116 = arith.constant 0 : i32
    %dma_start3A_117 = tpu.memref_slice %arg9[%rem3A_114, %dma_start3A_115, %dma_start3A_116] : memref<3x96x128xf32, #tpu.memory_space<vmem>> -> memref<1x96x128xf32, #tpu.memory_space<vmem>>
    %dma_start3A_118 = tpu.memref_squeeze %dma_start3A_117 : memref<1x96x128xf32, #tpu.memory_space<vmem>> -> memref<96x128xf32, #tpu.memory_space<vmem>>
    %dma_start3A_119 = arith.constant 0 : i32
    %dma_start3A_120 = tpu.memref_slice %arg7[%rem3A_108, %rem3A_111, %dma_start3A_119] : memref<3x8x96xi32, #tpu.memory_space<vmem>> -> memref<1x1x96xi32, #tpu.memory_space<vmem>>
    %dma_start3A_121 = tpu.memref_squeeze %dma_start3A_120 : memref<1x1x96xi32, #tpu.memory_space<vmem>> -> memref<96xi32, #tpu.memory_space<vmem>>
    %dma_start3A_122 = arith.constant 0 : i32
    %dma_start3A_123 = arith.constant 0 : i32
    %dma_start3A_124 = tpu.memref_slice %arg2[%dma_start3A_122, %dma_start3A_123] : memref<10240x128xf32, #tpu.memory_space<hbm>> -> memref<10240x128xf32, #tpu.memory_space<hbm>>
    tpu.enqueue_indirect_dma source(%dma_start3A_124 : memref<10240x128xf32, #tpu.memory_space<hbm>>) target(%dma_start3A_118 : memref<96x128xf32, #tpu.memory_space<vmem>>) offsets(%dma_start3A_121 : memref<96xi32, #tpu.memory_space<vmem>>) semaphore(%arg12 : memref<!tpu.dma_semaphore, #tpu.memory_space<semaphore_mem>>)
    %div3A_125 = arith.constant 1 : i32
    %div3A_126 = arith.constant 8 : i32
    %div3A_127 = arith.divsi %div3A_125, %div3A_126 : i32
    %rem3A_128 = arith.constant 3 : i32
    %rem3A_129 = arith.remsi %div3A_127, %rem3A_128 : i32
    %rem3A_130 = arith.constant 1 : i32
    %rem3A_131 = arith.constant 8 : i32
    %rem3A_132 = arith.remsi %rem3A_130, %rem3A_131 : i32
    %rem3A_133 = arith.constant 1 : i32
    %rem3A_134 = arith.constant 3 : i32
    %rem3A_135 = arith.remsi %rem3A_133, %rem3A_134 : i32
    %dma_start3A_136 = arith.constant 0 : i32
    %dma_start3A_137 = arith.constant 0 : i32
    %dma_start3A_138 = tpu.memref_slice %arg9[%rem3A_135, %dma_start3A_136, %dma_start3A_137] : memref<3x96x128xf32, #tpu.memory_space<vmem>> -> memref<1x96x128xf32, #tpu.memory_space<vmem>>
    %dma_start3A_139 = tpu.memref_squeeze %dma_start3A_138 : memref<1x96x128xf32, #tpu.memory_space<vmem>> -> memref<96x128xf32, #tpu.memory_space<vmem>>
    %dma_start3A_140 = arith.constant 0 : i32
    %dma_start3A_141 = tpu.memref_slice %arg7[%rem3A_129, %rem3A_132, %dma_start3A_140] : memref<3x8x96xi32, #tpu.memory_space<vmem>> -> memref<1x1x96xi32, #tpu.memory_space<vmem>>
    %dma_start3A_142 = tpu.memref_squeeze %dma_start3A_141 : memref<1x1x96xi32, #tpu.memory_space<vmem>> -> memref<96xi32, #tpu.memory_space<vmem>>
    %dma_start3A_143 = arith.constant 0 : i32
    %dma_start3A_144 = arith.constant 0 : i32
    %dma_start3A_145 = tpu.memref_slice %arg2[%dma_start3A_143, %dma_start3A_144] : memref<10240x128xf32, #tpu.memory_space<hbm>> -> memref<10240x128xf32, #tpu.memory_space<hbm>>
    tpu.enqueue_indirect_dma source(%dma_start3A_145 : memref<10240x128xf32, #tpu.memory_space<hbm>>) target(%dma_start3A_139 : memref<96x128xf32, #tpu.memory_space<vmem>>) offsets(%dma_start3A_142 : memref<96xi32, #tpu.memory_space<vmem>>) semaphore(%arg12 : memref<!tpu.dma_semaphore, #tpu.memory_space<semaphore_mem>>)
    %barrier3A = arith.constant 0 : index
    tpu.barrier barrier_id(%barrier3A)
    %scan3A = arith.constant 0 : i32
    %scan3A_146 = arith.constant 0 : i32
    %scan3A_147 = arith.constant 112 : i32
    %scan3A_148 = arith.addi %scan3A_146, %scan3A_147 : i32
    %scan3A_149 = arith.constant 1 : i32
    scf.for %scan3A_173 = %scan3A_146 to %scan3A_148 step %scan3A_149  : i32 {
      %div3A_174 = arith.constant 8 : i32
      %div3A_175 = arith.divsi %scan3A_173, %div3A_174 : i32
      %rem3A_176 = arith.constant 3 : i32
      %rem3A_177 = arith.remsi %div3A_175, %rem3A_176 : i32
      %rem3A_178 = arith.constant 8 : i32
      %rem3A_179 = arith.remsi %scan3A_173, %rem3A_178 : i32
      %rem3A_180 = arith.constant 3 : i32
      %rem3A_181 = arith.remsi %scan3A_173, %rem3A_180 : i32
      %dma_wait3A_182 = arith.constant 0 : i32
      %dma_wait3A_183 = arith.constant 0 : i32
      %dma_wait3A_184 = tpu.memref_slice %arg9[%rem3A_181, %dma_wait3A_182, %dma_wait3A_183] : memref<3x96x128xf32, #tpu.memory_space<vmem>> -> memref<1x96x128xf32, #tpu.memory_space<vmem>>
      %dma_wait3A_185 = tpu.memref_squeeze %dma_wait3A_184 : memref<1x96x128xf32, #tpu.memory_space<vmem>> -> memref<96x128xf32, #tpu.memory_space<vmem>>
      %dma_wait3A_186 = arith.constant 0 : i32
      %dma_wait3A_187 = tpu.memref_slice %arg7[%rem3A_177, %rem3A_179, %dma_wait3A_186] : memref<3x8x96xi32, #tpu.memory_space<vmem>> -> memref<1x1x96xi32, #tpu.memory_space<vmem>>
      %dma_wait3A_188 = tpu.memref_squeeze %dma_wait3A_187 : memref<1x1x96xi32, #tpu.memory_space<vmem>> -> memref<96xi32, #tpu.memory_space<vmem>>
      %dma_wait3A_189 = arith.constant 0 : i32
      %dma_wait3A_190 = arith.constant 0 : i32
      %dma_wait3A_191 = tpu.memref_slice %arg2[%dma_wait3A_189, %dma_wait3A_190] : memref<10240x128xf32, #tpu.memory_space<hbm>> -> memref<10240x128xf32, #tpu.memory_space<hbm>>
      tpu.wait_indirect_dma semaphore(%arg12 : memref<!tpu.dma_semaphore, #tpu.memory_space<semaphore_mem>>) src(%dma_wait3A_191 : memref<10240x128xf32, #tpu.memory_space<hbm>>) dst(%dma_wait3A_185 : memref<96x128xf32, #tpu.memory_space<vmem>>)
      %div3A_192 = arith.constant 8 : i32
      %div3A_193 = arith.divsi %scan3A_173, %div3A_192 : i32
      %rem3A_194 = arith.constant 3 : i32
      %rem3A_195 = arith.remsi %div3A_193, %rem3A_194 : i32
      %rem3A_196 = arith.constant 8 : i32
      %rem3A_197 = arith.remsi %scan3A_173, %rem3A_196 : i32
      %rem3A_198 = arith.constant 3 : i32
      %rem3A_199 = arith.remsi %scan3A_173, %rem3A_198 : i32
      %dma_start3A_200 = arith.constant 0 : i32
      %dma_start3A_201 = arith.constant 0 : i32
      %dma_start3A_202 = tpu.memref_slice %arg9[%rem3A_199, %dma_start3A_200, %dma_start3A_201] : memref<3x96x128xf32, #tpu.memory_space<vmem>> -> memref<1x96x128xf32, #tpu.memory_space<vmem>>
      %dma_start3A_203 = tpu.memref_squeeze %dma_start3A_202 : memref<1x96x128xf32, #tpu.memory_space<vmem>> -> memref<96x128xf32, #tpu.memory_space<vmem>>
      %dma_start3A_204 = arith.constant 0 : i32
      %dma_start3A_205 = tpu.memref_slice %arg8[%rem3A_195, %rem3A_197, %dma_start3A_204] : memref<3x8x96xi32, #tpu.memory_space<vmem>> -> memref<1x1x96xi32, #tpu.memory_space<vmem>>
      %dma_start3A_206 = tpu.memref_squeeze %dma_start3A_205 : memref<1x1x96xi32, #tpu.memory_space<vmem>> -> memref<96xi32, #tpu.memory_space<vmem>>
      %dma_start3A_207 = arith.constant 0 : i32
      %dma_start3A_208 = arith.constant 0 : i32
      %dma_start3A_209 = tpu.memref_slice %arg10[%dma_start3A_207, %dma_start3A_208] : memref<10240x128xf32, #tpu.memory_space<vmem_shared>> -> memref<10240x128xf32, #tpu.memory_space<vmem_shared>>
      tpu.enqueue_indirect_dma source(%dma_start3A_203 : memref<96x128xf32, #tpu.memory_space<vmem>>) target(%dma_start3A_209 : memref<10240x128xf32, #tpu.memory_space<vmem_shared>>) offsets(%dma_start3A_206 : memref<96xi32, #tpu.memory_space<vmem>>) semaphore(%arg13 : memref<!tpu.dma_semaphore, #tpu.memory_space<semaphore_mem>>) {add = true}
      %ge3A = arith.constant 1 : i32
      %ge3A_210 = arith.cmpi sge, %scan3A_173, %ge3A : i32
      %convert_element_type3A = arith.extui %ge3A_210 : i1 to i32
      %cond3A = arith.constant 0 : i32
      %cond3A_211 = arith.cmpi ne, %convert_element_type3A, %cond3A : i32
      scf.if %cond3A_211 {
        %sub3A = arith.constant 1 : i32
        %sub3A_218 = arith.subi %scan3A_173, %sub3A : i32
        %div3A_219 = arith.constant 8 : i32
        %div3A_220 = arith.divsi %sub3A_218, %div3A_219 : i32
        %rem3A_221 = arith.constant 3 : i32
        %rem3A_222 = arith.remsi %div3A_220, %rem3A_221 : i32
        %rem3A_223 = arith.constant 8 : i32
        %rem3A_224 = arith.remsi %sub3A_218, %rem3A_223 : i32
        %rem3A_225 = arith.constant 3 : i32
        %rem3A_226 = arith.remsi %sub3A_218, %rem3A_225 : i32
        %dma_wait3A_227 = arith.constant 0 : i32
        %dma_wait3A_228 = arith.constant 0 : i32
        %dma_wait3A_229 = tpu.memref_slice %arg9[%rem3A_226, %dma_wait3A_227, %dma_wait3A_228] : memref<3x96x128xf32, #tpu.memory_space<vmem>> -> memref<1x96x128xf32, #tpu.memory_space<vmem>>
        %dma_wait3A_230 = tpu.memref_squeeze %dma_wait3A_229 : memref<1x96x128xf32, #tpu.memory_space<vmem>> -> memref<96x128xf32, #tpu.memory_space<vmem>>
        %dma_wait3A_231 = arith.constant 0 : i32
        %dma_wait3A_232 = tpu.memref_slice %arg8[%rem3A_222, %rem3A_224, %dma_wait3A_231] : memref<3x8x96xi32, #tpu.memory_space<vmem>> -> memref<1x1x96xi32, #tpu.memory_space<vmem>>
        %dma_wait3A_233 = tpu.memref_squeeze %dma_wait3A_232 : memref<1x1x96xi32, #tpu.memory_space<vmem>> -> memref<96xi32, #tpu.memory_space<vmem>>
        %dma_wait3A_234 = arith.constant 0 : i32
        %dma_wait3A_235 = arith.constant 0 : i32
        %dma_wait3A_236 = tpu.memref_slice %arg10[%dma_wait3A_234, %dma_wait3A_235] : memref<10240x128xf32, #tpu.memory_space<vmem_shared>> -> memref<10240x128xf32, #tpu.memory_space<vmem_shared>>
        tpu.wait_indirect_dma semaphore(%arg13 : memref<!tpu.dma_semaphore, #tpu.memory_space<semaphore_mem>>) src(%dma_wait3A_230 : memref<96x128xf32, #tpu.memory_space<vmem>>) dst(%dma_wait3A_236 : memref<10240x128xf32, #tpu.memory_space<vmem_shared>>)
      } else {
      }
      %add3A_212 = arith.constant 2 : i32
      %add3A_213 = arith.addi %scan3A_173, %add3A_212 : i32
      %lt3A = arith.constant 112 : i32
      %lt3A_214 = arith.cmpi slt, %add3A_213, %lt3A : i32
      %convert_element_type3A_215 = arith.extui %lt3A_214 : i1 to i32
      %cond3A_216 = arith.constant 0 : i32
      %cond3A_217 = arith.cmpi ne, %convert_element_type3A_215, %cond3A_216 : i32
      scf.if %cond3A_217 {
        %add3A_218 = arith.constant 2 : i32
        %add3A_219 = arith.addi %scan3A_173, %add3A_218 : i32
        %rem3A_220 = arith.constant 8 : i32
        %rem3A_221 = arith.remsi %add3A_219, %rem3A_220 : i32
        %eq3A = arith.constant 0 : i32
        %eq3A_222 = arith.cmpi eq, %rem3A_221, %eq3A : i32
        %convert_element_type3A_223 = arith.extui %eq3A_222 : i1 to i32
        %cond3A_224 = arith.constant 0 : i32
        %cond3A_225 = arith.cmpi ne, %convert_element_type3A_223, %cond3A_224 : i32
        scf.if %cond3A_225 {
          %div3A_244 = arith.constant 8 : i32
          %div3A_245 = arith.divsi %add3A_219, %div3A_244 : i32
          %rem3A_246 = arith.constant 3 : i32
          %rem3A_247 = arith.remsi %div3A_245, %rem3A_246 : i32
          %mul3A_248 = arith.constant 8 : i32
          %mul3A_249 = arith.muli %div3A_245, %mul3A_248 : i32
          %dma_wait3A_250 = arith.constant 0 : i32
          %dma_wait3A_251 = arith.constant 0 : i32
          %dma_wait3A_252 = tpu.memref_slice %arg7[%rem3A_247, %dma_wait3A_250, %dma_wait3A_251] : memref<3x8x96xi32, #tpu.memory_space<vmem>> -> memref<1x8x96xi32, #tpu.memory_space<vmem>>
          %dma_wait3A_253 = tpu.memref_squeeze %dma_wait3A_252 : memref<1x8x96xi32, #tpu.memory_space<vmem>> -> memref<8x96xi32, #tpu.memory_space<vmem>>
          %dma_wait3A_254 = arith.constant 0 : i32
          %dma_wait3A_255 = tpu.memref_slice %arg3[%add3A, %mul3A_249, %dma_wait3A_254] : memref<32x112x96xi32, #tpu.memory_space<hbm>> -> memref<1x8x96xi32, #tpu.memory_space<hbm>>
          %dma_wait3A_256 = tpu.memref_squeeze %dma_wait3A_255 : memref<1x8x96xi32, #tpu.memory_space<hbm>> -> memref<8x96xi32, #tpu.memory_space<hbm>>
          %dma_wait3A_257 = arith.constant 0 : i32
          %dma_wait3A_258 = arith.constant 0 : i32
          %dma_wait3A_259 = tpu.memref_slice %arg7[%rem3A_247, %dma_wait3A_257, %dma_wait3A_258] : memref<3x8x96xi32, #tpu.memory_space<vmem>> -> memref<1x8x96xi32, #tpu.memory_space<vmem>>
          %dma_wait3A_260 = tpu.memref_squeeze %dma_wait3A_259 : memref<1x8x96xi32, #tpu.memory_space<vmem>> -> memref<8x96xi32, #tpu.memory_space<vmem>>
          %dma_wait3A_261 = arith.constant 0 : i32
          %dma_wait3A_262 = tpu.memref_slice %arg3[%add3A, %mul3A_249, %dma_wait3A_261] : memref<32x112x96xi32, #tpu.memory_space<hbm>> -> memref<1x8x96xi32, #tpu.memory_space<hbm>>
          %dma_wait3A_263 = tpu.memref_squeeze %dma_wait3A_262 : memref<1x8x96xi32, #tpu.memory_space<hbm>> -> memref<8x96xi32, #tpu.memory_space<hbm>>
          tpu.wait_dma2 semaphore(%arg11 : memref<!tpu.dma_semaphore, #tpu.memory_space<semaphore_mem>>) src(%dma_wait3A_263 : memref<8x96xi32, #tpu.memory_space<hbm>>) dst(%dma_wait3A_260 : memref<8x96xi32, #tpu.memory_space<vmem>>)
          %mul3A_264 = arith.constant 8 : i32
          %mul3A_265 = arith.muli %div3A_245, %mul3A_264 : i32
          %dma_wait3A_266 = arith.constant 0 : i32
          %dma_wait3A_267 = arith.constant 0 : i32
          %dma_wait3A_268 = tpu.memref_slice %arg8[%rem3A_247, %dma_wait3A_266, %dma_wait3A_267] : memref<3x8x96xi32, #tpu.memory_space<vmem>> -> memref<1x8x96xi32, #tpu.memory_space<vmem>>
          %dma_wait3A_269 = tpu.memref_squeeze %dma_wait3A_268 : memref<1x8x96xi32, #tpu.memory_space<vmem>> -> memref<8x96xi32, #tpu.memory_space<vmem>>
          %dma_wait3A_270 = arith.constant 0 : i32
          %dma_wait3A_271 = tpu.memref_slice %arg4[%add3A, %mul3A_265, %dma_wait3A_270] : memref<32x112x96xi32, #tpu.memory_space<hbm>> -> memref<1x8x96xi32, #tpu.memory_space<hbm>>
          %dma_wait3A_272 = tpu.memref_squeeze %dma_wait3A_271 : memref<1x8x96xi32, #tpu.memory_space<hbm>> -> memref<8x96xi32, #tpu.memory_space<hbm>>
          %dma_wait3A_273 = arith.constant 0 : i32
          %dma_wait3A_274 = arith.constant 0 : i32
          %dma_wait3A_275 = tpu.memref_slice %arg8[%rem3A_247, %dma_wait3A_273, %dma_wait3A_274] : memref<3x8x96xi32, #tpu.memory_space<vmem>> -> memref<1x8x96xi32, #tpu.memory_space<vmem>>
          %dma_wait3A_276 = tpu.memref_squeeze %dma_wait3A_275 : memref<1x8x96xi32, #tpu.memory_space<vmem>> -> memref<8x96xi32, #tpu.memory_space<vmem>>
          %dma_wait3A_277 = arith.constant 0 : i32
          %dma_wait3A_278 = tpu.memref_slice %arg4[%add3A, %mul3A_265, %dma_wait3A_277] : memref<32x112x96xi32, #tpu.memory_space<hbm>> -> memref<1x8x96xi32, #tpu.memory_space<hbm>>
          %dma_wait3A_279 = tpu.memref_squeeze %dma_wait3A_278 : memref<1x8x96xi32, #tpu.memory_space<hbm>> -> memref<8x96xi32, #tpu.memory_space<hbm>>
          tpu.wait_dma2 semaphore(%arg11 : memref<!tpu.dma_semaphore, #tpu.memory_space<semaphore_mem>>) src(%dma_wait3A_279 : memref<8x96xi32, #tpu.memory_space<hbm>>) dst(%dma_wait3A_276 : memref<8x96xi32, #tpu.memory_space<vmem>>)
          %add3A_280 = arith.constant 1 : i32
          %add3A_281 = arith.addi %div3A_245, %add3A_280 : i32
          %lt3A_282 = arith.constant 14 : i32
          %lt3A_283 = arith.cmpi slt, %add3A_281, %lt3A_282 : i32
          %convert_element_type3A_284 = arith.extui %lt3A_283 : i1 to i32
          %cond3A_285 = arith.constant 0 : i32
          %cond3A_286 = arith.cmpi ne, %convert_element_type3A_284, %cond3A_285 : i32
          scf.if %cond3A_286 {
            %add3A_287 = arith.constant 1 : i32
            %add3A_288 = arith.addi %div3A_245, %add3A_287 : i32
            %rem3A_289 = arith.constant 3 : i32
            %rem3A_290 = arith.remsi %add3A_288, %rem3A_289 : i32
            %mul3A_291 = arith.constant 8 : i32
            %mul3A_292 = arith.muli %add3A_288, %mul3A_291 : i32
            %dma_start3A_293 = arith.constant 0 : i32
            %dma_start3A_294 = arith.constant 0 : i32
            %dma_start3A_295 = tpu.memref_slice %arg7[%rem3A_290, %dma_start3A_293, %dma_start3A_294] : memref<3x8x96xi32, #tpu.memory_space<vmem>> -> memref<1x8x96xi32, #tpu.memory_space<vmem>>
            %dma_start3A_296 = tpu.memref_squeeze %dma_start3A_295 : memref<1x8x96xi32, #tpu.memory_space<vmem>> -> memref<8x96xi32, #tpu.memory_space<vmem>>
            %dma_start3A_297 = arith.constant 0 : i32
            %dma_start3A_298 = tpu.memref_slice %arg3[%add3A, %mul3A_292, %dma_start3A_297] : memref<32x112x96xi32, #tpu.memory_space<hbm>> -> memref<1x8x96xi32, #tpu.memory_space<hbm>>
            %dma_start3A_299 = tpu.memref_squeeze %dma_start3A_298 : memref<1x8x96xi32, #tpu.memory_space<hbm>> -> memref<8x96xi32, #tpu.memory_space<hbm>>
            %dma_start3A_300 = arith.constant 0 : i32
            %dma_start3A_301 = arith.constant 0 : i32
            %dma_start3A_302 = tpu.memref_slice %arg7[%rem3A_290, %dma_start3A_300, %dma_start3A_301] : memref<3x8x96xi32, #tpu.memory_space<vmem>> -> memref<1x8x96xi32, #tpu.memory_space<vmem>>
            %dma_start3A_303 = tpu.memref_squeeze %dma_start3A_302 : memref<1x8x96xi32, #tpu.memory_space<vmem>> -> memref<8x96xi32, #tpu.memory_space<vmem>>
            %dma_start3A_304 = arith.constant 0 : i32
            %dma_start3A_305 = tpu.memref_slice %arg3[%add3A, %mul3A_292, %dma_start3A_304] : memref<32x112x96xi32, #tpu.memory_space<hbm>> -> memref<1x8x96xi32, #tpu.memory_space<hbm>>
            %dma_start3A_306 = tpu.memref_squeeze %dma_start3A_305 : memref<1x8x96xi32, #tpu.memory_space<hbm>> -> memref<8x96xi32, #tpu.memory_space<hbm>>
            tpu.enqueue_dma source(%dma_start3A_306 : memref<8x96xi32, #tpu.memory_space<hbm>>) target(%dma_start3A_303 : memref<8x96xi32, #tpu.memory_space<vmem>>) target_semaphore(%arg11 : memref<!tpu.dma_semaphore, #tpu.memory_space<semaphore_mem>>)
            %mul3A_307 = arith.constant 8 : i32
            %mul3A_308 = arith.muli %add3A_288, %mul3A_307 : i32
            %dma_start3A_309 = arith.constant 0 : i32
            %dma_start3A_310 = arith.constant 0 : i32
            %dma_start3A_311 = tpu.memref_slice %arg8[%rem3A_290, %dma_start3A_309, %dma_start3A_310] : memref<3x8x96xi32, #tpu.memory_space<vmem>> -> memref<1x8x96xi32, #tpu.memory_space<vmem>>
            %dma_start3A_312 = tpu.memref_squeeze %dma_start3A_311 : memref<1x8x96xi32, #tpu.memory_space<vmem>> -> memref<8x96xi32, #tpu.memory_space<vmem>>
            %dma_start3A_313 = arith.constant 0 : i32
            %dma_start3A_314 = tpu.memref_slice %arg4[%add3A, %mul3A_308, %dma_start3A_313] : memref<32x112x96xi32, #tpu.memory_space<hbm>> -> memref<1x8x96xi32, #tpu.memory_space<hbm>>
            %dma_start3A_315 = tpu.memref_squeeze %dma_start3A_314 : memref<1x8x96xi32, #tpu.memory_space<hbm>> -> memref<8x96xi32, #tpu.memory_space<hbm>>
            %dma_start3A_316 = arith.constant 0 : i32
            %dma_start3A_317 = arith.constant 0 : i32
            %dma_start3A_318 = tpu.memref_slice %arg8[%rem3A_290, %dma_start3A_316, %dma_start3A_317] : memref<3x8x96xi32, #tpu.memory_space<vmem>> -> memref<1x8x96xi32, #tpu.memory_space<vmem>>
            %dma_start3A_319 = tpu.memref_squeeze %dma_start3A_318 : memref<1x8x96xi32, #tpu.memory_space<vmem>> -> memref<8x96xi32, #tpu.memory_space<vmem>>
            %dma_start3A_320 = arith.constant 0 : i32
            %dma_start3A_321 = tpu.memref_slice %arg4[%add3A, %mul3A_308, %dma_start3A_320] : memref<32x112x96xi32, #tpu.memory_space<hbm>> -> memref<1x8x96xi32, #tpu.memory_space<hbm>>
            %dma_start3A_322 = tpu.memref_squeeze %dma_start3A_321 : memref<1x8x96xi32, #tpu.memory_space<hbm>> -> memref<8x96xi32, #tpu.memory_space<hbm>>
            tpu.enqueue_dma source(%dma_start3A_322 : memref<8x96xi32, #tpu.memory_space<hbm>>) target(%dma_start3A_319 : memref<8x96xi32, #tpu.memory_space<vmem>>) target_semaphore(%arg11 : memref<!tpu.dma_semaphore, #tpu.memory_space<semaphore_mem>>)
          } else {
          }
        } else {
        }
        %div3A_226 = arith.constant 8 : i32
        %div3A_227 = arith.divsi %add3A_219, %div3A_226 : i32
        %rem3A_228 = arith.constant 3 : i32
        %rem3A_229 = arith.remsi %div3A_227, %rem3A_228 : i32
        %rem3A_230 = arith.constant 8 : i32
        %rem3A_231 = arith.remsi %add3A_219, %rem3A_230 : i32
        %rem3A_232 = arith.constant 3 : i32
        %rem3A_233 = arith.remsi %add3A_219, %rem3A_232 : i32
        %dma_start3A_234 = arith.constant 0 : i32
        %dma_start3A_235 = arith.constant 0 : i32
        %dma_start3A_236 = tpu.memref_slice %arg9[%rem3A_233, %dma_start3A_234, %dma_start3A_235] : memref<3x96x128xf32, #tpu.memory_space<vmem>> -> memref<1x96x128xf32, #tpu.memory_space<vmem>>
        %dma_start3A_237 = tpu.memref_squeeze %dma_start3A_236 : memref<1x96x128xf32, #tpu.memory_space<vmem>> -> memref<96x128xf32, #tpu.memory_space<vmem>>
        %dma_start3A_238 = arith.constant 0 : i32
        %dma_start3A_239 = tpu.memref_slice %arg7[%rem3A_229, %rem3A_231, %dma_start3A_238] : memref<3x8x96xi32, #tpu.memory_space<vmem>> -> memref<1x1x96xi32, #tpu.memory_space<vmem>>
        %dma_start3A_240 = tpu.memref_squeeze %dma_start3A_239 : memref<1x1x96xi32, #tpu.memory_space<vmem>> -> memref<96xi32, #tpu.memory_space<vmem>>
        %dma_start3A_241 = arith.constant 0 : i32
        %dma_start3A_242 = arith.constant 0 : i32
        %dma_start3A_243 = tpu.memref_slice %arg2[%dma_start3A_241, %dma_start3A_242] : memref<10240x128xf32, #tpu.memory_space<hbm>> -> memref<10240x128xf32, #tpu.memory_space<hbm>>
        tpu.enqueue_indirect_dma source(%dma_start3A_243 : memref<10240x128xf32, #tpu.memory_space<hbm>>) target(%dma_start3A_237 : memref<96x128xf32, #tpu.memory_space<vmem>>) offsets(%dma_start3A_240 : memref<96xi32, #tpu.memory_space<vmem>>) semaphore(%arg12 : memref<!tpu.dma_semaphore, #tpu.memory_space<semaphore_mem>>)
      } else {
      }
    }
    %scan3A_150 = arith.constant 112 : i32
    %div3A_151 = arith.constant 111 : i32
    %div3A_152 = arith.constant 8 : i32
    %div3A_153 = arith.divsi %div3A_151, %div3A_152 : i32
    %rem3A_154 = arith.constant 3 : i32
    %rem3A_155 = arith.remsi %div3A_153, %rem3A_154 : i32
    %rem3A_156 = arith.constant 111 : i32
    %rem3A_157 = arith.constant 8 : i32
    %rem3A_158 = arith.remsi %rem3A_156, %rem3A_157 : i32
    %rem3A_159 = arith.constant 111 : i32
    %rem3A_160 = arith.constant 3 : i32
    %rem3A_161 = arith.remsi %rem3A_159, %rem3A_160 : i32
    %dma_wait3A_162 = arith.constant 0 : i32
    %dma_wait3A_163 = arith.constant 0 : i32
    %dma_wait3A_164 = tpu.memref_slice %arg9[%rem3A_161, %dma_wait3A_162, %dma_wait3A_163] : memref<3x96x128xf32, #tpu.memory_space<vmem>> -> memref<1x96x128xf32, #tpu.memory_space<vmem>>
    %dma_wait3A_165 = tpu.memref_squeeze %dma_wait3A_164 : memref<1x96x128xf32, #tpu.memory_space<vmem>> -> memref<96x128xf32, #tpu.memory_space<vmem>>
    %dma_wait3A_166 = arith.constant 0 : i32
    %dma_wait3A_167 = tpu.memref_slice %arg8[%rem3A_155, %rem3A_158, %dma_wait3A_166] : memref<3x8x96xi32, #tpu.memory_space<vmem>> -> memref<1x1x96xi32, #tpu.memory_space<vmem>>
    %dma_wait3A_168 = tpu.memref_squeeze %dma_wait3A_167 : memref<1x1x96xi32, #tpu.memory_space<vmem>> -> memref<96xi32, #tpu.memory_space<vmem>>
    %dma_wait3A_169 = arith.constant 0 : i32
    %dma_wait3A_170 = arith.constant 0 : i32
    %dma_wait3A_171 = tpu.memref_slice %arg10[%dma_wait3A_169, %dma_wait3A_170] : memref<10240x128xf32, #tpu.memory_space<vmem_shared>> -> memref<10240x128xf32, #tpu.memory_space<vmem_shared>>
    tpu.wait_indirect_dma semaphore(%arg13 : memref<!tpu.dma_semaphore, #tpu.memory_space<semaphore_mem>>) src(%dma_wait3A_165 : memref<96x128xf32, #tpu.memory_space<vmem>>) dst(%dma_wait3A_171 : memref<10240x128xf32, #tpu.memory_space<vmem_shared>>)
    %barrier3A_172 = arith.constant 0 : index
    tpu.barrier barrier_id(%barrier3A_172)
    "tpu.region"() ({
      %run_scoped3A = tpu.sem_alloc : memref<!tpu.dma_semaphore, #tpu.memory_space<semaphore_mem>>
      %dma_start3A_173 = arith.constant 0 : i32
      %dma_start3A_174 = tpu.memref_slice %arg6[%arg0, %multiple_of3A, %dma_start3A_173] : memref<2x10240x128xf32, #tpu.memory_space<hbm>> -> memref<1x640x128xf32, #tpu.memory_space<hbm>>
      %dma_start3A_175 = tpu.memref_squeeze %dma_start3A_174 : memref<1x640x128xf32, #tpu.memory_space<hbm>> -> memref<640x128xf32, #tpu.memory_space<hbm>>
      %dma_start3A_176 = arith.constant 0 : i32
      %dma_start3A_177 = tpu.memref_slice %arg10[%multiple_of3A, %dma_start3A_176] : memref<10240x128xf32, #tpu.memory_space<vmem_shared>> -> memref<640x128xf32, #tpu.memory_space<vmem_shared>>
      tpu.enqueue_dma source(%dma_start3A_177 : memref<640x128xf32, #tpu.memory_space<vmem_shared>>) target(%dma_start3A_175 : memref<640x128xf32, #tpu.memory_space<hbm>>) target_semaphore(%run_scoped3A : memref<!tpu.dma_semaphore, #tpu.memory_space<semaphore_mem>>)
      %dma_wait3A_178 = arith.constant 0 : i32
      %dma_wait3A_179 = tpu.memref_slice %arg6[%arg0, %multiple_of3A, %dma_wait3A_178] : memref<2x10240x128xf32, #tpu.memory_space<hbm>> -> memref<1x640x128xf32, #tpu.memory_space<hbm>>
      %dma_wait3A_180 = tpu.memref_squeeze %dma_wait3A_179 : memref<1x640x128xf32, #tpu.memory_space<hbm>> -> memref<640x128xf32, #tpu.memory_space<hbm>>
      %dma_wait3A_181 = arith.constant 0 : i32
      %dma_wait3A_182 = tpu.memref_slice %arg10[%multiple_of3A, %dma_wait3A_181] : memref<10240x128xf32, #tpu.memory_space<vmem_shared>> -> memref<640x128xf32, #tpu.memory_space<vmem_shared>>
      tpu.wait_dma2 semaphore(%run_scoped3A : memref<!tpu.dma_semaphore, #tpu.memory_space<semaphore_mem>>) src(%dma_wait3A_182 : memref<640x128xf32, #tpu.memory_space<vmem_shared>>) dst(%dma_wait3A_180 : memref<640x128xf32, #tpu.memory_space<hbm>>)
      tpu.yield
    }) : () -> ()
    return
  }
}

#map = affine_map<(d0, d1) -> (0, 0)>
#map1 = affine_map<(d0, d1) -> (0, 0, 0)>
module attributes {stable_mosaic.version = 14 : i64} {
  func.func @_sc_edge_pass(%arg0: i32, %arg1: i32, %arg2: memref<10240x128xf32, #tpu.memory_space<hbm>>, %arg3: memref<32x112x96xi32, #tpu.memory_space<hbm>>, %arg4: memref<32x112x96xi32, #tpu.memory_space<hbm>>, %arg5: memref<10240x128xf32, #tpu.memory_space<hbm>>, %arg6: memref<2x10240x128xf32, #tpu.memory_space<hbm>>, %arg7: memref<3x8x96xi32, #tpu.memory_space<vmem>>, %arg8: memref<3x8x96xi32, #tpu.memory_space<vmem>>, %arg9: memref<3x96x128xf32, #tpu.memory_space<vmem>>, %arg10: memref<10240x128xf32, #tpu.memory_space<vmem_shared>>, %arg11: memref<!tpu.dma_semaphore, #tpu.memory_space<semaphore_mem>>, %arg12: memref<!tpu.dma_semaphore, #tpu.memory_space<semaphore_mem>>, %arg13: memref<!tpu.dma_semaphore, #tpu.memory_space<semaphore_mem>>) attributes {dimension_semantics = [#tpu.dimension_semantics<core_parallel>, #tpu.dimension_semantics<subcore_parallel>], iteration_bounds = array<i64: 2, 16>, scalar_prefetch = 0 : i64, scratch_operands = 7 : i64, tpu.core_type = #tpu.core_type<sc_vector_subcore>, window_params = [{transform_indices = #map}, {transform_indices = #map1}, {transform_indices = #map1}, {transform_indices = #map}, {transform_indices = #map1}]} {
    %mul3A = arith.constant 2 : i32
    %mul3A_0 = arith.muli %arg1, %mul3A : i32
    %add3A = arith.addi %mul3A_0, %arg0 : i32
    %mul3A_1 = arith.constant 640 : i32
    %mul3A_2 = arith.muli %arg1, %mul3A_1 : i32
    %multiple_of3A = tpu.assume_multiple %mul3A_2, 8 : i32
    "tpu.region"() ({
      %run_scoped3A = tpu.sem_alloc : memref<!tpu.dma_semaphore, #tpu.memory_space<semaphore_mem>>
      %dma_start3A_173 = arith.constant 0 : i32
      %dma_start3A_174 = tpu.memref_slice %arg10[%multiple_of3A, %dma_start3A_173] : memref<10240x128xf32, #tpu.memory_space<vmem_shared>> -> memref<640x128xf32, #tpu.memory_space<vmem_shared>>
      %dma_start3A_175 = arith.constant 0 : i32
      %dma_start3A_176 = tpu.memref_slice %arg5[%multiple_of3A, %dma_start3A_175] : memref<10240x128xf32, #tpu.memory_space<hbm>> -> memref<640x128xf32, #tpu.memory_space<hbm>>
      tpu.enqueue_dma source(%dma_start3A_176 : memref<640x128xf32, #tpu.memory_space<hbm>>) target(%dma_start3A_174 : memref<640x128xf32, #tpu.memory_space<vmem_shared>>) target_semaphore(%run_scoped3A : memref<!tpu.dma_semaphore, #tpu.memory_space<semaphore_mem>>)
      %dma_wait3A_177 = arith.constant 0 : i32
      %dma_wait3A_178 = tpu.memref_slice %arg10[%multiple_of3A, %dma_wait3A_177] : memref<10240x128xf32, #tpu.memory_space<vmem_shared>> -> memref<640x128xf32, #tpu.memory_space<vmem_shared>>
      %dma_wait3A_179 = arith.constant 0 : i32
      %dma_wait3A_180 = tpu.memref_slice %arg5[%multiple_of3A, %dma_wait3A_179] : memref<10240x128xf32, #tpu.memory_space<hbm>> -> memref<640x128xf32, #tpu.memory_space<hbm>>
      tpu.wait_dma2 semaphore(%run_scoped3A : memref<!tpu.dma_semaphore, #tpu.memory_space<semaphore_mem>>) src(%dma_wait3A_180 : memref<640x128xf32, #tpu.memory_space<hbm>>) dst(%dma_wait3A_178 : memref<640x128xf32, #tpu.memory_space<vmem_shared>>)
      tpu.yield
    }) : () -> ()
    %rem3A = arith.constant 0 : i32
    %rem3A_3 = arith.constant 3 : i32
    %rem3A_4 = arith.remsi %rem3A, %rem3A_3 : i32
    %dma_start3A = arith.constant 0 : i32
    %dma_start3A_5 = arith.constant 0 : i32
    %dma_start3A_6 = tpu.memref_slice %arg7[%rem3A_4, %dma_start3A, %dma_start3A_5] : memref<3x8x96xi32, #tpu.memory_space<vmem>> -> memref<1x8x96xi32, #tpu.memory_space<vmem>>
    %dma_start3A_7 = tpu.memref_squeeze %dma_start3A_6 : memref<1x8x96xi32, #tpu.memory_space<vmem>> -> memref<8x96xi32, #tpu.memory_space<vmem>>
    %dma_start3A_8 = arith.constant 0 : i32
    %dma_start3A_9 = arith.constant 0 : i32
    %dma_start3A_10 = tpu.memref_slice %arg3[%add3A, %dma_start3A_8, %dma_start3A_9] : memref<32x112x96xi32, #tpu.memory_space<hbm>> -> memref<1x8x96xi32, #tpu.memory_space<hbm>>
    %dma_start3A_11 = tpu.memref_squeeze %dma_start3A_10 : memref<1x8x96xi32, #tpu.memory_space<hbm>> -> memref<8x96xi32, #tpu.memory_space<hbm>>
    %dma_start3A_12 = arith.constant 0 : i32
    %dma_start3A_13 = arith.constant 0 : i32
    %dma_start3A_14 = tpu.memref_slice %arg7[%rem3A_4, %dma_start3A_12, %dma_start3A_13] : memref<3x8x96xi32, #tpu.memory_space<vmem>> -> memref<1x8x96xi32, #tpu.memory_space<vmem>>
    %dma_start3A_15 = tpu.memref_squeeze %dma_start3A_14 : memref<1x8x96xi32, #tpu.memory_space<vmem>> -> memref<8x96xi32, #tpu.memory_space<vmem>>
    %dma_start3A_16 = arith.constant 0 : i32
    %dma_start3A_17 = arith.constant 0 : i32
    %dma_start3A_18 = tpu.memref_slice %arg3[%add3A, %dma_start3A_16, %dma_start3A_17] : memref<32x112x96xi32, #tpu.memory_space<hbm>> -> memref<1x8x96xi32, #tpu.memory_space<hbm>>
    %dma_start3A_19 = tpu.memref_squeeze %dma_start3A_18 : memref<1x8x96xi32, #tpu.memory_space<hbm>> -> memref<8x96xi32, #tpu.memory_space<hbm>>
    tpu.enqueue_dma source(%dma_start3A_19 : memref<8x96xi32, #tpu.memory_space<hbm>>) target(%dma_start3A_15 : memref<8x96xi32, #tpu.memory_space<vmem>>) target_semaphore(%arg11 : memref<!tpu.dma_semaphore, #tpu.memory_space<semaphore_mem>>)
    %dma_start3A_20 = arith.constant 0 : i32
    %dma_start3A_21 = arith.constant 0 : i32
    %dma_start3A_22 = tpu.memref_slice %arg8[%rem3A_4, %dma_start3A_20, %dma_start3A_21] : memref<3x8x96xi32, #tpu.memory_space<vmem>> -> memref<1x8x96xi32, #tpu.memory_space<vmem>>
    %dma_start3A_23 = tpu.memref_squeeze %dma_start3A_22 : memref<1x8x96xi32, #tpu.memory_space<vmem>> -> memref<8x96xi32, #tpu.memory_space<vmem>>
    %dma_start3A_24 = arith.constant 0 : i32
    %dma_start3A_25 = arith.constant 0 : i32
    %dma_start3A_26 = tpu.memref_slice %arg4[%add3A, %dma_start3A_24, %dma_start3A_25] : memref<32x112x96xi32, #tpu.memory_space<hbm>> -> memref<1x8x96xi32, #tpu.memory_space<hbm>>
    %dma_start3A_27 = tpu.memref_squeeze %dma_start3A_26 : memref<1x8x96xi32, #tpu.memory_space<hbm>> -> memref<8x96xi32, #tpu.memory_space<hbm>>
    %dma_start3A_28 = arith.constant 0 : i32
    %dma_start3A_29 = arith.constant 0 : i32
    %dma_start3A_30 = tpu.memref_slice %arg8[%rem3A_4, %dma_start3A_28, %dma_start3A_29] : memref<3x8x96xi32, #tpu.memory_space<vmem>> -> memref<1x8x96xi32, #tpu.memory_space<vmem>>
    %dma_start3A_31 = tpu.memref_squeeze %dma_start3A_30 : memref<1x8x96xi32, #tpu.memory_space<vmem>> -> memref<8x96xi32, #tpu.memory_space<vmem>>
    %dma_start3A_32 = arith.constant 0 : i32
    %dma_start3A_33 = arith.constant 0 : i32
    %dma_start3A_34 = tpu.memref_slice %arg4[%add3A, %dma_start3A_32, %dma_start3A_33] : memref<32x112x96xi32, #tpu.memory_space<hbm>> -> memref<1x8x96xi32, #tpu.memory_space<hbm>>
    %dma_start3A_35 = tpu.memref_squeeze %dma_start3A_34 : memref<1x8x96xi32, #tpu.memory_space<hbm>> -> memref<8x96xi32, #tpu.memory_space<hbm>>
    tpu.enqueue_dma source(%dma_start3A_35 : memref<8x96xi32, #tpu.memory_space<hbm>>) target(%dma_start3A_31 : memref<8x96xi32, #tpu.memory_space<vmem>>) target_semaphore(%arg11 : memref<!tpu.dma_semaphore, #tpu.memory_space<semaphore_mem>>)
    %rem3A_36 = arith.constant 0 : i32
    %rem3A_37 = arith.constant 3 : i32
    %rem3A_38 = arith.remsi %rem3A_36, %rem3A_37 : i32
    %dma_wait3A = arith.constant 0 : i32
    %dma_wait3A_39 = arith.constant 0 : i32
    %dma_wait3A_40 = tpu.memref_slice %arg7[%rem3A_38, %dma_wait3A, %dma_wait3A_39] : memref<3x8x96xi32, #tpu.memory_space<vmem>> -> memref<1x8x96xi32, #tpu.memory_space<vmem>>
    %dma_wait3A_41 = tpu.memref_squeeze %dma_wait3A_40 : memref<1x8x96xi32, #tpu.memory_space<vmem>> -> memref<8x96xi32, #tpu.memory_space<vmem>>
    %dma_wait3A_42 = arith.constant 0 : i32
    %dma_wait3A_43 = arith.constant 0 : i32
    %dma_wait3A_44 = tpu.memref_slice %arg3[%add3A, %dma_wait3A_42, %dma_wait3A_43] : memref<32x112x96xi32, #tpu.memory_space<hbm>> -> memref<1x8x96xi32, #tpu.memory_space<hbm>>
    %dma_wait3A_45 = tpu.memref_squeeze %dma_wait3A_44 : memref<1x8x96xi32, #tpu.memory_space<hbm>> -> memref<8x96xi32, #tpu.memory_space<hbm>>
    %dma_wait3A_46 = arith.constant 0 : i32
    %dma_wait3A_47 = arith.constant 0 : i32
    %dma_wait3A_48 = tpu.memref_slice %arg7[%rem3A_38, %dma_wait3A_46, %dma_wait3A_47] : memref<3x8x96xi32, #tpu.memory_space<vmem>> -> memref<1x8x96xi32, #tpu.memory_space<vmem>>
    %dma_wait3A_49 = tpu.memref_squeeze %dma_wait3A_48 : memref<1x8x96xi32, #tpu.memory_space<vmem>> -> memref<8x96xi32, #tpu.memory_space<vmem>>
    %dma_wait3A_50 = arith.constant 0 : i32
    %dma_wait3A_51 = arith.constant 0 : i32
    %dma_wait3A_52 = tpu.memref_slice %arg3[%add3A, %dma_wait3A_50, %dma_wait3A_51] : memref<32x112x96xi32, #tpu.memory_space<hbm>> -> memref<1x8x96xi32, #tpu.memory_space<hbm>>
    %dma_wait3A_53 = tpu.memref_squeeze %dma_wait3A_52 : memref<1x8x96xi32, #tpu.memory_space<hbm>> -> memref<8x96xi32, #tpu.memory_space<hbm>>
    tpu.wait_dma2 semaphore(%arg11 : memref<!tpu.dma_semaphore, #tpu.memory_space<semaphore_mem>>) src(%dma_wait3A_53 : memref<8x96xi32, #tpu.memory_space<hbm>>) dst(%dma_wait3A_49 : memref<8x96xi32, #tpu.memory_space<vmem>>)
    %dma_wait3A_54 = arith.constant 0 : i32
    %dma_wait3A_55 = arith.constant 0 : i32
    %dma_wait3A_56 = tpu.memref_slice %arg8[%rem3A_38, %dma_wait3A_54, %dma_wait3A_55] : memref<3x8x96xi32, #tpu.memory_space<vmem>> -> memref<1x8x96xi32, #tpu.memory_space<vmem>>
    %dma_wait3A_57 = tpu.memref_squeeze %dma_wait3A_56 : memref<1x8x96xi32, #tpu.memory_space<vmem>> -> memref<8x96xi32, #tpu.memory_space<vmem>>
    %dma_wait3A_58 = arith.constant 0 : i32
    %dma_wait3A_59 = arith.constant 0 : i32
    %dma_wait3A_60 = tpu.memref_slice %arg4[%add3A, %dma_wait3A_58, %dma_wait3A_59] : memref<32x112x96xi32, #tpu.memory_space<hbm>> -> memref<1x8x96xi32, #tpu.memory_space<hbm>>
    %dma_wait3A_61 = tpu.memref_squeeze %dma_wait3A_60 : memref<1x8x96xi32, #tpu.memory_space<hbm>> -> memref<8x96xi32, #tpu.memory_space<hbm>>
    %dma_wait3A_62 = arith.constant 0 : i32
    %dma_wait3A_63 = arith.constant 0 : i32
    %dma_wait3A_64 = tpu.memref_slice %arg8[%rem3A_38, %dma_wait3A_62, %dma_wait3A_63] : memref<3x8x96xi32, #tpu.memory_space<vmem>> -> memref<1x8x96xi32, #tpu.memory_space<vmem>>
    %dma_wait3A_65 = tpu.memref_squeeze %dma_wait3A_64 : memref<1x8x96xi32, #tpu.memory_space<vmem>> -> memref<8x96xi32, #tpu.memory_space<vmem>>
    %dma_wait3A_66 = arith.constant 0 : i32
    %dma_wait3A_67 = arith.constant 0 : i32
    %dma_wait3A_68 = tpu.memref_slice %arg4[%add3A, %dma_wait3A_66, %dma_wait3A_67] : memref<32x112x96xi32, #tpu.memory_space<hbm>> -> memref<1x8x96xi32, #tpu.memory_space<hbm>>
    %dma_wait3A_69 = tpu.memref_squeeze %dma_wait3A_68 : memref<1x8x96xi32, #tpu.memory_space<hbm>> -> memref<8x96xi32, #tpu.memory_space<hbm>>
    tpu.wait_dma2 semaphore(%arg11 : memref<!tpu.dma_semaphore, #tpu.memory_space<semaphore_mem>>) src(%dma_wait3A_69 : memref<8x96xi32, #tpu.memory_space<hbm>>) dst(%dma_wait3A_65 : memref<8x96xi32, #tpu.memory_space<vmem>>)
    %rem3A_70 = arith.constant 1 : i32
    %rem3A_71 = arith.constant 3 : i32
    %rem3A_72 = arith.remsi %rem3A_70, %rem3A_71 : i32
    %dma_start3A_73 = arith.constant 0 : i32
    %dma_start3A_74 = arith.constant 0 : i32
    %dma_start3A_75 = tpu.memref_slice %arg7[%rem3A_72, %dma_start3A_73, %dma_start3A_74] : memref<3x8x96xi32, #tpu.memory_space<vmem>> -> memref<1x8x96xi32, #tpu.memory_space<vmem>>
    %dma_start3A_76 = tpu.memref_squeeze %dma_start3A_75 : memref<1x8x96xi32, #tpu.memory_space<vmem>> -> memref<8x96xi32, #tpu.memory_space<vmem>>
    %dma_start3A_77 = arith.constant 8 : i32
    %dma_start3A_78 = arith.constant 0 : i32
    %dma_start3A_79 = tpu.memref_slice %arg3[%add3A, %dma_start3A_77, %dma_start3A_78] : memref<32x112x96xi32, #tpu.memory_space<hbm>> -> memref<1x8x96xi32, #tpu.memory_space<hbm>>
    %dma_start3A_80 = tpu.memref_squeeze %dma_start3A_79 : memref<1x8x96xi32, #tpu.memory_space<hbm>> -> memref<8x96xi32, #tpu.memory_space<hbm>>
    %dma_start3A_81 = arith.constant 0 : i32
    %dma_start3A_82 = arith.constant 0 : i32
    %dma_start3A_83 = tpu.memref_slice %arg7[%rem3A_72, %dma_start3A_81, %dma_start3A_82] : memref<3x8x96xi32, #tpu.memory_space<vmem>> -> memref<1x8x96xi32, #tpu.memory_space<vmem>>
    %dma_start3A_84 = tpu.memref_squeeze %dma_start3A_83 : memref<1x8x96xi32, #tpu.memory_space<vmem>> -> memref<8x96xi32, #tpu.memory_space<vmem>>
    %dma_start3A_85 = arith.constant 8 : i32
    %dma_start3A_86 = arith.constant 0 : i32
    %dma_start3A_87 = tpu.memref_slice %arg3[%add3A, %dma_start3A_85, %dma_start3A_86] : memref<32x112x96xi32, #tpu.memory_space<hbm>> -> memref<1x8x96xi32, #tpu.memory_space<hbm>>
    %dma_start3A_88 = tpu.memref_squeeze %dma_start3A_87 : memref<1x8x96xi32, #tpu.memory_space<hbm>> -> memref<8x96xi32, #tpu.memory_space<hbm>>
    tpu.enqueue_dma source(%dma_start3A_88 : memref<8x96xi32, #tpu.memory_space<hbm>>) target(%dma_start3A_84 : memref<8x96xi32, #tpu.memory_space<vmem>>) target_semaphore(%arg11 : memref<!tpu.dma_semaphore, #tpu.memory_space<semaphore_mem>>)
    %dma_start3A_89 = arith.constant 0 : i32
    %dma_start3A_90 = arith.constant 0 : i32
    %dma_start3A_91 = tpu.memref_slice %arg8[%rem3A_72, %dma_start3A_89, %dma_start3A_90] : memref<3x8x96xi32, #tpu.memory_space<vmem>> -> memref<1x8x96xi32, #tpu.memory_space<vmem>>
    %dma_start3A_92 = tpu.memref_squeeze %dma_start3A_91 : memref<1x8x96xi32, #tpu.memory_space<vmem>> -> memref<8x96xi32, #tpu.memory_space<vmem>>
    %dma_start3A_93 = arith.constant 8 : i32
    %dma_start3A_94 = arith.constant 0 : i32
    %dma_start3A_95 = tpu.memref_slice %arg4[%add3A, %dma_start3A_93, %dma_start3A_94] : memref<32x112x96xi32, #tpu.memory_space<hbm>> -> memref<1x8x96xi32, #tpu.memory_space<hbm>>
    %dma_start3A_96 = tpu.memref_squeeze %dma_start3A_95 : memref<1x8x96xi32, #tpu.memory_space<hbm>> -> memref<8x96xi32, #tpu.memory_space<hbm>>
    %dma_start3A_97 = arith.constant 0 : i32
    %dma_start3A_98 = arith.constant 0 : i32
    %dma_start3A_99 = tpu.memref_slice %arg8[%rem3A_72, %dma_start3A_97, %dma_start3A_98] : memref<3x8x96xi32, #tpu.memory_space<vmem>> -> memref<1x8x96xi32, #tpu.memory_space<vmem>>
    %dma_start3A_100 = tpu.memref_squeeze %dma_start3A_99 : memref<1x8x96xi32, #tpu.memory_space<vmem>> -> memref<8x96xi32, #tpu.memory_space<vmem>>
    %dma_start3A_101 = arith.constant 8 : i32
    %dma_start3A_102 = arith.constant 0 : i32
    %dma_start3A_103 = tpu.memref_slice %arg4[%add3A, %dma_start3A_101, %dma_start3A_102] : memref<32x112x96xi32, #tpu.memory_space<hbm>> -> memref<1x8x96xi32, #tpu.memory_space<hbm>>
    %dma_start3A_104 = tpu.memref_squeeze %dma_start3A_103 : memref<1x8x96xi32, #tpu.memory_space<hbm>> -> memref<8x96xi32, #tpu.memory_space<hbm>>
    tpu.enqueue_dma source(%dma_start3A_104 : memref<8x96xi32, #tpu.memory_space<hbm>>) target(%dma_start3A_100 : memref<8x96xi32, #tpu.memory_space<vmem>>) target_semaphore(%arg11 : memref<!tpu.dma_semaphore, #tpu.memory_space<semaphore_mem>>)
    %div3A = arith.constant 0 : i32
    %div3A_105 = arith.constant 8 : i32
    %div3A_106 = arith.divsi %div3A, %div3A_105 : i32
    %rem3A_107 = arith.constant 3 : i32
    %rem3A_108 = arith.remsi %div3A_106, %rem3A_107 : i32
    %rem3A_109 = arith.constant 0 : i32
    %rem3A_110 = arith.constant 8 : i32
    %rem3A_111 = arith.remsi %rem3A_109, %rem3A_110 : i32
    %rem3A_112 = arith.constant 0 : i32
    %rem3A_113 = arith.constant 3 : i32
    %rem3A_114 = arith.remsi %rem3A_112, %rem3A_113 : i32
    %dma_start3A_115 = arith.constant 0 : i32
    %dma_start3A_116 = arith.constant 0 : i32
    %dma_start3A_117 = tpu.memref_slice %arg9[%rem3A_114, %dma_start3A_115, %dma_start3A_116] : memref<3x96x128xf32, #tpu.memory_space<vmem>> -> memref<1x96x128xf32, #tpu.memory_space<vmem>>
    %dma_start3A_118 = tpu.memref_squeeze %dma_start3A_117 : memref<1x96x128xf32, #tpu.memory_space<vmem>> -> memref<96x128xf32, #tpu.memory_space<vmem>>
    %dma_start3A_119 = arith.constant 0 : i32
    %dma_start3A_120 = tpu.memref_slice %arg7[%rem3A_108, %rem3A_111, %dma_start3A_119] : memref<3x8x96xi32, #tpu.memory_space<vmem>> -> memref<1x1x96xi32, #tpu.memory_space<vmem>>
    %dma_start3A_121 = tpu.memref_squeeze %dma_start3A_120 : memref<1x1x96xi32, #tpu.memory_space<vmem>> -> memref<96xi32, #tpu.memory_space<vmem>>
    %dma_start3A_122 = arith.constant 0 : i32
    %dma_start3A_123 = arith.constant 0 : i32
    %dma_start3A_124 = tpu.memref_slice %arg2[%dma_start3A_122, %dma_start3A_123] : memref<10240x128xf32, #tpu.memory_space<hbm>> -> memref<10240x128xf32, #tpu.memory_space<hbm>>
    tpu.enqueue_indirect_dma source(%dma_start3A_124 : memref<10240x128xf32, #tpu.memory_space<hbm>>) target(%dma_start3A_118 : memref<96x128xf32, #tpu.memory_space<vmem>>) offsets(%dma_start3A_121 : memref<96xi32, #tpu.memory_space<vmem>>) semaphore(%arg12 : memref<!tpu.dma_semaphore, #tpu.memory_space<semaphore_mem>>)
    %div3A_125 = arith.constant 1 : i32
    %div3A_126 = arith.constant 8 : i32
    %div3A_127 = arith.divsi %div3A_125, %div3A_126 : i32
    %rem3A_128 = arith.constant 3 : i32
    %rem3A_129 = arith.remsi %div3A_127, %rem3A_128 : i32
    %rem3A_130 = arith.constant 1 : i32
    %rem3A_131 = arith.constant 8 : i32
    %rem3A_132 = arith.remsi %rem3A_130, %rem3A_131 : i32
    %rem3A_133 = arith.constant 1 : i32
    %rem3A_134 = arith.constant 3 : i32
    %rem3A_135 = arith.remsi %rem3A_133, %rem3A_134 : i32
    %dma_start3A_136 = arith.constant 0 : i32
    %dma_start3A_137 = arith.constant 0 : i32
    %dma_start3A_138 = tpu.memref_slice %arg9[%rem3A_135, %dma_start3A_136, %dma_start3A_137] : memref<3x96x128xf32, #tpu.memory_space<vmem>> -> memref<1x96x128xf32, #tpu.memory_space<vmem>>
    %dma_start3A_139 = tpu.memref_squeeze %dma_start3A_138 : memref<1x96x128xf32, #tpu.memory_space<vmem>> -> memref<96x128xf32, #tpu.memory_space<vmem>>
    %dma_start3A_140 = arith.constant 0 : i32
    %dma_start3A_141 = tpu.memref_slice %arg7[%rem3A_129, %rem3A_132, %dma_start3A_140] : memref<3x8x96xi32, #tpu.memory_space<vmem>> -> memref<1x1x96xi32, #tpu.memory_space<vmem>>
    %dma_start3A_142 = tpu.memref_squeeze %dma_start3A_141 : memref<1x1x96xi32, #tpu.memory_space<vmem>> -> memref<96xi32, #tpu.memory_space<vmem>>
    %dma_start3A_143 = arith.constant 0 : i32
    %dma_start3A_144 = arith.constant 0 : i32
    %dma_start3A_145 = tpu.memref_slice %arg2[%dma_start3A_143, %dma_start3A_144] : memref<10240x128xf32, #tpu.memory_space<hbm>> -> memref<10240x128xf32, #tpu.memory_space<hbm>>
    tpu.enqueue_indirect_dma source(%dma_start3A_145 : memref<10240x128xf32, #tpu.memory_space<hbm>>) target(%dma_start3A_139 : memref<96x128xf32, #tpu.memory_space<vmem>>) offsets(%dma_start3A_142 : memref<96xi32, #tpu.memory_space<vmem>>) semaphore(%arg12 : memref<!tpu.dma_semaphore, #tpu.memory_space<semaphore_mem>>)
    %barrier3A = arith.constant 0 : index
    tpu.barrier barrier_id(%barrier3A)
    %scan3A = arith.constant 0 : i32
    %scan3A_146 = arith.constant 0 : i32
    %scan3A_147 = arith.constant 112 : i32
    %scan3A_148 = arith.addi %scan3A_146, %scan3A_147 : i32
    %scan3A_149 = arith.constant 1 : i32
    scf.for %scan3A_173 = %scan3A_146 to %scan3A_148 step %scan3A_149  : i32 {
      %div3A_174 = arith.constant 8 : i32
      %div3A_175 = arith.divsi %scan3A_173, %div3A_174 : i32
      %rem3A_176 = arith.constant 3 : i32
      %rem3A_177 = arith.remsi %div3A_175, %rem3A_176 : i32
      %rem3A_178 = arith.constant 8 : i32
      %rem3A_179 = arith.remsi %scan3A_173, %rem3A_178 : i32
      %rem3A_180 = arith.constant 3 : i32
      %rem3A_181 = arith.remsi %scan3A_173, %rem3A_180 : i32
      %dma_wait3A_182 = arith.constant 0 : i32
      %dma_wait3A_183 = arith.constant 0 : i32
      %dma_wait3A_184 = tpu.memref_slice %arg9[%rem3A_181, %dma_wait3A_182, %dma_wait3A_183] : memref<3x96x128xf32, #tpu.memory_space<vmem>> -> memref<1x96x128xf32, #tpu.memory_space<vmem>>
      %dma_wait3A_185 = tpu.memref_squeeze %dma_wait3A_184 : memref<1x96x128xf32, #tpu.memory_space<vmem>> -> memref<96x128xf32, #tpu.memory_space<vmem>>
      %dma_wait3A_186 = arith.constant 0 : i32
      %dma_wait3A_187 = tpu.memref_slice %arg7[%rem3A_177, %rem3A_179, %dma_wait3A_186] : memref<3x8x96xi32, #tpu.memory_space<vmem>> -> memref<1x1x96xi32, #tpu.memory_space<vmem>>
      %dma_wait3A_188 = tpu.memref_squeeze %dma_wait3A_187 : memref<1x1x96xi32, #tpu.memory_space<vmem>> -> memref<96xi32, #tpu.memory_space<vmem>>
      %dma_wait3A_189 = arith.constant 0 : i32
      %dma_wait3A_190 = arith.constant 0 : i32
      %dma_wait3A_191 = tpu.memref_slice %arg2[%dma_wait3A_189, %dma_wait3A_190] : memref<10240x128xf32, #tpu.memory_space<hbm>> -> memref<10240x128xf32, #tpu.memory_space<hbm>>
      tpu.wait_indirect_dma semaphore(%arg12 : memref<!tpu.dma_semaphore, #tpu.memory_space<semaphore_mem>>) src(%dma_wait3A_191 : memref<10240x128xf32, #tpu.memory_space<hbm>>) dst(%dma_wait3A_185 : memref<96x128xf32, #tpu.memory_space<vmem>>)
      %div3A_192 = arith.constant 8 : i32
      %div3A_193 = arith.divsi %scan3A_173, %div3A_192 : i32
      %rem3A_194 = arith.constant 3 : i32
      %rem3A_195 = arith.remsi %div3A_193, %rem3A_194 : i32
      %rem3A_196 = arith.constant 8 : i32
      %rem3A_197 = arith.remsi %scan3A_173, %rem3A_196 : i32
      %rem3A_198 = arith.constant 3 : i32
      %rem3A_199 = arith.remsi %scan3A_173, %rem3A_198 : i32
      %dma_start3A_200 = arith.constant 0 : i32
      %dma_start3A_201 = arith.constant 0 : i32
      %dma_start3A_202 = tpu.memref_slice %arg9[%rem3A_199, %dma_start3A_200, %dma_start3A_201] : memref<3x96x128xf32, #tpu.memory_space<vmem>> -> memref<1x96x128xf32, #tpu.memory_space<vmem>>
      %dma_start3A_203 = tpu.memref_squeeze %dma_start3A_202 : memref<1x96x128xf32, #tpu.memory_space<vmem>> -> memref<96x128xf32, #tpu.memory_space<vmem>>
      %dma_start3A_204 = arith.constant 0 : i32
      %dma_start3A_205 = tpu.memref_slice %arg8[%rem3A_195, %rem3A_197, %dma_start3A_204] : memref<3x8x96xi32, #tpu.memory_space<vmem>> -> memref<1x1x96xi32, #tpu.memory_space<vmem>>
      %dma_start3A_206 = tpu.memref_squeeze %dma_start3A_205 : memref<1x1x96xi32, #tpu.memory_space<vmem>> -> memref<96xi32, #tpu.memory_space<vmem>>
      %dma_start3A_207 = arith.constant 0 : i32
      %dma_start3A_208 = arith.constant 0 : i32
      %dma_start3A_209 = tpu.memref_slice %arg10[%dma_start3A_207, %dma_start3A_208] : memref<10240x128xf32, #tpu.memory_space<vmem_shared>> -> memref<10240x128xf32, #tpu.memory_space<vmem_shared>>
      tpu.enqueue_indirect_dma source(%dma_start3A_203 : memref<96x128xf32, #tpu.memory_space<vmem>>) target(%dma_start3A_209 : memref<10240x128xf32, #tpu.memory_space<vmem_shared>>) offsets(%dma_start3A_206 : memref<96xi32, #tpu.memory_space<vmem>>) semaphore(%arg13 : memref<!tpu.dma_semaphore, #tpu.memory_space<semaphore_mem>>) {add = true}
      %ge3A = arith.constant 1 : i32
      %ge3A_210 = arith.cmpi sge, %scan3A_173, %ge3A : i32
      %convert_element_type3A = arith.extui %ge3A_210 : i1 to i32
      %cond3A = arith.constant 0 : i32
      %cond3A_211 = arith.cmpi ne, %convert_element_type3A, %cond3A : i32
      scf.if %cond3A_211 {
        %sub3A = arith.constant 1 : i32
        %sub3A_218 = arith.subi %scan3A_173, %sub3A : i32
        %div3A_219 = arith.constant 8 : i32
        %div3A_220 = arith.divsi %sub3A_218, %div3A_219 : i32
        %rem3A_221 = arith.constant 3 : i32
        %rem3A_222 = arith.remsi %div3A_220, %rem3A_221 : i32
        %rem3A_223 = arith.constant 8 : i32
        %rem3A_224 = arith.remsi %sub3A_218, %rem3A_223 : i32
        %rem3A_225 = arith.constant 3 : i32
        %rem3A_226 = arith.remsi %sub3A_218, %rem3A_225 : i32
        %dma_wait3A_227 = arith.constant 0 : i32
        %dma_wait3A_228 = arith.constant 0 : i32
        %dma_wait3A_229 = tpu.memref_slice %arg9[%rem3A_226, %dma_wait3A_227, %dma_wait3A_228] : memref<3x96x128xf32, #tpu.memory_space<vmem>> -> memref<1x96x128xf32, #tpu.memory_space<vmem>>
        %dma_wait3A_230 = tpu.memref_squeeze %dma_wait3A_229 : memref<1x96x128xf32, #tpu.memory_space<vmem>> -> memref<96x128xf32, #tpu.memory_space<vmem>>
        %dma_wait3A_231 = arith.constant 0 : i32
        %dma_wait3A_232 = tpu.memref_slice %arg8[%rem3A_222, %rem3A_224, %dma_wait3A_231] : memref<3x8x96xi32, #tpu.memory_space<vmem>> -> memref<1x1x96xi32, #tpu.memory_space<vmem>>
        %dma_wait3A_233 = tpu.memref_squeeze %dma_wait3A_232 : memref<1x1x96xi32, #tpu.memory_space<vmem>> -> memref<96xi32, #tpu.memory_space<vmem>>
        %dma_wait3A_234 = arith.constant 0 : i32
        %dma_wait3A_235 = arith.constant 0 : i32
        %dma_wait3A_236 = tpu.memref_slice %arg10[%dma_wait3A_234, %dma_wait3A_235] : memref<10240x128xf32, #tpu.memory_space<vmem_shared>> -> memref<10240x128xf32, #tpu.memory_space<vmem_shared>>
        tpu.wait_indirect_dma semaphore(%arg13 : memref<!tpu.dma_semaphore, #tpu.memory_space<semaphore_mem>>) src(%dma_wait3A_230 : memref<96x128xf32, #tpu.memory_space<vmem>>) dst(%dma_wait3A_236 : memref<10240x128xf32, #tpu.memory_space<vmem_shared>>)
      } else {
      }
      %add3A_212 = arith.constant 2 : i32
      %add3A_213 = arith.addi %scan3A_173, %add3A_212 : i32
      %lt3A = arith.constant 112 : i32
      %lt3A_214 = arith.cmpi slt, %add3A_213, %lt3A : i32
      %convert_element_type3A_215 = arith.extui %lt3A_214 : i1 to i32
      %cond3A_216 = arith.constant 0 : i32
      %cond3A_217 = arith.cmpi ne, %convert_element_type3A_215, %cond3A_216 : i32
      scf.if %cond3A_217 {
        %add3A_218 = arith.constant 2 : i32
        %add3A_219 = arith.addi %scan3A_173, %add3A_218 : i32
        %rem3A_220 = arith.constant 8 : i32
        %rem3A_221 = arith.remsi %add3A_219, %rem3A_220 : i32
        %eq3A = arith.constant 0 : i32
        %eq3A_222 = arith.cmpi eq, %rem3A_221, %eq3A : i32
        %convert_element_type3A_223 = arith.extui %eq3A_222 : i1 to i32
        %cond3A_224 = arith.constant 0 : i32
        %cond3A_225 = arith.cmpi ne, %convert_element_type3A_223, %cond3A_224 : i32
        scf.if %cond3A_225 {
          %div3A_244 = arith.constant 8 : i32
          %div3A_245 = arith.divsi %add3A_219, %div3A_244 : i32
          %rem3A_246 = arith.constant 3 : i32
          %rem3A_247 = arith.remsi %div3A_245, %rem3A_246 : i32
          %mul3A_248 = arith.constant 8 : i32
          %mul3A_249 = arith.muli %div3A_245, %mul3A_248 : i32
          %dma_wait3A_250 = arith.constant 0 : i32
          %dma_wait3A_251 = arith.constant 0 : i32
          %dma_wait3A_252 = tpu.memref_slice %arg7[%rem3A_247, %dma_wait3A_250, %dma_wait3A_251] : memref<3x8x96xi32, #tpu.memory_space<vmem>> -> memref<1x8x96xi32, #tpu.memory_space<vmem>>
          %dma_wait3A_253 = tpu.memref_squeeze %dma_wait3A_252 : memref<1x8x96xi32, #tpu.memory_space<vmem>> -> memref<8x96xi32, #tpu.memory_space<vmem>>
          %dma_wait3A_254 = arith.constant 0 : i32
          %dma_wait3A_255 = tpu.memref_slice %arg3[%add3A, %mul3A_249, %dma_wait3A_254] : memref<32x112x96xi32, #tpu.memory_space<hbm>> -> memref<1x8x96xi32, #tpu.memory_space<hbm>>
          %dma_wait3A_256 = tpu.memref_squeeze %dma_wait3A_255 : memref<1x8x96xi32, #tpu.memory_space<hbm>> -> memref<8x96xi32, #tpu.memory_space<hbm>>
          %dma_wait3A_257 = arith.constant 0 : i32
          %dma_wait3A_258 = arith.constant 0 : i32
          %dma_wait3A_259 = tpu.memref_slice %arg7[%rem3A_247, %dma_wait3A_257, %dma_wait3A_258] : memref<3x8x96xi32, #tpu.memory_space<vmem>> -> memref<1x8x96xi32, #tpu.memory_space<vmem>>
          %dma_wait3A_260 = tpu.memref_squeeze %dma_wait3A_259 : memref<1x8x96xi32, #tpu.memory_space<vmem>> -> memref<8x96xi32, #tpu.memory_space<vmem>>
          %dma_wait3A_261 = arith.constant 0 : i32
          %dma_wait3A_262 = tpu.memref_slice %arg3[%add3A, %mul3A_249, %dma_wait3A_261] : memref<32x112x96xi32, #tpu.memory_space<hbm>> -> memref<1x8x96xi32, #tpu.memory_space<hbm>>
          %dma_wait3A_263 = tpu.memref_squeeze %dma_wait3A_262 : memref<1x8x96xi32, #tpu.memory_space<hbm>> -> memref<8x96xi32, #tpu.memory_space<hbm>>
          tpu.wait_dma2 semaphore(%arg11 : memref<!tpu.dma_semaphore, #tpu.memory_space<semaphore_mem>>) src(%dma_wait3A_263 : memref<8x96xi32, #tpu.memory_space<hbm>>) dst(%dma_wait3A_260 : memref<8x96xi32, #tpu.memory_space<vmem>>)
          %mul3A_264 = arith.constant 8 : i32
          %mul3A_265 = arith.muli %div3A_245, %mul3A_264 : i32
          %dma_wait3A_266 = arith.constant 0 : i32
          %dma_wait3A_267 = arith.constant 0 : i32
          %dma_wait3A_268 = tpu.memref_slice %arg8[%rem3A_247, %dma_wait3A_266, %dma_wait3A_267] : memref<3x8x96xi32, #tpu.memory_space<vmem>> -> memref<1x8x96xi32, #tpu.memory_space<vmem>>
          %dma_wait3A_269 = tpu.memref_squeeze %dma_wait3A_268 : memref<1x8x96xi32, #tpu.memory_space<vmem>> -> memref<8x96xi32, #tpu.memory_space<vmem>>
          %dma_wait3A_270 = arith.constant 0 : i32
          %dma_wait3A_271 = tpu.memref_slice %arg4[%add3A, %mul3A_265, %dma_wait3A_270] : memref<32x112x96xi32, #tpu.memory_space<hbm>> -> memref<1x8x96xi32, #tpu.memory_space<hbm>>
          %dma_wait3A_272 = tpu.memref_squeeze %dma_wait3A_271 : memref<1x8x96xi32, #tpu.memory_space<hbm>> -> memref<8x96xi32, #tpu.memory_space<hbm>>
          %dma_wait3A_273 = arith.constant 0 : i32
          %dma_wait3A_274 = arith.constant 0 : i32
          %dma_wait3A_275 = tpu.memref_slice %arg8[%rem3A_247, %dma_wait3A_273, %dma_wait3A_274] : memref<3x8x96xi32, #tpu.memory_space<vmem>> -> memref<1x8x96xi32, #tpu.memory_space<vmem>>
          %dma_wait3A_276 = tpu.memref_squeeze %dma_wait3A_275 : memref<1x8x96xi32, #tpu.memory_space<vmem>> -> memref<8x96xi32, #tpu.memory_space<vmem>>
          %dma_wait3A_277 = arith.constant 0 : i32
          %dma_wait3A_278 = tpu.memref_slice %arg4[%add3A, %mul3A_265, %dma_wait3A_277] : memref<32x112x96xi32, #tpu.memory_space<hbm>> -> memref<1x8x96xi32, #tpu.memory_space<hbm>>
          %dma_wait3A_279 = tpu.memref_squeeze %dma_wait3A_278 : memref<1x8x96xi32, #tpu.memory_space<hbm>> -> memref<8x96xi32, #tpu.memory_space<hbm>>
          tpu.wait_dma2 semaphore(%arg11 : memref<!tpu.dma_semaphore, #tpu.memory_space<semaphore_mem>>) src(%dma_wait3A_279 : memref<8x96xi32, #tpu.memory_space<hbm>>) dst(%dma_wait3A_276 : memref<8x96xi32, #tpu.memory_space<vmem>>)
          %add3A_280 = arith.constant 1 : i32
          %add3A_281 = arith.addi %div3A_245, %add3A_280 : i32
          %lt3A_282 = arith.constant 14 : i32
          %lt3A_283 = arith.cmpi slt, %add3A_281, %lt3A_282 : i32
          %convert_element_type3A_284 = arith.extui %lt3A_283 : i1 to i32
          %cond3A_285 = arith.constant 0 : i32
          %cond3A_286 = arith.cmpi ne, %convert_element_type3A_284, %cond3A_285 : i32
          scf.if %cond3A_286 {
            %add3A_287 = arith.constant 1 : i32
            %add3A_288 = arith.addi %div3A_245, %add3A_287 : i32
            %rem3A_289 = arith.constant 3 : i32
            %rem3A_290 = arith.remsi %add3A_288, %rem3A_289 : i32
            %mul3A_291 = arith.constant 8 : i32
            %mul3A_292 = arith.muli %add3A_288, %mul3A_291 : i32
            %dma_start3A_293 = arith.constant 0 : i32
            %dma_start3A_294 = arith.constant 0 : i32
            %dma_start3A_295 = tpu.memref_slice %arg7[%rem3A_290, %dma_start3A_293, %dma_start3A_294] : memref<3x8x96xi32, #tpu.memory_space<vmem>> -> memref<1x8x96xi32, #tpu.memory_space<vmem>>
            %dma_start3A_296 = tpu.memref_squeeze %dma_start3A_295 : memref<1x8x96xi32, #tpu.memory_space<vmem>> -> memref<8x96xi32, #tpu.memory_space<vmem>>
            %dma_start3A_297 = arith.constant 0 : i32
            %dma_start3A_298 = tpu.memref_slice %arg3[%add3A, %mul3A_292, %dma_start3A_297] : memref<32x112x96xi32, #tpu.memory_space<hbm>> -> memref<1x8x96xi32, #tpu.memory_space<hbm>>
            %dma_start3A_299 = tpu.memref_squeeze %dma_start3A_298 : memref<1x8x96xi32, #tpu.memory_space<hbm>> -> memref<8x96xi32, #tpu.memory_space<hbm>>
            %dma_start3A_300 = arith.constant 0 : i32
            %dma_start3A_301 = arith.constant 0 : i32
            %dma_start3A_302 = tpu.memref_slice %arg7[%rem3A_290, %dma_start3A_300, %dma_start3A_301] : memref<3x8x96xi32, #tpu.memory_space<vmem>> -> memref<1x8x96xi32, #tpu.memory_space<vmem>>
            %dma_start3A_303 = tpu.memref_squeeze %dma_start3A_302 : memref<1x8x96xi32, #tpu.memory_space<vmem>> -> memref<8x96xi32, #tpu.memory_space<vmem>>
            %dma_start3A_304 = arith.constant 0 : i32
            %dma_start3A_305 = tpu.memref_slice %arg3[%add3A, %mul3A_292, %dma_start3A_304] : memref<32x112x96xi32, #tpu.memory_space<hbm>> -> memref<1x8x96xi32, #tpu.memory_space<hbm>>
            %dma_start3A_306 = tpu.memref_squeeze %dma_start3A_305 : memref<1x8x96xi32, #tpu.memory_space<hbm>> -> memref<8x96xi32, #tpu.memory_space<hbm>>
            tpu.enqueue_dma source(%dma_start3A_306 : memref<8x96xi32, #tpu.memory_space<hbm>>) target(%dma_start3A_303 : memref<8x96xi32, #tpu.memory_space<vmem>>) target_semaphore(%arg11 : memref<!tpu.dma_semaphore, #tpu.memory_space<semaphore_mem>>)
            %mul3A_307 = arith.constant 8 : i32
            %mul3A_308 = arith.muli %add3A_288, %mul3A_307 : i32
            %dma_start3A_309 = arith.constant 0 : i32
            %dma_start3A_310 = arith.constant 0 : i32
            %dma_start3A_311 = tpu.memref_slice %arg8[%rem3A_290, %dma_start3A_309, %dma_start3A_310] : memref<3x8x96xi32, #tpu.memory_space<vmem>> -> memref<1x8x96xi32, #tpu.memory_space<vmem>>
            %dma_start3A_312 = tpu.memref_squeeze %dma_start3A_311 : memref<1x8x96xi32, #tpu.memory_space<vmem>> -> memref<8x96xi32, #tpu.memory_space<vmem>>
            %dma_start3A_313 = arith.constant 0 : i32
            %dma_start3A_314 = tpu.memref_slice %arg4[%add3A, %mul3A_308, %dma_start3A_313] : memref<32x112x96xi32, #tpu.memory_space<hbm>> -> memref<1x8x96xi32, #tpu.memory_space<hbm>>
            %dma_start3A_315 = tpu.memref_squeeze %dma_start3A_314 : memref<1x8x96xi32, #tpu.memory_space<hbm>> -> memref<8x96xi32, #tpu.memory_space<hbm>>
            %dma_start3A_316 = arith.constant 0 : i32
            %dma_start3A_317 = arith.constant 0 : i32
            %dma_start3A_318 = tpu.memref_slice %arg8[%rem3A_290, %dma_start3A_316, %dma_start3A_317] : memref<3x8x96xi32, #tpu.memory_space<vmem>> -> memref<1x8x96xi32, #tpu.memory_space<vmem>>
            %dma_start3A_319 = tpu.memref_squeeze %dma_start3A_318 : memref<1x8x96xi32, #tpu.memory_space<vmem>> -> memref<8x96xi32, #tpu.memory_space<vmem>>
            %dma_start3A_320 = arith.constant 0 : i32
            %dma_start3A_321 = tpu.memref_slice %arg4[%add3A, %mul3A_308, %dma_start3A_320] : memref<32x112x96xi32, #tpu.memory_space<hbm>> -> memref<1x8x96xi32, #tpu.memory_space<hbm>>
            %dma_start3A_322 = tpu.memref_squeeze %dma_start3A_321 : memref<1x8x96xi32, #tpu.memory_space<hbm>> -> memref<8x96xi32, #tpu.memory_space<hbm>>
            tpu.enqueue_dma source(%dma_start3A_322 : memref<8x96xi32, #tpu.memory_space<hbm>>) target(%dma_start3A_319 : memref<8x96xi32, #tpu.memory_space<vmem>>) target_semaphore(%arg11 : memref<!tpu.dma_semaphore, #tpu.memory_space<semaphore_mem>>)
          } else {
          }
        } else {
        }
        %div3A_226 = arith.constant 8 : i32
        %div3A_227 = arith.divsi %add3A_219, %div3A_226 : i32
        %rem3A_228 = arith.constant 3 : i32
        %rem3A_229 = arith.remsi %div3A_227, %rem3A_228 : i32
        %rem3A_230 = arith.constant 8 : i32
        %rem3A_231 = arith.remsi %add3A_219, %rem3A_230 : i32
        %rem3A_232 = arith.constant 3 : i32
        %rem3A_233 = arith.remsi %add3A_219, %rem3A_232 : i32
        %dma_start3A_234 = arith.constant 0 : i32
        %dma_start3A_235 = arith.constant 0 : i32
        %dma_start3A_236 = tpu.memref_slice %arg9[%rem3A_233, %dma_start3A_234, %dma_start3A_235] : memref<3x96x128xf32, #tpu.memory_space<vmem>> -> memref<1x96x128xf32, #tpu.memory_space<vmem>>
        %dma_start3A_237 = tpu.memref_squeeze %dma_start3A_236 : memref<1x96x128xf32, #tpu.memory_space<vmem>> -> memref<96x128xf32, #tpu.memory_space<vmem>>
        %dma_start3A_238 = arith.constant 0 : i32
        %dma_start3A_239 = tpu.memref_slice %arg7[%rem3A_229, %rem3A_231, %dma_start3A_238] : memref<3x8x96xi32, #tpu.memory_space<vmem>> -> memref<1x1x96xi32, #tpu.memory_space<vmem>>
        %dma_start3A_240 = tpu.memref_squeeze %dma_start3A_239 : memref<1x1x96xi32, #tpu.memory_space<vmem>> -> memref<96xi32, #tpu.memory_space<vmem>>
        %dma_start3A_241 = arith.constant 0 : i32
        %dma_start3A_242 = arith.constant 0 : i32
        %dma_start3A_243 = tpu.memref_slice %arg2[%dma_start3A_241, %dma_start3A_242] : memref<10240x128xf32, #tpu.memory_space<hbm>> -> memref<10240x128xf32, #tpu.memory_space<hbm>>
        tpu.enqueue_indirect_dma source(%dma_start3A_243 : memref<10240x128xf32, #tpu.memory_space<hbm>>) target(%dma_start3A_237 : memref<96x128xf32, #tpu.memory_space<vmem>>) offsets(%dma_start3A_240 : memref<96xi32, #tpu.memory_space<vmem>>) semaphore(%arg12 : memref<!tpu.dma_semaphore, #tpu.memory_space<semaphore_mem>>)
      } else {
      }
    }
    %scan3A_150 = arith.constant 112 : i32
    %div3A_151 = arith.constant 111 : i32
    %div3A_152 = arith.constant 8 : i32
    %div3A_153 = arith.divsi %div3A_151, %div3A_152 : i32
    %rem3A_154 = arith.constant 3 : i32
    %rem3A_155 = arith.remsi %div3A_153, %rem3A_154 : i32
    %rem3A_156 = arith.constant 111 : i32
    %rem3A_157 = arith.constant 8 : i32
    %rem3A_158 = arith.remsi %rem3A_156, %rem3A_157 : i32
    %rem3A_159 = arith.constant 111 : i32
    %rem3A_160 = arith.constant 3 : i32
    %rem3A_161 = arith.remsi %rem3A_159, %rem3A_160 : i32
    %dma_wait3A_162 = arith.constant 0 : i32
    %dma_wait3A_163 = arith.constant 0 : i32
    %dma_wait3A_164 = tpu.memref_slice %arg9[%rem3A_161, %dma_wait3A_162, %dma_wait3A_163] : memref<3x96x128xf32, #tpu.memory_space<vmem>> -> memref<1x96x128xf32, #tpu.memory_space<vmem>>
    %dma_wait3A_165 = tpu.memref_squeeze %dma_wait3A_164 : memref<1x96x128xf32, #tpu.memory_space<vmem>> -> memref<96x128xf32, #tpu.memory_space<vmem>>
    %dma_wait3A_166 = arith.constant 0 : i32
    %dma_wait3A_167 = tpu.memref_slice %arg8[%rem3A_155, %rem3A_158, %dma_wait3A_166] : memref<3x8x96xi32, #tpu.memory_space<vmem>> -> memref<1x1x96xi32, #tpu.memory_space<vmem>>
    %dma_wait3A_168 = tpu.memref_squeeze %dma_wait3A_167 : memref<1x1x96xi32, #tpu.memory_space<vmem>> -> memref<96xi32, #tpu.memory_space<vmem>>
    %dma_wait3A_169 = arith.constant 0 : i32
    %dma_wait3A_170 = arith.constant 0 : i32
    %dma_wait3A_171 = tpu.memref_slice %arg10[%dma_wait3A_169, %dma_wait3A_170] : memref<10240x128xf32, #tpu.memory_space<vmem_shared>> -> memref<10240x128xf32, #tpu.memory_space<vmem_shared>>
    tpu.wait_indirect_dma semaphore(%arg13 : memref<!tpu.dma_semaphore, #tpu.memory_space<semaphore_mem>>) src(%dma_wait3A_165 : memref<96x128xf32, #tpu.memory_space<vmem>>) dst(%dma_wait3A_171 : memref<10240x128xf32, #tpu.memory_space<vmem_shared>>)
    %barrier3A_172 = arith.constant 0 : index
    tpu.barrier barrier_id(%barrier3A_172)
    "tpu.region"() ({
      %run_scoped3A = tpu.sem_alloc : memref<!tpu.dma_semaphore, #tpu.memory_space<semaphore_mem>>
      %dma_start3A_173 = arith.constant 0 : i32
      %dma_start3A_174 = tpu.memref_slice %arg6[%arg0, %multiple_of3A, %dma_start3A_173] : memref<2x10240x128xf32, #tpu.memory_space<hbm>> -> memref<1x640x128xf32, #tpu.memory_space<hbm>>
      %dma_start3A_175 = tpu.memref_squeeze %dma_start3A_174 : memref<1x640x128xf32, #tpu.memory_space<hbm>> -> memref<640x128xf32, #tpu.memory_space<hbm>>
      %dma_start3A_176 = arith.constant 0 : i32
      %dma_start3A_177 = tpu.memref_slice %arg10[%multiple_of3A, %dma_start3A_176] : memref<10240x128xf32, #tpu.memory_space<vmem_shared>> -> memref<640x128xf32, #tpu.memory_space<vmem_shared>>
      tpu.enqueue_dma source(%dma_start3A_177 : memref<640x128xf32, #tpu.memory_space<vmem_shared>>) target(%dma_start3A_175 : memref<640x128xf32, #tpu.memory_space<hbm>>) target_semaphore(%run_scoped3A : memref<!tpu.dma_semaphore, #tpu.memory_space<semaphore_mem>>)
      %dma_wait3A_178 = arith.constant 0 : i32
      %dma_wait3A_179 = tpu.memref_slice %arg6[%arg0, %multiple_of3A, %dma_wait3A_178] : memref<2x10240x128xf32, #tpu.memory_space<hbm>> -> memref<1x640x128xf32, #tpu.memory_space<hbm>>
      %dma_wait3A_180 = tpu.memref_squeeze %dma_wait3A_179 : memref<1x640x128xf32, #tpu.memory_space<hbm>> -> memref<640x128xf32, #tpu.memory_space<hbm>>
      %dma_wait3A_181 = arith.constant 0 : i32
      %dma_wait3A_182 = tpu.memref_slice %arg10[%multiple_of3A, %dma_wait3A_181] : memref<10240x128xf32, #tpu.memory_space<vmem_shared>> -> memref<640x128xf32, #tpu.memory_space<vmem_shared>>
      tpu.wait_dma2 semaphore(%run_scoped3A : memref<!tpu.dma_semaphore, #tpu.memory_space<semaphore_mem>>) src(%dma_wait3A_182 : memref<640x128xf32, #tpu.memory_space<vmem_shared>>) dst(%dma_wait3A_180 : memref<640x128xf32, #tpu.memory_space<hbm>>)
      tpu.yield
    }) : () -> ()
    return
  }
}

#map = affine_map<(d0, d1) -> (0, 0, 0)>
#map1 = affine_map<(d0, d1) -> (0)>
module attributes {stable_mosaic.version = 14 : i64} {
  func.func @_sc_deg_pass(%arg0: i32, %arg1: i32, %arg2: memref<32x112x96xi32, #tpu.memory_space<hbm>>, %arg3: memref<10240xf32, #tpu.memory_space<hbm>>, %arg4: memref<2x80x128xf32, #tpu.memory_space<hbm>>, %arg5: memref<112x96xi32, #tpu.memory_space<vmem>>, %arg6: memref<96xf32, #tpu.memory_space<vmem>>, %arg7: memref<10240xf32, #tpu.memory_space<vmem_shared>>, %arg8: memref<!tpu.dma_semaphore, #tpu.memory_space<semaphore_mem>>) attributes {dimension_semantics = [#tpu.dimension_semantics<core_parallel>, #tpu.dimension_semantics<subcore_parallel>], iteration_bounds = array<i64: 2, 16>, scalar_prefetch = 0 : i64, scratch_operands = 4 : i64, tpu.core_type = #tpu.core_type<sc_vector_subcore>, window_params = [{transform_indices = #map}, {transform_indices = #map1}, {transform_indices = #map}]} {
    %mul3A = arith.constant 2 : i32
    %mul3A_0 = arith.muli %arg1, %mul3A : i32
    %add3A = arith.addi %mul3A_0, %arg0 : i32
    %mul3A_1 = arith.constant 640 : i32
    %mul3A_2 = arith.muli %arg1, %mul3A_1 : i32
    %multiple_of3A = tpu.assume_multiple %mul3A_2, 128 : i32
    "tpu.region"() ({
      %run_scoped3A = tpu.sem_alloc : memref<!tpu.dma_semaphore, #tpu.memory_space<semaphore_mem>>
      %dma_start3A = tpu.memref_slice %arg7[%multiple_of3A] : memref<10240xf32, #tpu.memory_space<vmem_shared>> -> memref<640xf32, #tpu.memory_space<vmem_shared>>
      %dma_start3A_95 = tpu.memref_slice %arg3[%multiple_of3A] : memref<10240xf32, #tpu.memory_space<hbm>> -> memref<640xf32, #tpu.memory_space<hbm>>
      tpu.enqueue_dma source(%dma_start3A_95 : memref<640xf32, #tpu.memory_space<hbm>>) target(%dma_start3A : memref<640xf32, #tpu.memory_space<vmem_shared>>) target_semaphore(%run_scoped3A : memref<!tpu.dma_semaphore, #tpu.memory_space<semaphore_mem>>)
      %dma_wait3A_96 = tpu.memref_slice %arg7[%multiple_of3A] : memref<10240xf32, #tpu.memory_space<vmem_shared>> -> memref<640xf32, #tpu.memory_space<vmem_shared>>
      %dma_wait3A_97 = tpu.memref_slice %arg3[%multiple_of3A] : memref<10240xf32, #tpu.memory_space<hbm>> -> memref<640xf32, #tpu.memory_space<hbm>>
      tpu.wait_dma2 semaphore(%run_scoped3A : memref<!tpu.dma_semaphore, #tpu.memory_space<semaphore_mem>>) src(%dma_wait3A_97 : memref<640xf32, #tpu.memory_space<hbm>>) dst(%dma_wait3A_96 : memref<640xf32, #tpu.memory_space<vmem_shared>>)
      tpu.yield
    }) : () -> ()
    "tpu.region"() ({
      %run_scoped3A = tpu.sem_alloc : memref<!tpu.dma_semaphore, #tpu.memory_space<semaphore_mem>>
      %dma_start3A = arith.constant 0 : i32
      %dma_start3A_95 = arith.constant 0 : i32
      %dma_start3A_96 = tpu.memref_slice %arg2[%add3A, %dma_start3A, %dma_start3A_95] : memref<32x112x96xi32, #tpu.memory_space<hbm>> -> memref<1x112x96xi32, #tpu.memory_space<hbm>>
      %dma_start3A_97 = tpu.memref_squeeze %dma_start3A_96 : memref<1x112x96xi32, #tpu.memory_space<hbm>> -> memref<112x96xi32, #tpu.memory_space<hbm>>
      %dma_start3A_98 = arith.constant 0 : i32
      %dma_start3A_99 = arith.constant 0 : i32
      %dma_start3A_100 = tpu.memref_slice %arg2[%add3A, %dma_start3A_98, %dma_start3A_99] : memref<32x112x96xi32, #tpu.memory_space<hbm>> -> memref<1x112x96xi32, #tpu.memory_space<hbm>>
      %dma_start3A_101 = tpu.memref_squeeze %dma_start3A_100 : memref<1x112x96xi32, #tpu.memory_space<hbm>> -> memref<112x96xi32, #tpu.memory_space<hbm>>
      tpu.enqueue_dma source(%dma_start3A_101 : memref<112x96xi32, #tpu.memory_space<hbm>>) target(%arg5 : memref<112x96xi32, #tpu.memory_space<vmem>>) target_semaphore(%run_scoped3A : memref<!tpu.dma_semaphore, #tpu.memory_space<semaphore_mem>>)
      %dma_wait3A_102 = arith.constant 0 : i32
      %dma_wait3A_103 = arith.constant 0 : i32
      %dma_wait3A_104 = tpu.memref_slice %arg2[%add3A, %dma_wait3A_102, %dma_wait3A_103] : memref<32x112x96xi32, #tpu.memory_space<hbm>> -> memref<1x112x96xi32, #tpu.memory_space<hbm>>
      %dma_wait3A_105 = tpu.memref_squeeze %dma_wait3A_104 : memref<1x112x96xi32, #tpu.memory_space<hbm>> -> memref<112x96xi32, #tpu.memory_space<hbm>>
      %dma_wait3A_106 = arith.constant 0 : i32
      %dma_wait3A_107 = arith.constant 0 : i32
      %dma_wait3A_108 = tpu.memref_slice %arg2[%add3A, %dma_wait3A_106, %dma_wait3A_107] : memref<32x112x96xi32, #tpu.memory_space<hbm>> -> memref<1x112x96xi32, #tpu.memory_space<hbm>>
      %dma_wait3A_109 = tpu.memref_squeeze %dma_wait3A_108 : memref<1x112x96xi32, #tpu.memory_space<hbm>> -> memref<112x96xi32, #tpu.memory_space<hbm>>
      tpu.wait_dma2 semaphore(%run_scoped3A : memref<!tpu.dma_semaphore, #tpu.memory_space<semaphore_mem>>) src(%dma_wait3A_109 : memref<112x96xi32, #tpu.memory_space<hbm>>) dst(%arg5 : memref<112x96xi32, #tpu.memory_space<vmem>>)
      tpu.yield
    }) : () -> ()
    %broadcast_in_dim3A = arith.constant 1.000000e+00 : f32
    %broadcast_in_dim3A_3 = vector.broadcast %broadcast_in_dim3A : f32 to vector<16xf32>
    %swap3A = arith.constant 0 : index
    %swap3A_4 = tpu.vector_load %arg6[%swap3A] {strides = array<i32>} : memref<96xf32, #tpu.memory_space<vmem>>, vector<16xf32>,
    %swap3A_5 = vector.shape_cast %swap3A_4 : vector<16xf32> to vector<16xf32>
    %swap3A_6 = vector.shape_cast %broadcast_in_dim3A_3 : vector<16xf32> to vector<16xf32>
    tpu.vector_store %arg6[%swap3A], %swap3A_6 {strides = array<i32>} : memref<96xf32, #tpu.memory_space<vmem>>, vector<16xf32>,
    %broadcast_in_dim3A_7 = arith.constant 1.000000e+00 : f32
    %broadcast_in_dim3A_8 = vector.broadcast %broadcast_in_dim3A_7 : f32 to vector<16xf32>
    %swap3A_9 = arith.constant 16 : index
    %swap3A_10 = tpu.vector_load %arg6[%swap3A_9] {strides = array<i32>} : memref<96xf32, #tpu.memory_space<vmem>>, vector<16xf32>,
    %swap3A_11 = vector.shape_cast %swap3A_10 : vector<16xf32> to vector<16xf32>
    %swap3A_12 = vector.shape_cast %broadcast_in_dim3A_8 : vector<16xf32> to vector<16xf32>
    tpu.vector_store %arg6[%swap3A_9], %swap3A_12 {strides = array<i32>} : memref<96xf32, #tpu.memory_space<vmem>>, vector<16xf32>,
    %broadcast_in_dim3A_13 = arith.constant 1.000000e+00 : f32
    %broadcast_in_dim3A_14 = vector.broadcast %broadcast_in_dim3A_13 : f32 to vector<16xf32>
    %swap3A_15 = arith.constant 32 : index
    %swap3A_16 = tpu.vector_load %arg6[%swap3A_15] {strides = array<i32>} : memref<96xf32, #tpu.memory_space<vmem>>, vector<16xf32>,
    %swap3A_17 = vector.shape_cast %swap3A_16 : vector<16xf32> to vector<16xf32>
    %swap3A_18 = vector.shape_cast %broadcast_in_dim3A_14 : vector<16xf32> to vector<16xf32>
    tpu.vector_store %arg6[%swap3A_15], %swap3A_18 {strides = array<i32>} : memref<96xf32, #tpu.memory_space<vmem>>, vector<16xf32>,
    %broadcast_in_dim3A_19 = arith.constant 1.000000e+00 : f32
    %broadcast_in_dim3A_20 = vector.broadcast %broadcast_in_dim3A_19 : f32 to vector<16xf32>
    %swap3A_21 = arith.constant 48 : index
    %swap3A_22 = tpu.vector_load %arg6[%swap3A_21] {strides = array<i32>} : memref<96xf32, #tpu.memory_space<vmem>>, vector<16xf32>,
    %swap3A_23 = vector.shape_cast %swap3A_22 : vector<16xf32> to vector<16xf32>
    %swap3A_24 = vector.shape_cast %broadcast_in_dim3A_20 : vector<16xf32> to vector<16xf32>
    tpu.vector_store %arg6[%swap3A_21], %swap3A_24 {strides = array<i32>} : memref<96xf32, #tpu.memory_space<vmem>>, vector<16xf32>,
    %broadcast_in_dim3A_25 = arith.constant 1.000000e+00 : f32
    %broadcast_in_dim3A_26 = vector.broadcast %broadcast_in_dim3A_25 : f32 to vector<16xf32>
    %swap3A_27 = arith.constant 64 : index
    %swap3A_28 = tpu.vector_load %arg6[%swap3A_27] {strides = array<i32>} : memref<96xf32, #tpu.memory_space<vmem>>, vector<16xf32>,
    %swap3A_29 = vector.shape_cast %swap3A_28 : vector<16xf32> to vector<16xf32>
    %swap3A_30 = vector.shape_cast %broadcast_in_dim3A_26 : vector<16xf32> to vector<16xf32>
    tpu.vector_store %arg6[%swap3A_27], %swap3A_30 {strides = array<i32>} : memref<96xf32, #tpu.memory_space<vmem>>, vector<16xf32>,
    %broadcast_in_dim3A_31 = arith.constant 1.000000e+00 : f32
    %broadcast_in_dim3A_32 = vector.broadcast %broadcast_in_dim3A_31 : f32 to vector<16xf32>
    %swap3A_33 = arith.constant 80 : index
    %swap3A_34 = tpu.vector_load %arg6[%swap3A_33] {strides = array<i32>} : memref<96xf32, #tpu.memory_space<vmem>>, vector<16xf32>,
    %swap3A_35 = vector.shape_cast %swap3A_34 : vector<16xf32> to vector<16xf32>
    %swap3A_36 = vector.shape_cast %broadcast_in_dim3A_32 : vector<16xf32> to vector<16xf32>
    tpu.vector_store %arg6[%swap3A_33], %swap3A_36 {strides = array<i32>} : memref<96xf32, #tpu.memory_space<vmem>>, vector<16xf32>,
    %barrier3A = arith.constant 0 : index
    tpu.barrier barrier_id(%barrier3A)
    %scan3A = arith.constant 0 : i32
    %scan3A_37 = arith.constant 0 : i32
    %scan3A_38 = arith.constant 112 : i32
    %scan3A_39 = arith.addi %scan3A_37, %scan3A_38 : i32
    %scan3A_40 = arith.constant 1 : i32
    scf.for %scan3A_95 = %scan3A_37 to %scan3A_39 step %scan3A_40  : i32 {
      %dma_start3A = arith.constant 0 : i32
      %dma_start3A_96 = tpu.memref_slice %arg5[%scan3A_95, %dma_start3A] : memref<112x96xi32, #tpu.memory_space<vmem>> -> memref<1x96xi32, #tpu.memory_space<vmem>>
      %dma_start3A_97 = tpu.memref_squeeze %dma_start3A_96 : memref<1x96xi32, #tpu.memory_space<vmem>> -> memref<96xi32, #tpu.memory_space<vmem>>
      %dma_start3A_98 = arith.constant 0 : i32
      %dma_start3A_99 = tpu.memref_slice %arg7[%dma_start3A_98] : memref<10240xf32, #tpu.memory_space<vmem_shared>> -> memref<10240xf32, #tpu.memory_space<vmem_shared>>
      tpu.enqueue_indirect_dma source(%arg6 : memref<96xf32, #tpu.memory_space<vmem>>) target(%dma_start3A_99 : memref<10240xf32, #tpu.memory_space<vmem_shared>>) offsets(%dma_start3A_97 : memref<96xi32, #tpu.memory_space<vmem>>) semaphore(%arg8 : memref<!tpu.dma_semaphore, #tpu.memory_space<semaphore_mem>>) {add = true}
      %ge3A = arith.constant 3 : i32
      %ge3A_100 = arith.cmpi sge, %scan3A_95, %ge3A : i32
      %convert_element_type3A = arith.extui %ge3A_100 : i1 to i32
      %cond3A = arith.constant 0 : i32
      %cond3A_101 = arith.cmpi ne, %convert_element_type3A, %cond3A : i32
      scf.if %cond3A_101 {
        %sub3A = arith.constant 3 : i32
        %sub3A_102 = arith.subi %scan3A_95, %sub3A : i32
        %dma_wait3A_103 = arith.constant 0 : i32
        %dma_wait3A_104 = tpu.memref_slice %arg5[%sub3A_102, %dma_wait3A_103] : memref<112x96xi32, #tpu.memory_space<vmem>> -> memref<1x96xi32, #tpu.memory_space<vmem>>
        %dma_wait3A_105 = tpu.memref_squeeze %dma_wait3A_104 : memref<1x96xi32, #tpu.memory_space<vmem>> -> memref<96xi32, #tpu.memory_space<vmem>>
        %dma_wait3A_106 = arith.constant 0 : i32
        %dma_wait3A_107 = tpu.memref_slice %arg7[%dma_wait3A_106] : memref<10240xf32, #tpu.memory_space<vmem_shared>> -> memref<10240xf32, #tpu.memory_space<vmem_shared>>
        tpu.wait_indirect_dma semaphore(%arg8 : memref<!tpu.dma_semaphore, #tpu.memory_space<semaphore_mem>>) src(%arg6 : memref<96xf32, #tpu.memory_space<vmem>>) dst(%dma_wait3A_107 : memref<10240xf32, #tpu.memory_space<vmem_shared>>)
      } else {
      }
    }
    %scan3A_41 = arith.constant 112 : i32
    %dma_wait3A = arith.constant 109 : i32
    %dma_wait3A_42 = arith.constant 0 : i32
    %dma_wait3A_43 = tpu.memref_slice %arg5[%dma_wait3A, %dma_wait3A_42] : memref<112x96xi32, #tpu.memory_space<vmem>> -> memref<1x96xi32, #tpu.memory_space<vmem>>
    %dma_wait3A_44 = tpu.memref_squeeze %dma_wait3A_43 : memref<1x96xi32, #tpu.memory_space<vmem>> -> memref<96xi32, #tpu.memory_space<vmem>>
    %dma_wait3A_45 = arith.constant 0 : i32
    %dma_wait3A_46 = tpu.memref_slice %arg7[%dma_wait3A_45] : memref<10240xf32, #tpu.memory_space<vmem_shared>> -> memref<10240xf32, #tpu.memory_space<vmem_shared>>
    tpu.wait_indirect_dma semaphore(%arg8 : memref<!tpu.dma_semaphore, #tpu.memory_space<semaphore_mem>>) src(%arg6 : memref<96xf32, #tpu.memory_space<vmem>>) dst(%dma_wait3A_46 : memref<10240xf32, #tpu.memory_space<vmem_shared>>)
    %dma_wait3A_47 = arith.constant 110 : i32
    %dma_wait3A_48 = arith.constant 0 : i32
    %dma_wait3A_49 = tpu.memref_slice %arg5[%dma_wait3A_47, %dma_wait3A_48] : memref<112x96xi32, #tpu.memory_space<vmem>> -> memref<1x96xi32, #tpu.memory_space<vmem>>
    %dma_wait3A_50 = tpu.memref_squeeze %dma_wait3A_49 : memref<1x96xi32, #tpu.memory_space<vmem>> -> memref<96xi32, #tpu.memory_space<vmem>>
    %dma_wait3A_51 = arith.constant 0 : i32
    %dma_wait3A_52 = tpu.memref_slice %arg7[%dma_wait3A_51] : memref<10240xf32, #tpu.memory_space<vmem_shared>> -> memref<10240xf32, #tpu.memory_space<vmem_shared>>
    tpu.wait_indirect_dma semaphore(%arg8 : memref<!tpu.dma_semaphore, #tpu.memory_space<semaphore_mem>>) src(%arg6 : memref<96xf32, #tpu.memory_space<vmem>>) dst(%dma_wait3A_52 : memref<10240xf32, #tpu.memory_space<vmem_shared>>)
    %dma_wait3A_53 = arith.constant 111 : i32
    %dma_wait3A_54 = arith.constant 0 : i32
    %dma_wait3A_55 = tpu.memref_slice %arg5[%dma_wait3A_53, %dma_wait3A_54] : memref<112x96xi32, #tpu.memory_space<vmem>> -> memref<1x96xi32, #tpu.memory_space<vmem>>
    %dma_wait3A_56 = tpu.memref_squeeze %dma_wait3A_55 : memref<1x96xi32, #tpu.memory_space<vmem>> -> memref<96xi32, #tpu.memory_space<vmem>>
    %dma_wait3A_57 = arith.constant 0 : i32
    %dma_wait3A_58 = tpu.memref_slice %arg7[%dma_wait3A_57] : memref<10240xf32, #tpu.memory_space<vmem_shared>> -> memref<10240xf32, #tpu.memory_space<vmem_shared>>
    tpu.wait_indirect_dma semaphore(%arg8 : memref<!tpu.dma_semaphore, #tpu.memory_space<semaphore_mem>>) src(%arg6 : memref<96xf32, #tpu.memory_space<vmem>>) dst(%dma_wait3A_58 : memref<10240xf32, #tpu.memory_space<vmem_shared>>)
    %barrier3A_59 = arith.constant 0 : index
    tpu.barrier barrier_id(%barrier3A_59)
    %mul3A_60 = arith.constant 5 : i32
    %mul3A_61 = arith.muli %arg1, %mul3A_60 : i32
    %add3A_62 = arith.constant 0 : i32
    %add3A_63 = arith.addi %mul3A_61, %add3A_62 : i32
    %mul3A_64 = arith.constant 128 : i32
    %mul3A_65 = arith.muli %add3A_63, %mul3A_64 : i32
    %multiple_of3A_66 = tpu.assume_multiple %mul3A_65, 128 : i32
    "tpu.region"() ({
      %run_scoped3A = tpu.sem_alloc : memref<!tpu.dma_semaphore, #tpu.memory_space<semaphore_mem>>
      %dma_start3A = arith.constant 0 : i32
      %dma_start3A_95 = tpu.memref_slice %arg4[%arg0, %add3A_63, %dma_start3A] : memref<2x80x128xf32, #tpu.memory_space<hbm>> -> memref<1x1x128xf32, #tpu.memory_space<hbm>>
      %dma_start3A_96 = tpu.memref_squeeze %dma_start3A_95 : memref<1x1x128xf32, #tpu.memory_space<hbm>> -> memref<128xf32, #tpu.memory_space<hbm>>
      %dma_start3A_97 = tpu.memref_slice %arg7[%multiple_of3A_66] : memref<10240xf32, #tpu.memory_space<vmem_shared>> -> memref<128xf32, #tpu.memory_space<vmem_shared>>
      tpu.enqueue_dma source(%dma_start3A_97 : memref<128xf32, #tpu.memory_space<vmem_shared>>) target(%dma_start3A_96 : memref<128xf32, #tpu.memory_space<hbm>>) target_semaphore(%run_scoped3A : memref<!tpu.dma_semaphore, #tpu.memory_space<semaphore_mem>>)
      %dma_wait3A_98 = arith.constant 0 : i32
      %dma_wait3A_99 = tpu.memref_slice %arg4[%arg0, %add3A_63, %dma_wait3A_98] : memref<2x80x128xf32, #tpu.memory_space<hbm>> -> memref<1x1x128xf32, #tpu.memory_space<hbm>>
      %dma_wait3A_100 = tpu.memref_squeeze %dma_wait3A_99 : memref<1x1x128xf32, #tpu.memory_space<hbm>> -> memref<128xf32, #tpu.memory_space<hbm>>
      %dma_wait3A_101 = tpu.memref_slice %arg7[%multiple_of3A_66] : memref<10240xf32, #tpu.memory_space<vmem_shared>> -> memref<128xf32, #tpu.memory_space<vmem_shared>>
      tpu.wait_dma2 semaphore(%run_scoped3A : memref<!tpu.dma_semaphore, #tpu.memory_space<semaphore_mem>>) src(%dma_wait3A_101 : memref<128xf32, #tpu.memory_space<vmem_shared>>) dst(%dma_wait3A_100 : memref<128xf32, #tpu.memory_space<hbm>>)
      tpu.yield
    }) : () -> ()
    %mul3A_67 = arith.constant 5 : i32
    %mul3A_68 = arith.muli %arg1, %mul3A_67 : i32
    %add3A_69 = arith.constant 1 : i32
    %add3A_70 = arith.addi %mul3A_68, %add3A_69 : i32
    %mul3A_71 = arith.constant 128 : i32
    %mul3A_72 = arith.muli %add3A_70, %mul3A_71 : i32
    %multiple_of3A_73 = tpu.assume_multiple %mul3A_72, 128 : i32
    "tpu.region"() ({
      %run_scoped3A = tpu.sem_alloc : memref<!tpu.dma_semaphore, #tpu.memory_space<semaphore_mem>>
      %dma_start3A = arith.constant 0 : i32
      %dma_start3A_95 = tpu.memref_slice %arg4[%arg0, %add3A_70, %dma_start3A] : memref<2x80x128xf32, #tpu.memory_space<hbm>> -> memref<1x1x128xf32, #tpu.memory_space<hbm>>
      %dma_start3A_96 = tpu.memref_squeeze %dma_start3A_95 : memref<1x1x128xf32, #tpu.memory_space<hbm>> -> memref<128xf32, #tpu.memory_space<hbm>>
      %dma_start3A_97 = tpu.memref_slice %arg7[%multiple_of3A_73] : memref<10240xf32, #tpu.memory_space<vmem_shared>> -> memref<128xf32, #tpu.memory_space<vmem_shared>>
      tpu.enqueue_dma source(%dma_start3A_97 : memref<128xf32, #tpu.memory_space<vmem_shared>>) target(%dma_start3A_96 : memref<128xf32, #tpu.memory_space<hbm>>) target_semaphore(%run_scoped3A : memref<!tpu.dma_semaphore, #tpu.memory_space<semaphore_mem>>)
      %dma_wait3A_98 = arith.constant 0 : i32
      %dma_wait3A_99 = tpu.memref_slice %arg4[%arg0, %add3A_70, %dma_wait3A_98] : memref<2x80x128xf32, #tpu.memory_space<hbm>> -> memref<1x1x128xf32, #tpu.memory_space<hbm>>
      %dma_wait3A_100 = tpu.memref_squeeze %dma_wait3A_99 : memref<1x1x128xf32, #tpu.memory_space<hbm>> -> memref<128xf32, #tpu.memory_space<hbm>>
      %dma_wait3A_101 = tpu.memref_slice %arg7[%multiple_of3A_73] : memref<10240xf32, #tpu.memory_space<vmem_shared>> -> memref<128xf32, #tpu.memory_space<vmem_shared>>
      tpu.wait_dma2 semaphore(%run_scoped3A : memref<!tpu.dma_semaphore, #tpu.memory_space<semaphore_mem>>) src(%dma_wait3A_101 : memref<128xf32, #tpu.memory_space<vmem_shared>>) dst(%dma_wait3A_100 : memref<128xf32, #tpu.memory_space<hbm>>)
      tpu.yield
    }) : () -> ()
    %mul3A_74 = arith.constant 5 : i32
    %mul3A_75 = arith.muli %arg1, %mul3A_74 : i32
    %add3A_76 = arith.constant 2 : i32
    %add3A_77 = arith.addi %mul3A_75, %add3A_76 : i32
    %mul3A_78 = arith.constant 128 : i32
    %mul3A_79 = arith.muli %add3A_77, %mul3A_78 : i32
    %multiple_of3A_80 = tpu.assume_multiple %mul3A_79, 128 : i32
    "tpu.region"() ({
      %run_scoped3A = tpu.sem_alloc : memref<!tpu.dma_semaphore, #tpu.memory_space<semaphore_mem>>
      %dma_start3A = arith.constant 0 : i32
      %dma_start3A_95 = tpu.memref_slice %arg4[%arg0, %add3A_77, %dma_start3A] : memref<2x80x128xf32, #tpu.memory_space<hbm>> -> memref<1x1x128xf32, #tpu.memory_space<hbm>>
      %dma_start3A_96 = tpu.memref_squeeze %dma_start3A_95 : memref<1x1x128xf32, #tpu.memory_space<hbm>> -> memref<128xf32, #tpu.memory_space<hbm>>
      %dma_start3A_97 = tpu.memref_slice %arg7[%multiple_of3A_80] : memref<10240xf32, #tpu.memory_space<vmem_shared>> -> memref<128xf32, #tpu.memory_space<vmem_shared>>
      tpu.enqueue_dma source(%dma_start3A_97 : memref<128xf32, #tpu.memory_space<vmem_shared>>) target(%dma_start3A_96 : memref<128xf32, #tpu.memory_space<hbm>>) target_semaphore(%run_scoped3A : memref<!tpu.dma_semaphore, #tpu.memory_space<semaphore_mem>>)
      %dma_wait3A_98 = arith.constant 0 : i32
      %dma_wait3A_99 = tpu.memref_slice %arg4[%arg0, %add3A_77, %dma_wait3A_98] : memref<2x80x128xf32, #tpu.memory_space<hbm>> -> memref<1x1x128xf32, #tpu.memory_space<hbm>>
      %dma_wait3A_100 = tpu.memref_squeeze %dma_wait3A_99 : memref<1x1x128xf32, #tpu.memory_space<hbm>> -> memref<128xf32, #tpu.memory_space<hbm>>
      %dma_wait3A_101 = tpu.memref_slice %arg7[%multiple_of3A_80] : memref<10240xf32, #tpu.memory_space<vmem_shared>> -> memref<128xf32, #tpu.memory_space<vmem_shared>>
      tpu.wait_dma2 semaphore(%run_scoped3A : memref<!tpu.dma_semaphore, #tpu.memory_space<semaphore_mem>>) src(%dma_wait3A_101 : memref<128xf32, #tpu.memory_space<vmem_shared>>) dst(%dma_wait3A_100 : memref<128xf32, #tpu.memory_space<hbm>>)
      tpu.yield
    }) : () -> ()
    %mul3A_81 = arith.constant 5 : i32
    %mul3A_82 = arith.muli %arg1, %mul3A_81 : i32
    %add3A_83 = arith.constant 3 : i32
    %add3A_84 = arith.addi %mul3A_82, %add3A_83 : i32
    %mul3A_85 = arith.constant 128 : i32
    %mul3A_86 = arith.muli %add3A_84, %mul3A_85 : i32
    %multiple_of3A_87 = tpu.assume_multiple %mul3A_86, 128 : i32
    "tpu.region"() ({
      %run_scoped3A = tpu.sem_alloc : memref<!tpu.dma_semaphore, #tpu.memory_space<semaphore_mem>>
      %dma_start3A = arith.constant 0 : i32
      %dma_start3A_95 = tpu.memref_slice %arg4[%arg0, %add3A_84, %dma_start3A] : memref<2x80x128xf32, #tpu.memory_space<hbm>> -> memref<1x1x128xf32, #tpu.memory_space<hbm>>
      %dma_start3A_96 = tpu.memref_squeeze %dma_start3A_95 : memref<1x1x128xf32, #tpu.memory_space<hbm>> -> memref<128xf32, #tpu.memory_space<hbm>>
      %dma_start3A_97 = tpu.memref_slice %arg7[%multiple_of3A_87] : memref<10240xf32, #tpu.memory_space<vmem_shared>> -> memref<128xf32, #tpu.memory_space<vmem_shared>>
      tpu.enqueue_dma source(%dma_start3A_97 : memref<128xf32, #tpu.memory_space<vmem_shared>>) target(%dma_start3A_96 : memref<128xf32, #tpu.memory_space<hbm>>) target_semaphore(%run_scoped3A : memref<!tpu.dma_semaphore, #tpu.memory_space<semaphore_mem>>)
      %dma_wait3A_98 = arith.constant 0 : i32
      %dma_wait3A_99 = tpu.memref_slice %arg4[%arg0, %add3A_84, %dma_wait3A_98] : memref<2x80x128xf32, #tpu.memory_space<hbm>> -> memref<1x1x128xf32, #tpu.memory_space<hbm>>
      %dma_wait3A_100 = tpu.memref_squeeze %dma_wait3A_99 : memref<1x1x128xf32, #tpu.memory_space<hbm>> -> memref<128xf32, #tpu.memory_space<hbm>>
      %dma_wait3A_101 = tpu.memref_slice %arg7[%multiple_of3A_87] : memref<10240xf32, #tpu.memory_space<vmem_shared>> -> memref<128xf32, #tpu.memory_space<vmem_shared>>
      tpu.wait_dma2 semaphore(%run_scoped3A : memref<!tpu.dma_semaphore, #tpu.memory_space<semaphore_mem>>) src(%dma_wait3A_101 : memref<128xf32, #tpu.memory_space<vmem_shared>>) dst(%dma_wait3A_100 : memref<128xf32, #tpu.memory_space<hbm>>)
      tpu.yield
    }) : () -> ()
    %mul3A_88 = arith.constant 5 : i32
    %mul3A_89 = arith.muli %arg1, %mul3A_88 : i32
    %add3A_90 = arith.constant 4 : i32
    %add3A_91 = arith.addi %mul3A_89, %add3A_90 : i32
    %mul3A_92 = arith.constant 128 : i32
    %mul3A_93 = arith.muli %add3A_91, %mul3A_92 : i32
    %multiple_of3A_94 = tpu.assume_multiple %mul3A_93, 128 : i32
    "tpu.region"() ({
      %run_scoped3A = tpu.sem_alloc : memref<!tpu.dma_semaphore, #tpu.memory_space<semaphore_mem>>
      %dma_start3A = arith.constant 0 : i32
      %dma_start3A_95 = tpu.memref_slice %arg4[%arg0, %add3A_91, %dma_start3A] : memref<2x80x128xf32, #tpu.memory_space<hbm>> -> memref<1x1x128xf32, #tpu.memory_space<hbm>>
      %dma_start3A_96 = tpu.memref_squeeze %dma_start3A_95 : memref<1x1x128xf32, #tpu.memory_space<hbm>> -> memref<128xf32, #tpu.memory_space<hbm>>
      %dma_start3A_97 = tpu.memref_slice %arg7[%multiple_of3A_94] : memref<10240xf32, #tpu.memory_space<vmem_shared>> -> memref<128xf32, #tpu.memory_space<vmem_shared>>
      tpu.enqueue_dma source(%dma_start3A_97 : memref<128xf32, #tpu.memory_space<vmem_shared>>) target(%dma_start3A_96 : memref<128xf32, #tpu.memory_space<hbm>>) target_semaphore(%run_scoped3A : memref<!tpu.dma_semaphore, #tpu.memory_space<semaphore_mem>>)
      %dma_wait3A_98 = arith.constant 0 : i32
      %dma_wait3A_99 = tpu.memref_slice %arg4[%arg0, %add3A_91, %dma_wait3A_98] : memref<2x80x128xf32, #tpu.memory_space<hbm>> -> memref<1x1x128xf32, #tpu.memory_space<hbm>>
      %dma_wait3A_100 = tpu.memref_squeeze %dma_wait3A_99 : memref<1x1x128xf32, #tpu.memory_space<hbm>> -> memref<128xf32, #tpu.memory_space<hbm>>
      %dma_wait3A_101 = tpu.memref_slice %arg7[%multiple_of3A_94] : memref<10240xf32, #tpu.memory_space<vmem_shared>> -> memref<128xf32, #tpu.memory_space<vmem_shared>>
      tpu.wait_dma2 semaphore(%run_scoped3A : memref<!tpu.dma_semaphore, #tpu.memory_space<semaphore_mem>>) src(%dma_wait3A_101 : memref<128xf32, #tpu.memory_space<vmem_shared>>) dst(%dma_wait3A_100 : memref<128xf32, #tpu.memory_space<hbm>>)
      tpu.yield
    }) : () -> ()
    return
  }
}

#map = affine_map<(d0, d1) -> (0, 0)>
#map1 = affine_map<(d0, d1) -> (0, 0, 0)>
module attributes {stable_mosaic.version = 14 : i64} {
  func.func @_sc_edge_pass(%arg0: i32, %arg1: i32, %arg2: memref<10240x128xf32, #tpu.memory_space<hbm>>, %arg3: memref<32x112x96xi32, #tpu.memory_space<hbm>>, %arg4: memref<32x112x96xi32, #tpu.memory_space<hbm>>, %arg5: memref<10240x128xf32, #tpu.memory_space<hbm>>, %arg6: memref<2x10240x128xf32, #tpu.memory_space<hbm>>, %arg7: memref<3x8x96xi32, #tpu.memory_space<vmem>>, %arg8: memref<3x8x96xi32, #tpu.memory_space<vmem>>, %arg9: memref<3x96x128xf32, #tpu.memory_space<vmem>>, %arg10: memref<10240x128xf32, #tpu.memory_space<vmem_shared>>, %arg11: memref<!tpu.dma_semaphore, #tpu.memory_space<semaphore_mem>>, %arg12: memref<!tpu.dma_semaphore, #tpu.memory_space<semaphore_mem>>, %arg13: memref<!tpu.dma_semaphore, #tpu.memory_space<semaphore_mem>>) attributes {dimension_semantics = [#tpu.dimension_semantics<core_parallel>, #tpu.dimension_semantics<subcore_parallel>], iteration_bounds = array<i64: 2, 16>, scalar_prefetch = 0 : i64, scratch_operands = 7 : i64, tpu.core_type = #tpu.core_type<sc_vector_subcore>, window_params = [{transform_indices = #map}, {transform_indices = #map1}, {transform_indices = #map1}, {transform_indices = #map}, {transform_indices = #map1}]} {
    %mul3A = arith.constant 2 : i32
    %mul3A_0 = arith.muli %arg1, %mul3A : i32
    %add3A = arith.addi %mul3A_0, %arg0 : i32
    %mul3A_1 = arith.constant 640 : i32
    %mul3A_2 = arith.muli %arg1, %mul3A_1 : i32
    %multiple_of3A = tpu.assume_multiple %mul3A_2, 8 : i32
    "tpu.region"() ({
      %run_scoped3A = tpu.sem_alloc : memref<!tpu.dma_semaphore, #tpu.memory_space<semaphore_mem>>
      %dma_start3A_173 = arith.constant 0 : i32
      %dma_start3A_174 = tpu.memref_slice %arg10[%multiple_of3A, %dma_start3A_173] : memref<10240x128xf32, #tpu.memory_space<vmem_shared>> -> memref<640x128xf32, #tpu.memory_space<vmem_shared>>
      %dma_start3A_175 = arith.constant 0 : i32
      %dma_start3A_176 = tpu.memref_slice %arg5[%multiple_of3A, %dma_start3A_175] : memref<10240x128xf32, #tpu.memory_space<hbm>> -> memref<640x128xf32, #tpu.memory_space<hbm>>
      tpu.enqueue_dma source(%dma_start3A_176 : memref<640x128xf32, #tpu.memory_space<hbm>>) target(%dma_start3A_174 : memref<640x128xf32, #tpu.memory_space<vmem_shared>>) target_semaphore(%run_scoped3A : memref<!tpu.dma_semaphore, #tpu.memory_space<semaphore_mem>>)
      %dma_wait3A_177 = arith.constant 0 : i32
      %dma_wait3A_178 = tpu.memref_slice %arg10[%multiple_of3A, %dma_wait3A_177] : memref<10240x128xf32, #tpu.memory_space<vmem_shared>> -> memref<640x128xf32, #tpu.memory_space<vmem_shared>>
      %dma_wait3A_179 = arith.constant 0 : i32
      %dma_wait3A_180 = tpu.memref_slice %arg5[%multiple_of3A, %dma_wait3A_179] : memref<10240x128xf32, #tpu.memory_space<hbm>> -> memref<640x128xf32, #tpu.memory_space<hbm>>
      tpu.wait_dma2 semaphore(%run_scoped3A : memref<!tpu.dma_semaphore, #tpu.memory_space<semaphore_mem>>) src(%dma_wait3A_180 : memref<640x128xf32, #tpu.memory_space<hbm>>) dst(%dma_wait3A_178 : memref<640x128xf32, #tpu.memory_space<vmem_shared>>)
      tpu.yield
    }) : () -> ()
    %rem3A = arith.constant 0 : i32
    %rem3A_3 = arith.constant 3 : i32
    %rem3A_4 = arith.remsi %rem3A, %rem3A_3 : i32
    %dma_start3A = arith.constant 0 : i32
    %dma_start3A_5 = arith.constant 0 : i32
    %dma_start3A_6 = tpu.memref_slice %arg7[%rem3A_4, %dma_start3A, %dma_start3A_5] : memref<3x8x96xi32, #tpu.memory_space<vmem>> -> memref<1x8x96xi32, #tpu.memory_space<vmem>>
    %dma_start3A_7 = tpu.memref_squeeze %dma_start3A_6 : memref<1x8x96xi32, #tpu.memory_space<vmem>> -> memref<8x96xi32, #tpu.memory_space<vmem>>
    %dma_start3A_8 = arith.constant 0 : i32
    %dma_start3A_9 = arith.constant 0 : i32
    %dma_start3A_10 = tpu.memref_slice %arg3[%add3A, %dma_start3A_8, %dma_start3A_9] : memref<32x112x96xi32, #tpu.memory_space<hbm>> -> memref<1x8x96xi32, #tpu.memory_space<hbm>>
    %dma_start3A_11 = tpu.memref_squeeze %dma_start3A_10 : memref<1x8x96xi32, #tpu.memory_space<hbm>> -> memref<8x96xi32, #tpu.memory_space<hbm>>
    %dma_start3A_12 = arith.constant 0 : i32
    %dma_start3A_13 = arith.constant 0 : i32
    %dma_start3A_14 = tpu.memref_slice %arg7[%rem3A_4, %dma_start3A_12, %dma_start3A_13] : memref<3x8x96xi32, #tpu.memory_space<vmem>> -> memref<1x8x96xi32, #tpu.memory_space<vmem>>
    %dma_start3A_15 = tpu.memref_squeeze %dma_start3A_14 : memref<1x8x96xi32, #tpu.memory_space<vmem>> -> memref<8x96xi32, #tpu.memory_space<vmem>>
    %dma_start3A_16 = arith.constant 0 : i32
    %dma_start3A_17 = arith.constant 0 : i32
    %dma_start3A_18 = tpu.memref_slice %arg3[%add3A, %dma_start3A_16, %dma_start3A_17] : memref<32x112x96xi32, #tpu.memory_space<hbm>> -> memref<1x8x96xi32, #tpu.memory_space<hbm>>
    %dma_start3A_19 = tpu.memref_squeeze %dma_start3A_18 : memref<1x8x96xi32, #tpu.memory_space<hbm>> -> memref<8x96xi32, #tpu.memory_space<hbm>>
    tpu.enqueue_dma source(%dma_start3A_19 : memref<8x96xi32, #tpu.memory_space<hbm>>) target(%dma_start3A_15 : memref<8x96xi32, #tpu.memory_space<vmem>>) target_semaphore(%arg11 : memref<!tpu.dma_semaphore, #tpu.memory_space<semaphore_mem>>)
    %dma_start3A_20 = arith.constant 0 : i32
    %dma_start3A_21 = arith.constant 0 : i32
    %dma_start3A_22 = tpu.memref_slice %arg8[%rem3A_4, %dma_start3A_20, %dma_start3A_21] : memref<3x8x96xi32, #tpu.memory_space<vmem>> -> memref<1x8x96xi32, #tpu.memory_space<vmem>>
    %dma_start3A_23 = tpu.memref_squeeze %dma_start3A_22 : memref<1x8x96xi32, #tpu.memory_space<vmem>> -> memref<8x96xi32, #tpu.memory_space<vmem>>
    %dma_start3A_24 = arith.constant 0 : i32
    %dma_start3A_25 = arith.constant 0 : i32
    %dma_start3A_26 = tpu.memref_slice %arg4[%add3A, %dma_start3A_24, %dma_start3A_25] : memref<32x112x96xi32, #tpu.memory_space<hbm>> -> memref<1x8x96xi32, #tpu.memory_space<hbm>>
    %dma_start3A_27 = tpu.memref_squeeze %dma_start3A_26 : memref<1x8x96xi32, #tpu.memory_space<hbm>> -> memref<8x96xi32, #tpu.memory_space<hbm>>
    %dma_start3A_28 = arith.constant 0 : i32
    %dma_start3A_29 = arith.constant 0 : i32
    %dma_start3A_30 = tpu.memref_slice %arg8[%rem3A_4, %dma_start3A_28, %dma_start3A_29] : memref<3x8x96xi32, #tpu.memory_space<vmem>> -> memref<1x8x96xi32, #tpu.memory_space<vmem>>
    %dma_start3A_31 = tpu.memref_squeeze %dma_start3A_30 : memref<1x8x96xi32, #tpu.memory_space<vmem>> -> memref<8x96xi32, #tpu.memory_space<vmem>>
    %dma_start3A_32 = arith.constant 0 : i32
    %dma_start3A_33 = arith.constant 0 : i32
    %dma_start3A_34 = tpu.memref_slice %arg4[%add3A, %dma_start3A_32, %dma_start3A_33] : memref<32x112x96xi32, #tpu.memory_space<hbm>> -> memref<1x8x96xi32, #tpu.memory_space<hbm>>
    %dma_start3A_35 = tpu.memref_squeeze %dma_start3A_34 : memref<1x8x96xi32, #tpu.memory_space<hbm>> -> memref<8x96xi32, #tpu.memory_space<hbm>>
    tpu.enqueue_dma source(%dma_start3A_35 : memref<8x96xi32, #tpu.memory_space<hbm>>) target(%dma_start3A_31 : memref<8x96xi32, #tpu.memory_space<vmem>>) target_semaphore(%arg11 : memref<!tpu.dma_semaphore, #tpu.memory_space<semaphore_mem>>)
    %rem3A_36 = arith.constant 0 : i32
    %rem3A_37 = arith.constant 3 : i32
    %rem3A_38 = arith.remsi %rem3A_36, %rem3A_37 : i32
    %dma_wait3A = arith.constant 0 : i32
    %dma_wait3A_39 = arith.constant 0 : i32
    %dma_wait3A_40 = tpu.memref_slice %arg7[%rem3A_38, %dma_wait3A, %dma_wait3A_39] : memref<3x8x96xi32, #tpu.memory_space<vmem>> -> memref<1x8x96xi32, #tpu.memory_space<vmem>>
    %dma_wait3A_41 = tpu.memref_squeeze %dma_wait3A_40 : memref<1x8x96xi32, #tpu.memory_space<vmem>> -> memref<8x96xi32, #tpu.memory_space<vmem>>
    %dma_wait3A_42 = arith.constant 0 : i32
    %dma_wait3A_43 = arith.constant 0 : i32
    %dma_wait3A_44 = tpu.memref_slice %arg3[%add3A, %dma_wait3A_42, %dma_wait3A_43] : memref<32x112x96xi32, #tpu.memory_space<hbm>> -> memref<1x8x96xi32, #tpu.memory_space<hbm>>
    %dma_wait3A_45 = tpu.memref_squeeze %dma_wait3A_44 : memref<1x8x96xi32, #tpu.memory_space<hbm>> -> memref<8x96xi32, #tpu.memory_space<hbm>>
    %dma_wait3A_46 = arith.constant 0 : i32
    %dma_wait3A_47 = arith.constant 0 : i32
    %dma_wait3A_48 = tpu.memref_slice %arg7[%rem3A_38, %dma_wait3A_46, %dma_wait3A_47] : memref<3x8x96xi32, #tpu.memory_space<vmem>> -> memref<1x8x96xi32, #tpu.memory_space<vmem>>
    %dma_wait3A_49 = tpu.memref_squeeze %dma_wait3A_48 : memref<1x8x96xi32, #tpu.memory_space<vmem>> -> memref<8x96xi32, #tpu.memory_space<vmem>>
    %dma_wait3A_50 = arith.constant 0 : i32
    %dma_wait3A_51 = arith.constant 0 : i32
    %dma_wait3A_52 = tpu.memref_slice %arg3[%add3A, %dma_wait3A_50, %dma_wait3A_51] : memref<32x112x96xi32, #tpu.memory_space<hbm>> -> memref<1x8x96xi32, #tpu.memory_space<hbm>>
    %dma_wait3A_53 = tpu.memref_squeeze %dma_wait3A_52 : memref<1x8x96xi32, #tpu.memory_space<hbm>> -> memref<8x96xi32, #tpu.memory_space<hbm>>
    tpu.wait_dma2 semaphore(%arg11 : memref<!tpu.dma_semaphore, #tpu.memory_space<semaphore_mem>>) src(%dma_wait3A_53 : memref<8x96xi32, #tpu.memory_space<hbm>>) dst(%dma_wait3A_49 : memref<8x96xi32, #tpu.memory_space<vmem>>)
    %dma_wait3A_54 = arith.constant 0 : i32
    %dma_wait3A_55 = arith.constant 0 : i32
    %dma_wait3A_56 = tpu.memref_slice %arg8[%rem3A_38, %dma_wait3A_54, %dma_wait3A_55] : memref<3x8x96xi32, #tpu.memory_space<vmem>> -> memref<1x8x96xi32, #tpu.memory_space<vmem>>
    %dma_wait3A_57 = tpu.memref_squeeze %dma_wait3A_56 : memref<1x8x96xi32, #tpu.memory_space<vmem>> -> memref<8x96xi32, #tpu.memory_space<vmem>>
    %dma_wait3A_58 = arith.constant 0 : i32
    %dma_wait3A_59 = arith.constant 0 : i32
    %dma_wait3A_60 = tpu.memref_slice %arg4[%add3A, %dma_wait3A_58, %dma_wait3A_59] : memref<32x112x96xi32, #tpu.memory_space<hbm>> -> memref<1x8x96xi32, #tpu.memory_space<hbm>>
    %dma_wait3A_61 = tpu.memref_squeeze %dma_wait3A_60 : memref<1x8x96xi32, #tpu.memory_space<hbm>> -> memref<8x96xi32, #tpu.memory_space<hbm>>
    %dma_wait3A_62 = arith.constant 0 : i32
    %dma_wait3A_63 = arith.constant 0 : i32
    %dma_wait3A_64 = tpu.memref_slice %arg8[%rem3A_38, %dma_wait3A_62, %dma_wait3A_63] : memref<3x8x96xi32, #tpu.memory_space<vmem>> -> memref<1x8x96xi32, #tpu.memory_space<vmem>>
    %dma_wait3A_65 = tpu.memref_squeeze %dma_wait3A_64 : memref<1x8x96xi32, #tpu.memory_space<vmem>> -> memref<8x96xi32, #tpu.memory_space<vmem>>
    %dma_wait3A_66 = arith.constant 0 : i32
    %dma_wait3A_67 = arith.constant 0 : i32
    %dma_wait3A_68 = tpu.memref_slice %arg4[%add3A, %dma_wait3A_66, %dma_wait3A_67] : memref<32x112x96xi32, #tpu.memory_space<hbm>> -> memref<1x8x96xi32, #tpu.memory_space<hbm>>
    %dma_wait3A_69 = tpu.memref_squeeze %dma_wait3A_68 : memref<1x8x96xi32, #tpu.memory_space<hbm>> -> memref<8x96xi32, #tpu.memory_space<hbm>>
    tpu.wait_dma2 semaphore(%arg11 : memref<!tpu.dma_semaphore, #tpu.memory_space<semaphore_mem>>) src(%dma_wait3A_69 : memref<8x96xi32, #tpu.memory_space<hbm>>) dst(%dma_wait3A_65 : memref<8x96xi32, #tpu.memory_space<vmem>>)
    %rem3A_70 = arith.constant 1 : i32
    %rem3A_71 = arith.constant 3 : i32
    %rem3A_72 = arith.remsi %rem3A_70, %rem3A_71 : i32
    %dma_start3A_73 = arith.constant 0 : i32
    %dma_start3A_74 = arith.constant 0 : i32
    %dma_start3A_75 = tpu.memref_slice %arg7[%rem3A_72, %dma_start3A_73, %dma_start3A_74] : memref<3x8x96xi32, #tpu.memory_space<vmem>> -> memref<1x8x96xi32, #tpu.memory_space<vmem>>
    %dma_start3A_76 = tpu.memref_squeeze %dma_start3A_75 : memref<1x8x96xi32, #tpu.memory_space<vmem>> -> memref<8x96xi32, #tpu.memory_space<vmem>>
    %dma_start3A_77 = arith.constant 8 : i32
    %dma_start3A_78 = arith.constant 0 : i32
    %dma_start3A_79 = tpu.memref_slice %arg3[%add3A, %dma_start3A_77, %dma_start3A_78] : memref<32x112x96xi32, #tpu.memory_space<hbm>> -> memref<1x8x96xi32, #tpu.memory_space<hbm>>
    %dma_start3A_80 = tpu.memref_squeeze %dma_start3A_79 : memref<1x8x96xi32, #tpu.memory_space<hbm>> -> memref<8x96xi32, #tpu.memory_space<hbm>>
    %dma_start3A_81 = arith.constant 0 : i32
    %dma_start3A_82 = arith.constant 0 : i32
    %dma_start3A_83 = tpu.memref_slice %arg7[%rem3A_72, %dma_start3A_81, %dma_start3A_82] : memref<3x8x96xi32, #tpu.memory_space<vmem>> -> memref<1x8x96xi32, #tpu.memory_space<vmem>>
    %dma_start3A_84 = tpu.memref_squeeze %dma_start3A_83 : memref<1x8x96xi32, #tpu.memory_space<vmem>> -> memref<8x96xi32, #tpu.memory_space<vmem>>
    %dma_start3A_85 = arith.constant 8 : i32
    %dma_start3A_86 = arith.constant 0 : i32
    %dma_start3A_87 = tpu.memref_slice %arg3[%add3A, %dma_start3A_85, %dma_start3A_86] : memref<32x112x96xi32, #tpu.memory_space<hbm>> -> memref<1x8x96xi32, #tpu.memory_space<hbm>>
    %dma_start3A_88 = tpu.memref_squeeze %dma_start3A_87 : memref<1x8x96xi32, #tpu.memory_space<hbm>> -> memref<8x96xi32, #tpu.memory_space<hbm>>
    tpu.enqueue_dma source(%dma_start3A_88 : memref<8x96xi32, #tpu.memory_space<hbm>>) target(%dma_start3A_84 : memref<8x96xi32, #tpu.memory_space<vmem>>) target_semaphore(%arg11 : memref<!tpu.dma_semaphore, #tpu.memory_space<semaphore_mem>>)
    %dma_start3A_89 = arith.constant 0 : i32
    %dma_start3A_90 = arith.constant 0 : i32
    %dma_start3A_91 = tpu.memref_slice %arg8[%rem3A_72, %dma_start3A_89, %dma_start3A_90] : memref<3x8x96xi32, #tpu.memory_space<vmem>> -> memref<1x8x96xi32, #tpu.memory_space<vmem>>
    %dma_start3A_92 = tpu.memref_squeeze %dma_start3A_91 : memref<1x8x96xi32, #tpu.memory_space<vmem>> -> memref<8x96xi32, #tpu.memory_space<vmem>>
    %dma_start3A_93 = arith.constant 8 : i32
    %dma_start3A_94 = arith.constant 0 : i32
    %dma_start3A_95 = tpu.memref_slice %arg4[%add3A, %dma_start3A_93, %dma_start3A_94] : memref<32x112x96xi32, #tpu.memory_space<hbm>> -> memref<1x8x96xi32, #tpu.memory_space<hbm>>
    %dma_start3A_96 = tpu.memref_squeeze %dma_start3A_95 : memref<1x8x96xi32, #tpu.memory_space<hbm>> -> memref<8x96xi32, #tpu.memory_space<hbm>>
    %dma_start3A_97 = arith.constant 0 : i32
    %dma_start3A_98 = arith.constant 0 : i32
    %dma_start3A_99 = tpu.memref_slice %arg8[%rem3A_72, %dma_start3A_97, %dma_start3A_98] : memref<3x8x96xi32, #tpu.memory_space<vmem>> -> memref<1x8x96xi32, #tpu.memory_space<vmem>>
    %dma_start3A_100 = tpu.memref_squeeze %dma_start3A_99 : memref<1x8x96xi32, #tpu.memory_space<vmem>> -> memref<8x96xi32, #tpu.memory_space<vmem>>
    %dma_start3A_101 = arith.constant 8 : i32
    %dma_start3A_102 = arith.constant 0 : i32
    %dma_start3A_103 = tpu.memref_slice %arg4[%add3A, %dma_start3A_101, %dma_start3A_102] : memref<32x112x96xi32, #tpu.memory_space<hbm>> -> memref<1x8x96xi32, #tpu.memory_space<hbm>>
    %dma_start3A_104 = tpu.memref_squeeze %dma_start3A_103 : memref<1x8x96xi32, #tpu.memory_space<hbm>> -> memref<8x96xi32, #tpu.memory_space<hbm>>
    tpu.enqueue_dma source(%dma_start3A_104 : memref<8x96xi32, #tpu.memory_space<hbm>>) target(%dma_start3A_100 : memref<8x96xi32, #tpu.memory_space<vmem>>) target_semaphore(%arg11 : memref<!tpu.dma_semaphore, #tpu.memory_space<semaphore_mem>>)
    %div3A = arith.constant 0 : i32
    %div3A_105 = arith.constant 8 : i32
    %div3A_106 = arith.divsi %div3A, %div3A_105 : i32
    %rem3A_107 = arith.constant 3 : i32
    %rem3A_108 = arith.remsi %div3A_106, %rem3A_107 : i32
    %rem3A_109 = arith.constant 0 : i32
    %rem3A_110 = arith.constant 8 : i32
    %rem3A_111 = arith.remsi %rem3A_109, %rem3A_110 : i32
    %rem3A_112 = arith.constant 0 : i32
    %rem3A_113 = arith.constant 3 : i32
    %rem3A_114 = arith.remsi %rem3A_112, %rem3A_113 : i32
    %dma_start3A_115 = arith.constant 0 : i32
    %dma_start3A_116 = arith.constant 0 : i32
    %dma_start3A_117 = tpu.memref_slice %arg9[%rem3A_114, %dma_start3A_115, %dma_start3A_116] : memref<3x96x128xf32, #tpu.memory_space<vmem>> -> memref<1x96x128xf32, #tpu.memory_space<vmem>>
    %dma_start3A_118 = tpu.memref_squeeze %dma_start3A_117 : memref<1x96x128xf32, #tpu.memory_space<vmem>> -> memref<96x128xf32, #tpu.memory_space<vmem>>
    %dma_start3A_119 = arith.constant 0 : i32
    %dma_start3A_120 = tpu.memref_slice %arg7[%rem3A_108, %rem3A_111, %dma_start3A_119] : memref<3x8x96xi32, #tpu.memory_space<vmem>> -> memref<1x1x96xi32, #tpu.memory_space<vmem>>
    %dma_start3A_121 = tpu.memref_squeeze %dma_start3A_120 : memref<1x1x96xi32, #tpu.memory_space<vmem>> -> memref<96xi32, #tpu.memory_space<vmem>>
    %dma_start3A_122 = arith.constant 0 : i32
    %dma_start3A_123 = arith.constant 0 : i32
    %dma_start3A_124 = tpu.memref_slice %arg2[%dma_start3A_122, %dma_start3A_123] : memref<10240x128xf32, #tpu.memory_space<hbm>> -> memref<10240x128xf32, #tpu.memory_space<hbm>>
    tpu.enqueue_indirect_dma source(%dma_start3A_124 : memref<10240x128xf32, #tpu.memory_space<hbm>>) target(%dma_start3A_118 : memref<96x128xf32, #tpu.memory_space<vmem>>) offsets(%dma_start3A_121 : memref<96xi32, #tpu.memory_space<vmem>>) semaphore(%arg12 : memref<!tpu.dma_semaphore, #tpu.memory_space<semaphore_mem>>)
    %div3A_125 = arith.constant 1 : i32
    %div3A_126 = arith.constant 8 : i32
    %div3A_127 = arith.divsi %div3A_125, %div3A_126 : i32
    %rem3A_128 = arith.constant 3 : i32
    %rem3A_129 = arith.remsi %div3A_127, %rem3A_128 : i32
    %rem3A_130 = arith.constant 1 : i32
    %rem3A_131 = arith.constant 8 : i32
    %rem3A_132 = arith.remsi %rem3A_130, %rem3A_131 : i32
    %rem3A_133 = arith.constant 1 : i32
    %rem3A_134 = arith.constant 3 : i32
    %rem3A_135 = arith.remsi %rem3A_133, %rem3A_134 : i32
    %dma_start3A_136 = arith.constant 0 : i32
    %dma_start3A_137 = arith.constant 0 : i32
    %dma_start3A_138 = tpu.memref_slice %arg9[%rem3A_135, %dma_start3A_136, %dma_start3A_137] : memref<3x96x128xf32, #tpu.memory_space<vmem>> -> memref<1x96x128xf32, #tpu.memory_space<vmem>>
    %dma_start3A_139 = tpu.memref_squeeze %dma_start3A_138 : memref<1x96x128xf32, #tpu.memory_space<vmem>> -> memref<96x128xf32, #tpu.memory_space<vmem>>
    %dma_start3A_140 = arith.constant 0 : i32
    %dma_start3A_141 = tpu.memref_slice %arg7[%rem3A_129, %rem3A_132, %dma_start3A_140] : memref<3x8x96xi32, #tpu.memory_space<vmem>> -> memref<1x1x96xi32, #tpu.memory_space<vmem>>
    %dma_start3A_142 = tpu.memref_squeeze %dma_start3A_141 : memref<1x1x96xi32, #tpu.memory_space<vmem>> -> memref<96xi32, #tpu.memory_space<vmem>>
    %dma_start3A_143 = arith.constant 0 : i32
    %dma_start3A_144 = arith.constant 0 : i32
    %dma_start3A_145 = tpu.memref_slice %arg2[%dma_start3A_143, %dma_start3A_144] : memref<10240x128xf32, #tpu.memory_space<hbm>> -> memref<10240x128xf32, #tpu.memory_space<hbm>>
    tpu.enqueue_indirect_dma source(%dma_start3A_145 : memref<10240x128xf32, #tpu.memory_space<hbm>>) target(%dma_start3A_139 : memref<96x128xf32, #tpu.memory_space<vmem>>) offsets(%dma_start3A_142 : memref<96xi32, #tpu.memory_space<vmem>>) semaphore(%arg12 : memref<!tpu.dma_semaphore, #tpu.memory_space<semaphore_mem>>)
    %barrier3A = arith.constant 0 : index
    tpu.barrier barrier_id(%barrier3A)
    %scan3A = arith.constant 0 : i32
    %scan3A_146 = arith.constant 0 : i32
    %scan3A_147 = arith.constant 112 : i32
    %scan3A_148 = arith.addi %scan3A_146, %scan3A_147 : i32
    %scan3A_149 = arith.constant 1 : i32
    scf.for %scan3A_173 = %scan3A_146 to %scan3A_148 step %scan3A_149  : i32 {
      %div3A_174 = arith.constant 8 : i32
      %div3A_175 = arith.divsi %scan3A_173, %div3A_174 : i32
      %rem3A_176 = arith.constant 3 : i32
      %rem3A_177 = arith.remsi %div3A_175, %rem3A_176 : i32
      %rem3A_178 = arith.constant 8 : i32
      %rem3A_179 = arith.remsi %scan3A_173, %rem3A_178 : i32
      %rem3A_180 = arith.constant 3 : i32
      %rem3A_181 = arith.remsi %scan3A_173, %rem3A_180 : i32
      %dma_wait3A_182 = arith.constant 0 : i32
      %dma_wait3A_183 = arith.constant 0 : i32
      %dma_wait3A_184 = tpu.memref_slice %arg9[%rem3A_181, %dma_wait3A_182, %dma_wait3A_183] : memref<3x96x128xf32, #tpu.memory_space<vmem>> -> memref<1x96x128xf32, #tpu.memory_space<vmem>>
      %dma_wait3A_185 = tpu.memref_squeeze %dma_wait3A_184 : memref<1x96x128xf32, #tpu.memory_space<vmem>> -> memref<96x128xf32, #tpu.memory_space<vmem>>
      %dma_wait3A_186 = arith.constant 0 : i32
      %dma_wait3A_187 = tpu.memref_slice %arg7[%rem3A_177, %rem3A_179, %dma_wait3A_186] : memref<3x8x96xi32, #tpu.memory_space<vmem>> -> memref<1x1x96xi32, #tpu.memory_space<vmem>>
      %dma_wait3A_188 = tpu.memref_squeeze %dma_wait3A_187 : memref<1x1x96xi32, #tpu.memory_space<vmem>> -> memref<96xi32, #tpu.memory_space<vmem>>
      %dma_wait3A_189 = arith.constant 0 : i32
      %dma_wait3A_190 = arith.constant 0 : i32
      %dma_wait3A_191 = tpu.memref_slice %arg2[%dma_wait3A_189, %dma_wait3A_190] : memref<10240x128xf32, #tpu.memory_space<hbm>> -> memref<10240x128xf32, #tpu.memory_space<hbm>>
      tpu.wait_indirect_dma semaphore(%arg12 : memref<!tpu.dma_semaphore, #tpu.memory_space<semaphore_mem>>) src(%dma_wait3A_191 : memref<10240x128xf32, #tpu.memory_space<hbm>>) dst(%dma_wait3A_185 : memref<96x128xf32, #tpu.memory_space<vmem>>)
      %div3A_192 = arith.constant 8 : i32
      %div3A_193 = arith.divsi %scan3A_173, %div3A_192 : i32
      %rem3A_194 = arith.constant 3 : i32
      %rem3A_195 = arith.remsi %div3A_193, %rem3A_194 : i32
      %rem3A_196 = arith.constant 8 : i32
      %rem3A_197 = arith.remsi %scan3A_173, %rem3A_196 : i32
      %rem3A_198 = arith.constant 3 : i32
      %rem3A_199 = arith.remsi %scan3A_173, %rem3A_198 : i32
      %dma_start3A_200 = arith.constant 0 : i32
      %dma_start3A_201 = arith.constant 0 : i32
      %dma_start3A_202 = tpu.memref_slice %arg9[%rem3A_199, %dma_start3A_200, %dma_start3A_201] : memref<3x96x128xf32, #tpu.memory_space<vmem>> -> memref<1x96x128xf32, #tpu.memory_space<vmem>>
      %dma_start3A_203 = tpu.memref_squeeze %dma_start3A_202 : memref<1x96x128xf32, #tpu.memory_space<vmem>> -> memref<96x128xf32, #tpu.memory_space<vmem>>
      %dma_start3A_204 = arith.constant 0 : i32
      %dma_start3A_205 = tpu.memref_slice %arg8[%rem3A_195, %rem3A_197, %dma_start3A_204] : memref<3x8x96xi32, #tpu.memory_space<vmem>> -> memref<1x1x96xi32, #tpu.memory_space<vmem>>
      %dma_start3A_206 = tpu.memref_squeeze %dma_start3A_205 : memref<1x1x96xi32, #tpu.memory_space<vmem>> -> memref<96xi32, #tpu.memory_space<vmem>>
      %dma_start3A_207 = arith.constant 0 : i32
      %dma_start3A_208 = arith.constant 0 : i32
      %dma_start3A_209 = tpu.memref_slice %arg10[%dma_start3A_207, %dma_start3A_208] : memref<10240x128xf32, #tpu.memory_space<vmem_shared>> -> memref<10240x128xf32, #tpu.memory_space<vmem_shared>>
      tpu.enqueue_indirect_dma source(%dma_start3A_203 : memref<96x128xf32, #tpu.memory_space<vmem>>) target(%dma_start3A_209 : memref<10240x128xf32, #tpu.memory_space<vmem_shared>>) offsets(%dma_start3A_206 : memref<96xi32, #tpu.memory_space<vmem>>) semaphore(%arg13 : memref<!tpu.dma_semaphore, #tpu.memory_space<semaphore_mem>>) {add = true}
      %ge3A = arith.constant 1 : i32
      %ge3A_210 = arith.cmpi sge, %scan3A_173, %ge3A : i32
      %convert_element_type3A = arith.extui %ge3A_210 : i1 to i32
      %cond3A = arith.constant 0 : i32
      %cond3A_211 = arith.cmpi ne, %convert_element_type3A, %cond3A : i32
      scf.if %cond3A_211 {
        %sub3A = arith.constant 1 : i32
        %sub3A_218 = arith.subi %scan3A_173, %sub3A : i32
        %div3A_219 = arith.constant 8 : i32
        %div3A_220 = arith.divsi %sub3A_218, %div3A_219 : i32
        %rem3A_221 = arith.constant 3 : i32
        %rem3A_222 = arith.remsi %div3A_220, %rem3A_221 : i32
        %rem3A_223 = arith.constant 8 : i32
        %rem3A_224 = arith.remsi %sub3A_218, %rem3A_223 : i32
        %rem3A_225 = arith.constant 3 : i32
        %rem3A_226 = arith.remsi %sub3A_218, %rem3A_225 : i32
        %dma_wait3A_227 = arith.constant 0 : i32
        %dma_wait3A_228 = arith.constant 0 : i32
        %dma_wait3A_229 = tpu.memref_slice %arg9[%rem3A_226, %dma_wait3A_227, %dma_wait3A_228] : memref<3x96x128xf32, #tpu.memory_space<vmem>> -> memref<1x96x128xf32, #tpu.memory_space<vmem>>
        %dma_wait3A_230 = tpu.memref_squeeze %dma_wait3A_229 : memref<1x96x128xf32, #tpu.memory_space<vmem>> -> memref<96x128xf32, #tpu.memory_space<vmem>>
        %dma_wait3A_231 = arith.constant 0 : i32
        %dma_wait3A_232 = tpu.memref_slice %arg8[%rem3A_222, %rem3A_224, %dma_wait3A_231] : memref<3x8x96xi32, #tpu.memory_space<vmem>> -> memref<1x1x96xi32, #tpu.memory_space<vmem>>
        %dma_wait3A_233 = tpu.memref_squeeze %dma_wait3A_232 : memref<1x1x96xi32, #tpu.memory_space<vmem>> -> memref<96xi32, #tpu.memory_space<vmem>>
        %dma_wait3A_234 = arith.constant 0 : i32
        %dma_wait3A_235 = arith.constant 0 : i32
        %dma_wait3A_236 = tpu.memref_slice %arg10[%dma_wait3A_234, %dma_wait3A_235] : memref<10240x128xf32, #tpu.memory_space<vmem_shared>> -> memref<10240x128xf32, #tpu.memory_space<vmem_shared>>
        tpu.wait_indirect_dma semaphore(%arg13 : memref<!tpu.dma_semaphore, #tpu.memory_space<semaphore_mem>>) src(%dma_wait3A_230 : memref<96x128xf32, #tpu.memory_space<vmem>>) dst(%dma_wait3A_236 : memref<10240x128xf32, #tpu.memory_space<vmem_shared>>)
      } else {
      }
      %add3A_212 = arith.constant 2 : i32
      %add3A_213 = arith.addi %scan3A_173, %add3A_212 : i32
      %lt3A = arith.constant 112 : i32
      %lt3A_214 = arith.cmpi slt, %add3A_213, %lt3A : i32
      %convert_element_type3A_215 = arith.extui %lt3A_214 : i1 to i32
      %cond3A_216 = arith.constant 0 : i32
      %cond3A_217 = arith.cmpi ne, %convert_element_type3A_215, %cond3A_216 : i32
      scf.if %cond3A_217 {
        %add3A_218 = arith.constant 2 : i32
        %add3A_219 = arith.addi %scan3A_173, %add3A_218 : i32
        %rem3A_220 = arith.constant 8 : i32
        %rem3A_221 = arith.remsi %add3A_219, %rem3A_220 : i32
        %eq3A = arith.constant 0 : i32
        %eq3A_222 = arith.cmpi eq, %rem3A_221, %eq3A : i32
        %convert_element_type3A_223 = arith.extui %eq3A_222 : i1 to i32
        %cond3A_224 = arith.constant 0 : i32
        %cond3A_225 = arith.cmpi ne, %convert_element_type3A_223, %cond3A_224 : i32
        scf.if %cond3A_225 {
          %div3A_244 = arith.constant 8 : i32
          %div3A_245 = arith.divsi %add3A_219, %div3A_244 : i32
          %rem3A_246 = arith.constant 3 : i32
          %rem3A_247 = arith.remsi %div3A_245, %rem3A_246 : i32
          %mul3A_248 = arith.constant 8 : i32
          %mul3A_249 = arith.muli %div3A_245, %mul3A_248 : i32
          %dma_wait3A_250 = arith.constant 0 : i32
          %dma_wait3A_251 = arith.constant 0 : i32
          %dma_wait3A_252 = tpu.memref_slice %arg7[%rem3A_247, %dma_wait3A_250, %dma_wait3A_251] : memref<3x8x96xi32, #tpu.memory_space<vmem>> -> memref<1x8x96xi32, #tpu.memory_space<vmem>>
          %dma_wait3A_253 = tpu.memref_squeeze %dma_wait3A_252 : memref<1x8x96xi32, #tpu.memory_space<vmem>> -> memref<8x96xi32, #tpu.memory_space<vmem>>
          %dma_wait3A_254 = arith.constant 0 : i32
          %dma_wait3A_255 = tpu.memref_slice %arg3[%add3A, %mul3A_249, %dma_wait3A_254] : memref<32x112x96xi32, #tpu.memory_space<hbm>> -> memref<1x8x96xi32, #tpu.memory_space<hbm>>
          %dma_wait3A_256 = tpu.memref_squeeze %dma_wait3A_255 : memref<1x8x96xi32, #tpu.memory_space<hbm>> -> memref<8x96xi32, #tpu.memory_space<hbm>>
          %dma_wait3A_257 = arith.constant 0 : i32
          %dma_wait3A_258 = arith.constant 0 : i32
          %dma_wait3A_259 = tpu.memref_slice %arg7[%rem3A_247, %dma_wait3A_257, %dma_wait3A_258] : memref<3x8x96xi32, #tpu.memory_space<vmem>> -> memref<1x8x96xi32, #tpu.memory_space<vmem>>
          %dma_wait3A_260 = tpu.memref_squeeze %dma_wait3A_259 : memref<1x8x96xi32, #tpu.memory_space<vmem>> -> memref<8x96xi32, #tpu.memory_space<vmem>>
          %dma_wait3A_261 = arith.constant 0 : i32
          %dma_wait3A_262 = tpu.memref_slice %arg3[%add3A, %mul3A_249, %dma_wait3A_261] : memref<32x112x96xi32, #tpu.memory_space<hbm>> -> memref<1x8x96xi32, #tpu.memory_space<hbm>>
          %dma_wait3A_263 = tpu.memref_squeeze %dma_wait3A_262 : memref<1x8x96xi32, #tpu.memory_space<hbm>> -> memref<8x96xi32, #tpu.memory_space<hbm>>
          tpu.wait_dma2 semaphore(%arg11 : memref<!tpu.dma_semaphore, #tpu.memory_space<semaphore_mem>>) src(%dma_wait3A_263 : memref<8x96xi32, #tpu.memory_space<hbm>>) dst(%dma_wait3A_260 : memref<8x96xi32, #tpu.memory_space<vmem>>)
          %mul3A_264 = arith.constant 8 : i32
          %mul3A_265 = arith.muli %div3A_245, %mul3A_264 : i32
          %dma_wait3A_266 = arith.constant 0 : i32
          %dma_wait3A_267 = arith.constant 0 : i32
          %dma_wait3A_268 = tpu.memref_slice %arg8[%rem3A_247, %dma_wait3A_266, %dma_wait3A_267] : memref<3x8x96xi32, #tpu.memory_space<vmem>> -> memref<1x8x96xi32, #tpu.memory_space<vmem>>
          %dma_wait3A_269 = tpu.memref_squeeze %dma_wait3A_268 : memref<1x8x96xi32, #tpu.memory_space<vmem>> -> memref<8x96xi32, #tpu.memory_space<vmem>>
          %dma_wait3A_270 = arith.constant 0 : i32
          %dma_wait3A_271 = tpu.memref_slice %arg4[%add3A, %mul3A_265, %dma_wait3A_270] : memref<32x112x96xi32, #tpu.memory_space<hbm>> -> memref<1x8x96xi32, #tpu.memory_space<hbm>>
          %dma_wait3A_272 = tpu.memref_squeeze %dma_wait3A_271 : memref<1x8x96xi32, #tpu.memory_space<hbm>> -> memref<8x96xi32, #tpu.memory_space<hbm>>
          %dma_wait3A_273 = arith.constant 0 : i32
          %dma_wait3A_274 = arith.constant 0 : i32
          %dma_wait3A_275 = tpu.memref_slice %arg8[%rem3A_247, %dma_wait3A_273, %dma_wait3A_274] : memref<3x8x96xi32, #tpu.memory_space<vmem>> -> memref<1x8x96xi32, #tpu.memory_space<vmem>>
          %dma_wait3A_276 = tpu.memref_squeeze %dma_wait3A_275 : memref<1x8x96xi32, #tpu.memory_space<vmem>> -> memref<8x96xi32, #tpu.memory_space<vmem>>
          %dma_wait3A_277 = arith.constant 0 : i32
          %dma_wait3A_278 = tpu.memref_slice %arg4[%add3A, %mul3A_265, %dma_wait3A_277] : memref<32x112x96xi32, #tpu.memory_space<hbm>> -> memref<1x8x96xi32, #tpu.memory_space<hbm>>
          %dma_wait3A_279 = tpu.memref_squeeze %dma_wait3A_278 : memref<1x8x96xi32, #tpu.memory_space<hbm>> -> memref<8x96xi32, #tpu.memory_space<hbm>>
          tpu.wait_dma2 semaphore(%arg11 : memref<!tpu.dma_semaphore, #tpu.memory_space<semaphore_mem>>) src(%dma_wait3A_279 : memref<8x96xi32, #tpu.memory_space<hbm>>) dst(%dma_wait3A_276 : memref<8x96xi32, #tpu.memory_space<vmem>>)
          %add3A_280 = arith.constant 1 : i32
          %add3A_281 = arith.addi %div3A_245, %add3A_280 : i32
          %lt3A_282 = arith.constant 14 : i32
          %lt3A_283 = arith.cmpi slt, %add3A_281, %lt3A_282 : i32
          %convert_element_type3A_284 = arith.extui %lt3A_283 : i1 to i32
          %cond3A_285 = arith.constant 0 : i32
          %cond3A_286 = arith.cmpi ne, %convert_element_type3A_284, %cond3A_285 : i32
          scf.if %cond3A_286 {
            %add3A_287 = arith.constant 1 : i32
            %add3A_288 = arith.addi %div3A_245, %add3A_287 : i32
            %rem3A_289 = arith.constant 3 : i32
            %rem3A_290 = arith.remsi %add3A_288, %rem3A_289 : i32
            %mul3A_291 = arith.constant 8 : i32
            %mul3A_292 = arith.muli %add3A_288, %mul3A_291 : i32
            %dma_start3A_293 = arith.constant 0 : i32
            %dma_start3A_294 = arith.constant 0 : i32
            %dma_start3A_295 = tpu.memref_slice %arg7[%rem3A_290, %dma_start3A_293, %dma_start3A_294] : memref<3x8x96xi32, #tpu.memory_space<vmem>> -> memref<1x8x96xi32, #tpu.memory_space<vmem>>
            %dma_start3A_296 = tpu.memref_squeeze %dma_start3A_295 : memref<1x8x96xi32, #tpu.memory_space<vmem>> -> memref<8x96xi32, #tpu.memory_space<vmem>>
            %dma_start3A_297 = arith.constant 0 : i32
            %dma_start3A_298 = tpu.memref_slice %arg3[%add3A, %mul3A_292, %dma_start3A_297] : memref<32x112x96xi32, #tpu.memory_space<hbm>> -> memref<1x8x96xi32, #tpu.memory_space<hbm>>
            %dma_start3A_299 = tpu.memref_squeeze %dma_start3A_298 : memref<1x8x96xi32, #tpu.memory_space<hbm>> -> memref<8x96xi32, #tpu.memory_space<hbm>>
            %dma_start3A_300 = arith.constant 0 : i32
            %dma_start3A_301 = arith.constant 0 : i32
            %dma_start3A_302 = tpu.memref_slice %arg7[%rem3A_290, %dma_start3A_300, %dma_start3A_301] : memref<3x8x96xi32, #tpu.memory_space<vmem>> -> memref<1x8x96xi32, #tpu.memory_space<vmem>>
            %dma_start3A_303 = tpu.memref_squeeze %dma_start3A_302 : memref<1x8x96xi32, #tpu.memory_space<vmem>> -> memref<8x96xi32, #tpu.memory_space<vmem>>
            %dma_start3A_304 = arith.constant 0 : i32
            %dma_start3A_305 = tpu.memref_slice %arg3[%add3A, %mul3A_292, %dma_start3A_304] : memref<32x112x96xi32, #tpu.memory_space<hbm>> -> memref<1x8x96xi32, #tpu.memory_space<hbm>>
            %dma_start3A_306 = tpu.memref_squeeze %dma_start3A_305 : memref<1x8x96xi32, #tpu.memory_space<hbm>> -> memref<8x96xi32, #tpu.memory_space<hbm>>
            tpu.enqueue_dma source(%dma_start3A_306 : memref<8x96xi32, #tpu.memory_space<hbm>>) target(%dma_start3A_303 : memref<8x96xi32, #tpu.memory_space<vmem>>) target_semaphore(%arg11 : memref<!tpu.dma_semaphore, #tpu.memory_space<semaphore_mem>>)
            %mul3A_307 = arith.constant 8 : i32
            %mul3A_308 = arith.muli %add3A_288, %mul3A_307 : i32
            %dma_start3A_309 = arith.constant 0 : i32
            %dma_start3A_310 = arith.constant 0 : i32
            %dma_start3A_311 = tpu.memref_slice %arg8[%rem3A_290, %dma_start3A_309, %dma_start3A_310] : memref<3x8x96xi32, #tpu.memory_space<vmem>> -> memref<1x8x96xi32, #tpu.memory_space<vmem>>
            %dma_start3A_312 = tpu.memref_squeeze %dma_start3A_311 : memref<1x8x96xi32, #tpu.memory_space<vmem>> -> memref<8x96xi32, #tpu.memory_space<vmem>>
            %dma_start3A_313 = arith.constant 0 : i32
            %dma_start3A_314 = tpu.memref_slice %arg4[%add3A, %mul3A_308, %dma_start3A_313] : memref<32x112x96xi32, #tpu.memory_space<hbm>> -> memref<1x8x96xi32, #tpu.memory_space<hbm>>
            %dma_start3A_315 = tpu.memref_squeeze %dma_start3A_314 : memref<1x8x96xi32, #tpu.memory_space<hbm>> -> memref<8x96xi32, #tpu.memory_space<hbm>>
            %dma_start3A_316 = arith.constant 0 : i32
            %dma_start3A_317 = arith.constant 0 : i32
            %dma_start3A_318 = tpu.memref_slice %arg8[%rem3A_290, %dma_start3A_316, %dma_start3A_317] : memref<3x8x96xi32, #tpu.memory_space<vmem>> -> memref<1x8x96xi32, #tpu.memory_space<vmem>>
            %dma_start3A_319 = tpu.memref_squeeze %dma_start3A_318 : memref<1x8x96xi32, #tpu.memory_space<vmem>> -> memref<8x96xi32, #tpu.memory_space<vmem>>
            %dma_start3A_320 = arith.constant 0 : i32
            %dma_start3A_321 = tpu.memref_slice %arg4[%add3A, %mul3A_308, %dma_start3A_320] : memref<32x112x96xi32, #tpu.memory_space<hbm>> -> memref<1x8x96xi32, #tpu.memory_space<hbm>>
            %dma_start3A_322 = tpu.memref_squeeze %dma_start3A_321 : memref<1x8x96xi32, #tpu.memory_space<hbm>> -> memref<8x96xi32, #tpu.memory_space<hbm>>
            tpu.enqueue_dma source(%dma_start3A_322 : memref<8x96xi32, #tpu.memory_space<hbm>>) target(%dma_start3A_319 : memref<8x96xi32, #tpu.memory_space<vmem>>) target_semaphore(%arg11 : memref<!tpu.dma_semaphore, #tpu.memory_space<semaphore_mem>>)
          } else {
          }
        } else {
        }
        %div3A_226 = arith.constant 8 : i32
        %div3A_227 = arith.divsi %add3A_219, %div3A_226 : i32
        %rem3A_228 = arith.constant 3 : i32
        %rem3A_229 = arith.remsi %div3A_227, %rem3A_228 : i32
        %rem3A_230 = arith.constant 8 : i32
        %rem3A_231 = arith.remsi %add3A_219, %rem3A_230 : i32
        %rem3A_232 = arith.constant 3 : i32
        %rem3A_233 = arith.remsi %add3A_219, %rem3A_232 : i32
        %dma_start3A_234 = arith.constant 0 : i32
        %dma_start3A_235 = arith.constant 0 : i32
        %dma_start3A_236 = tpu.memref_slice %arg9[%rem3A_233, %dma_start3A_234, %dma_start3A_235] : memref<3x96x128xf32, #tpu.memory_space<vmem>> -> memref<1x96x128xf32, #tpu.memory_space<vmem>>
        %dma_start3A_237 = tpu.memref_squeeze %dma_start3A_236 : memref<1x96x128xf32, #tpu.memory_space<vmem>> -> memref<96x128xf32, #tpu.memory_space<vmem>>
        %dma_start3A_238 = arith.constant 0 : i32
        %dma_start3A_239 = tpu.memref_slice %arg7[%rem3A_229, %rem3A_231, %dma_start3A_238] : memref<3x8x96xi32, #tpu.memory_space<vmem>> -> memref<1x1x96xi32, #tpu.memory_space<vmem>>
        %dma_start3A_240 = tpu.memref_squeeze %dma_start3A_239 : memref<1x1x96xi32, #tpu.memory_space<vmem>> -> memref<96xi32, #tpu.memory_space<vmem>>
        %dma_start3A_241 = arith.constant 0 : i32
        %dma_start3A_242 = arith.constant 0 : i32
        %dma_start3A_243 = tpu.memref_slice %arg2[%dma_start3A_241, %dma_start3A_242] : memref<10240x128xf32, #tpu.memory_space<hbm>> -> memref<10240x128xf32, #tpu.memory_space<hbm>>
        tpu.enqueue_indirect_dma source(%dma_start3A_243 : memref<10240x128xf32, #tpu.memory_space<hbm>>) target(%dma_start3A_237 : memref<96x128xf32, #tpu.memory_space<vmem>>) offsets(%dma_start3A_240 : memref<96xi32, #tpu.memory_space<vmem>>) semaphore(%arg12 : memref<!tpu.dma_semaphore, #tpu.memory_space<semaphore_mem>>)
      } else {
      }
    }
    %scan3A_150 = arith.constant 112 : i32
    %div3A_151 = arith.constant 111 : i32
    %div3A_152 = arith.constant 8 : i32
    %div3A_153 = arith.divsi %div3A_151, %div3A_152 : i32
    %rem3A_154 = arith.constant 3 : i32
    %rem3A_155 = arith.remsi %div3A_153, %rem3A_154 : i32
    %rem3A_156 = arith.constant 111 : i32
    %rem3A_157 = arith.constant 8 : i32
    %rem3A_158 = arith.remsi %rem3A_156, %rem3A_157 : i32
    %rem3A_159 = arith.constant 111 : i32
    %rem3A_160 = arith.constant 3 : i32
    %rem3A_161 = arith.remsi %rem3A_159, %rem3A_160 : i32
    %dma_wait3A_162 = arith.constant 0 : i32
    %dma_wait3A_163 = arith.constant 0 : i32
    %dma_wait3A_164 = tpu.memref_slice %arg9[%rem3A_161, %dma_wait3A_162, %dma_wait3A_163] : memref<3x96x128xf32, #tpu.memory_space<vmem>> -> memref<1x96x128xf32, #tpu.memory_space<vmem>>
    %dma_wait3A_165 = tpu.memref_squeeze %dma_wait3A_164 : memref<1x96x128xf32, #tpu.memory_space<vmem>> -> memref<96x128xf32, #tpu.memory_space<vmem>>
    %dma_wait3A_166 = arith.constant 0 : i32
    %dma_wait3A_167 = tpu.memref_slice %arg8[%rem3A_155, %rem3A_158, %dma_wait3A_166] : memref<3x8x96xi32, #tpu.memory_space<vmem>> -> memref<1x1x96xi32, #tpu.memory_space<vmem>>
    %dma_wait3A_168 = tpu.memref_squeeze %dma_wait3A_167 : memref<1x1x96xi32, #tpu.memory_space<vmem>> -> memref<96xi32, #tpu.memory_space<vmem>>
    %dma_wait3A_169 = arith.constant 0 : i32
    %dma_wait3A_170 = arith.constant 0 : i32
    %dma_wait3A_171 = tpu.memref_slice %arg10[%dma_wait3A_169, %dma_wait3A_170] : memref<10240x128xf32, #tpu.memory_space<vmem_shared>> -> memref<10240x128xf32, #tpu.memory_space<vmem_shared>>
    tpu.wait_indirect_dma semaphore(%arg13 : memref<!tpu.dma_semaphore, #tpu.memory_space<semaphore_mem>>) src(%dma_wait3A_165 : memref<96x128xf32, #tpu.memory_space<vmem>>) dst(%dma_wait3A_171 : memref<10240x128xf32, #tpu.memory_space<vmem_shared>>)
    %barrier3A_172 = arith.constant 0 : index
    tpu.barrier barrier_id(%barrier3A_172)
    "tpu.region"() ({
      %run_scoped3A = tpu.sem_alloc : memref<!tpu.dma_semaphore, #tpu.memory_space<semaphore_mem>>
      %dma_start3A_173 = arith.constant 0 : i32
      %dma_start3A_174 = tpu.memref_slice %arg6[%arg0, %multiple_of3A, %dma_start3A_173] : memref<2x10240x128xf32, #tpu.memory_space<hbm>> -> memref<1x640x128xf32, #tpu.memory_space<hbm>>
      %dma_start3A_175 = tpu.memref_squeeze %dma_start3A_174 : memref<1x640x128xf32, #tpu.memory_space<hbm>> -> memref<640x128xf32, #tpu.memory_space<hbm>>
      %dma_start3A_176 = arith.constant 0 : i32
      %dma_start3A_177 = tpu.memref_slice %arg10[%multiple_of3A, %dma_start3A_176] : memref<10240x128xf32, #tpu.memory_space<vmem_shared>> -> memref<640x128xf32, #tpu.memory_space<vmem_shared>>
      tpu.enqueue_dma source(%dma_start3A_177 : memref<640x128xf32, #tpu.memory_space<vmem_shared>>) target(%dma_start3A_175 : memref<640x128xf32, #tpu.memory_space<hbm>>) target_semaphore(%run_scoped3A : memref<!tpu.dma_semaphore, #tpu.memory_space<semaphore_mem>>)
      %dma_wait3A_178 = arith.constant 0 : i32
      %dma_wait3A_179 = tpu.memref_slice %arg6[%arg0, %multiple_of3A, %dma_wait3A_178] : memref<2x10240x128xf32, #tpu.memory_space<hbm>> -> memref<1x640x128xf32, #tpu.memory_space<hbm>>
      %dma_wait3A_180 = tpu.memref_squeeze %dma_wait3A_179 : memref<1x640x128xf32, #tpu.memory_space<hbm>> -> memref<640x128xf32, #tpu.memory_space<hbm>>
      %dma_wait3A_181 = arith.constant 0 : i32
      %dma_wait3A_182 = tpu.memref_slice %arg10[%multiple_of3A, %dma_wait3A_181] : memref<10240x128xf32, #tpu.memory_space<vmem_shared>> -> memref<640x128xf32, #tpu.memory_space<vmem_shared>>
      tpu.wait_dma2 semaphore(%run_scoped3A : memref<!tpu.dma_semaphore, #tpu.memory_space<semaphore_mem>>) src(%dma_wait3A_182 : memref<640x128xf32, #tpu.memory_space<vmem_shared>>) dst(%dma_wait3A_180 : memref<640x128xf32, #tpu.memory_space<hbm>>)
      tpu.yield
    }) : () -> ()
    return
  }
}

module attributes {stable_mosaic.version = 14 : i64} {
  func.func @_tc_layer_body(%arg0: i32, %arg1: memref<1280x128xf32, #tpu.memory_space<vmem>>, %arg2: memref<2x1280x128xf32, #tpu.memory_space<vmem>>, %arg3: memref<2x80x128xf32, #tpu.memory_space<vmem>>, %arg4: memref<1280x80xf32, #tpu.memory_space<vmem>>, %arg5: memref<1280x128xf32, #tpu.memory_space<vmem>>, %arg6: memref<128x128xf32, #tpu.memory_space<vmem>>, %arg7: memref<1x128xf32, #tpu.memory_space<vmem>>, %arg8: memref<128x128xf32, #tpu.memory_space<vmem>>, %arg9: memref<1280x128xf32, #tpu.memory_space<vmem>>) attributes {dimension_semantics = [#tpu.dimension_semantics<arbitrary>], iteration_bounds = array<i64: 8>, scalar_prefetch = 0 : i64, scratch_operands = 0 : i64, tpu.core_type = #tpu.core_type<tc>, window_params = [{transform_indices = @transform_0, window_bounds = array<i64: 1280, 128>}, {transform_indices = @transform_1, window_bounds = array<i64: 2, 1280, 128>}, {pipeline_mode = #tpu.pipeline_mode<synchronous>, transform_indices = @transform_2, window_bounds = array<i64: 2, 80, 128>}, {transform_indices = @transform_3, window_bounds = array<i64: 1280, 80>}, {pipeline_mode = #tpu.pipeline_mode<synchronous>, transform_indices = @transform_4, window_bounds = array<i64: 1280, 128>}, {pipeline_mode = #tpu.pipeline_mode<synchronous>, transform_indices = @transform_5, window_bounds = array<i64: 128, 128>}, {pipeline_mode = #tpu.pipeline_mode<synchronous>, transform_indices = @transform_6, window_bounds = array<i64: 1, 128>}, {pipeline_mode = #tpu.pipeline_mode<synchronous>, transform_indices = @transform_7, window_bounds = array<i64: 128, 128>}, {transform_indices = @transform_8, window_bounds = array<i64: 1280, 128>}]} {
    %get3A = arith.constant 0 : index
    %get3A_0 = arith.constant 0 : index
    %get3A_1 = vector.load %arg1[%get3A, %get3A_0] : memref<1280x128xf32, #tpu.memory_space<vmem>>, vector<1280x128xf32>
    %get3A_2 = arith.constant 0 : index
    %get3A_3 = arith.constant 0 : index
    %get3A_4 = arith.constant 0 : index
    %get3A_5 = vector.load %arg2[%get3A_2, %get3A_3, %get3A_4] : memref<2x1280x128xf32, #tpu.memory_space<vmem>>, vector<1x1280x128xf32>
    %get3A_6 = vector.shape_cast %get3A_5 : vector<1x1280x128xf32> to vector<1280x128xf32>
    %add3A = arith.addf %get3A_1, %get3A_6 : vector<1280x128xf32>
    %get3A_7 = arith.constant 1 : index
    %get3A_8 = arith.constant 0 : index
    %get3A_9 = arith.constant 0 : index
    %get3A_10 = vector.load %arg2[%get3A_7, %get3A_8, %get3A_9] : memref<2x1280x128xf32, #tpu.memory_space<vmem>>, vector<1x1280x128xf32>
    %get3A_11 = vector.shape_cast %get3A_10 : vector<1x1280x128xf32> to vector<1280x128xf32>
    %add3A_12 = arith.addf %add3A, %get3A_11 : vector<1280x128xf32>
    %get3A_13 = arith.constant 0 : index
    %get3A_14 = arith.constant 0 : index
    %get3A_15 = arith.constant 0 : index
    %get3A_16 = vector.load %arg3[%get3A_13, %get3A_14, %get3A_15] : memref<2x80x128xf32, #tpu.memory_space<vmem>>, vector<1x80x128xf32>
    %get3A_17 = vector.shape_cast %get3A_16 : vector<1x80x128xf32> to vector<80x128xf32>
    %get3A_18 = arith.constant 1 : index
    %get3A_19 = arith.constant 0 : index
    %get3A_20 = arith.constant 0 : index
    %get3A_21 = vector.load %arg3[%get3A_18, %get3A_19, %get3A_20] : memref<2x80x128xf32, #tpu.memory_space<vmem>>, vector<1x80x128xf32>
    %get3A_22 = vector.shape_cast %get3A_21 : vector<1x80x128xf32> to vector<80x128xf32>
    %add3A_23 = arith.addf %get3A_17, %get3A_22 : vector<80x128xf32>
    %get3A_24 = arith.constant 0 : index
    %get3A_25 = arith.constant 0 : index
    %get3A_26 = vector.load %arg4[%get3A_24, %get3A_25] : memref<1280x80xf32, #tpu.memory_space<vmem>>, vector<1280x80xf32>
    %dot_general3A = arith.constant dense<0.000000e+00> : vector<1280x128xf32>
    %dot_general3A_27 = tpu.matmul %get3A_26, %add3A_23, %dot_general3A {dimension_numbers = #tpu.dot_dimension_numbers<[1], [0], [0], [1], [0, 0, 1, 1], [], []>, transpose_lhs_hint = false} : vector<1280x80xf32>, vector<80x128xf32>, vector<1280x128xf32> -> vector<1280x128xf32>
    %get3A_28 = arith.constant 0 : index
    %get3A_29 = arith.constant 0 : index
    %get3A_30 = vector.load %arg5[%get3A_28, %get3A_29] : memref<1280x128xf32, #tpu.memory_space<vmem>>, vector<1280x128xf32>
    %mul3A = arith.mulf %dot_general3A_27, %get3A_30 : vector<1280x128xf32>
    %reduce_sum3A = arith.constant dense<0.000000e+00> : vector<1280xf32>
    %reduce_sum3A_31 = vector.multi_reduction <add>, %mul3A, %reduce_sum3A [1] : vector<1280x128xf32> to vector<1280xf32>
    %broadcast_in_dim3A = vector.shape_cast %reduce_sum3A_31 : vector<1280xf32> to vector<1280x1xf32>
    %add3A_32 = arith.constant 1.000000e+00 : f32
    %add3A_33 = vector.broadcast %add3A_32 : f32 to vector<1280x1xf32>
    %add3A_34 = arith.addf %add3A_33, %broadcast_in_dim3A : vector<1280x1xf32>
    %max3A = arith.constant 1.000000e+00 : f32
    %max3A_35 = vector.broadcast %max3A : f32 to vector<1280x1xf32>
    %max3A_36 = arith.maximumf %add3A_34, %max3A_35 : vector<1280x1xf32>
    %div3A = vector.broadcast %max3A_36 : vector<1280x1xf32> to vector<1280x128xf32>
    %div3A_37 = arith.divf %add3A_12, %div3A : vector<1280x128xf32>
    %get3A_38 = arith.constant 0 : index
    %get3A_39 = arith.constant 0 : index
    %get3A_40 = vector.load %arg6[%get3A_38, %get3A_39] : memref<128x128xf32, #tpu.memory_space<vmem>>, vector<128x128xf32>
    %dot_general3A_41 = arith.constant dense<0.000000e+00> : vector<1280x128xf32>
    %dot_general3A_42 = tpu.matmul %div3A_37, %get3A_40, %dot_general3A_41 {dimension_numbers = #tpu.dot_dimension_numbers<[1], [0], [0], [1], [0, 0, 1, 1], [], []>, transpose_lhs_hint = false} : vector<1280x128xf32>, vector<128x128xf32>, vector<1280x128xf32> -> vector<1280x128xf32>
    %get3A_43 = arith.constant 0 : index
    %get3A_44 = arith.constant 0 : index
    %get3A_45 = vector.load %arg8[%get3A_43, %get3A_44] : memref<128x128xf32, #tpu.memory_space<vmem>>, vector<128x128xf32>
    %dot_general3A_46 = arith.constant dense<0.000000e+00> : vector<1280x128xf32>
    %dot_general3A_47 = tpu.matmul %get3A_1, %get3A_45, %dot_general3A_46 {dimension_numbers = #tpu.dot_dimension_numbers<[1], [0], [0], [1], [0, 0, 1, 1], [], []>, transpose_lhs_hint = false} : vector<1280x128xf32>, vector<128x128xf32>, vector<1280x128xf32> -> vector<1280x128xf32>
    %add3A_48 = arith.addf %dot_general3A_42, %dot_general3A_47 : vector<1280x128xf32>
    %get3A_49 = arith.constant 0 : index
    %get3A_50 = arith.constant 0 : index
    %get3A_51 = vector.load %arg7[%get3A_49, %get3A_50] : memref<1x128xf32, #tpu.memory_space<vmem>>, vector<1x128xf32>
    %add3A_52 = vector.broadcast %get3A_51 : vector<1x128xf32> to vector<1280x128xf32>
    %add3A_53 = arith.addf %add3A_48, %add3A_52 : vector<1280x128xf32>
    %max3A_54 = arith.constant 0.000000e+00 : f32
    %max3A_55 = vector.broadcast %max3A_54 : f32 to vector<1280x128xf32>
    %max3A_56 = arith.maximumf %add3A_53, %max3A_55 : vector<1280x128xf32>
    %swap3A = arith.constant 0 : index
    %swap3A_57 = arith.constant 0 : index
    %swap3A_58 = vector.load %arg9[%swap3A, %swap3A_57] : memref<1280x128xf32, #tpu.memory_space<vmem>>, vector<1280x128xf32>
    tpu.vector_store %arg9[%swap3A, %swap3A_57], %max3A_56 {strides = array<i32>} : memref<1280x128xf32, #tpu.memory_space<vmem>>, vector<1280x128xf32>,
    return
  }
  func.func @transform_0(%arg0: i32) -> (i32, i32) {
    %c0_i32 = arith.constant 0 : i32
    %c0_i32_0 = arith.constant 0 : i32
    return %arg0, %c0_i32 : i32, i32
  }
  func.func @transform_1(%arg0: i32) -> (i32, i32, i32) {
    %c0_i32 = arith.constant 0 : i32
    %c0_i32_0 = arith.constant 0 : i32
    %c0_i32_1 = arith.constant 0 : i32
    return %c0_i32, %arg0, %c0_i32_0 : i32, i32, i32
  }
  func.func @transform_2(%arg0: i32) -> (i32, i32, i32) {
    %c0_i32 = arith.constant 0 : i32
    %c0_i32_0 = arith.constant 0 : i32
    %c0_i32_1 = arith.constant 0 : i32
    %c0_i32_2 = arith.constant 0 : i32
    return %c0_i32, %c0_i32_0, %c0_i32_1 : i32, i32, i32
  }
  func.func @transform_3(%arg0: i32) -> (i32, i32) {
    %c0_i32 = arith.constant 0 : i32
    %c0_i32_0 = arith.constant 0 : i32
    return %arg0, %c0_i32 : i32, i32
  }
  func.func @transform_4(%arg0: i32) -> (i32, i32) {
    %c0_i32 = arith.constant 0 : i32
    %c0_i32_0 = arith.constant 0 : i32
    %c0_i32_1 = arith.constant 0 : i32
    return %c0_i32, %c0_i32_0 : i32, i32
  }
  func.func @transform_5(%arg0: i32) -> (i32, i32) {
    %c0_i32 = arith.constant 0 : i32
    %c0_i32_0 = arith.constant 0 : i32
    %c0_i32_1 = arith.constant 0 : i32
    return %c0_i32, %c0_i32_0 : i32, i32
  }
  func.func @transform_6(%arg0: i32) -> (i32, i32) {
    %c0_i32 = arith.constant 0 : i32
    %c0_i32_0 = arith.constant 0 : i32
    %c0_i32_1 = arith.constant 0 : i32
    return %c0_i32, %c0_i32_0 : i32, i32
  }
  func.func @transform_7(%arg0: i32) -> (i32, i32) {
    %c0_i32 = arith.constant 0 : i32
    %c0_i32_0 = arith.constant 0 : i32
    %c0_i32_1 = arith.constant 0 : i32
    return %c0_i32, %c0_i32_0 : i32, i32
  }
  func.func @transform_8(%arg0: i32) -> (i32, i32) {
    %c0_i32 = arith.constant 0 : i32
    %c0_i32_0 = arith.constant 0 : i32
    return %arg0, %c0_i32 : i32, i32
  }
}

module attributes {stable_mosaic.version = 14 : i64} {
  func.func @_tc_layer_body(%arg0: i32, %arg1: memref<1280x128xf32, #tpu.memory_space<vmem>>, %arg2: memref<2x1280x128xf32, #tpu.memory_space<vmem>>, %arg3: memref<2x80x128xf32, #tpu.memory_space<vmem>>, %arg4: memref<1280x80xf32, #tpu.memory_space<vmem>>, %arg5: memref<1280x128xf32, #tpu.memory_space<vmem>>, %arg6: memref<128x128xf32, #tpu.memory_space<vmem>>, %arg7: memref<1x128xf32, #tpu.memory_space<vmem>>, %arg8: memref<128x128xf32, #tpu.memory_space<vmem>>, %arg9: memref<1280x128xf32, #tpu.memory_space<vmem>>) attributes {dimension_semantics = [#tpu.dimension_semantics<arbitrary>], iteration_bounds = array<i64: 8>, scalar_prefetch = 0 : i64, scratch_operands = 0 : i64, tpu.core_type = #tpu.core_type<tc>, window_params = [{transform_indices = @transform_0, window_bounds = array<i64: 1280, 128>}, {transform_indices = @transform_1, window_bounds = array<i64: 2, 1280, 128>}, {pipeline_mode = #tpu.pipeline_mode<synchronous>, transform_indices = @transform_2, window_bounds = array<i64: 2, 80, 128>}, {transform_indices = @transform_3, window_bounds = array<i64: 1280, 80>}, {pipeline_mode = #tpu.pipeline_mode<synchronous>, transform_indices = @transform_4, window_bounds = array<i64: 1280, 128>}, {pipeline_mode = #tpu.pipeline_mode<synchronous>, transform_indices = @transform_5, window_bounds = array<i64: 128, 128>}, {pipeline_mode = #tpu.pipeline_mode<synchronous>, transform_indices = @transform_6, window_bounds = array<i64: 1, 128>}, {pipeline_mode = #tpu.pipeline_mode<synchronous>, transform_indices = @transform_7, window_bounds = array<i64: 128, 128>}, {transform_indices = @transform_8, window_bounds = array<i64: 1280, 128>}]} {
    %get3A = arith.constant 0 : index
    %get3A_0 = arith.constant 0 : index
    %get3A_1 = vector.load %arg1[%get3A, %get3A_0] : memref<1280x128xf32, #tpu.memory_space<vmem>>, vector<1280x128xf32>
    %get3A_2 = arith.constant 0 : index
    %get3A_3 = arith.constant 0 : index
    %get3A_4 = arith.constant 0 : index
    %get3A_5 = vector.load %arg2[%get3A_2, %get3A_3, %get3A_4] : memref<2x1280x128xf32, #tpu.memory_space<vmem>>, vector<1x1280x128xf32>
    %get3A_6 = vector.shape_cast %get3A_5 : vector<1x1280x128xf32> to vector<1280x128xf32>
    %add3A = arith.addf %get3A_1, %get3A_6 : vector<1280x128xf32>
    %get3A_7 = arith.constant 1 : index
    %get3A_8 = arith.constant 0 : index
    %get3A_9 = arith.constant 0 : index
    %get3A_10 = vector.load %arg2[%get3A_7, %get3A_8, %get3A_9] : memref<2x1280x128xf32, #tpu.memory_space<vmem>>, vector<1x1280x128xf32>
    %get3A_11 = vector.shape_cast %get3A_10 : vector<1x1280x128xf32> to vector<1280x128xf32>
    %add3A_12 = arith.addf %add3A, %get3A_11 : vector<1280x128xf32>
    %get3A_13 = arith.constant 0 : index
    %get3A_14 = arith.constant 0 : index
    %get3A_15 = arith.constant 0 : index
    %get3A_16 = vector.load %arg3[%get3A_13, %get3A_14, %get3A_15] : memref<2x80x128xf32, #tpu.memory_space<vmem>>, vector<1x80x128xf32>
    %get3A_17 = vector.shape_cast %get3A_16 : vector<1x80x128xf32> to vector<80x128xf32>
    %get3A_18 = arith.constant 1 : index
    %get3A_19 = arith.constant 0 : index
    %get3A_20 = arith.constant 0 : index
    %get3A_21 = vector.load %arg3[%get3A_18, %get3A_19, %get3A_20] : memref<2x80x128xf32, #tpu.memory_space<vmem>>, vector<1x80x128xf32>
    %get3A_22 = vector.shape_cast %get3A_21 : vector<1x80x128xf32> to vector<80x128xf32>
    %add3A_23 = arith.addf %get3A_17, %get3A_22 : vector<80x128xf32>
    %get3A_24 = arith.constant 0 : index
    %get3A_25 = arith.constant 0 : index
    %get3A_26 = vector.load %arg4[%get3A_24, %get3A_25] : memref<1280x80xf32, #tpu.memory_space<vmem>>, vector<1280x80xf32>
    %dot_general3A = arith.constant dense<0.000000e+00> : vector<1280x128xf32>
    %dot_general3A_27 = tpu.matmul %get3A_26, %add3A_23, %dot_general3A {dimension_numbers = #tpu.dot_dimension_numbers<[1], [0], [0], [1], [0, 0, 1, 1], [], []>, transpose_lhs_hint = false} : vector<1280x80xf32>, vector<80x128xf32>, vector<1280x128xf32> -> vector<1280x128xf32>
    %get3A_28 = arith.constant 0 : index
    %get3A_29 = arith.constant 0 : index
    %get3A_30 = vector.load %arg5[%get3A_28, %get3A_29] : memref<1280x128xf32, #tpu.memory_space<vmem>>, vector<1280x128xf32>
    %mul3A = arith.mulf %dot_general3A_27, %get3A_30 : vector<1280x128xf32>
    %reduce_sum3A = arith.constant dense<0.000000e+00> : vector<1280xf32>
    %reduce_sum3A_31 = vector.multi_reduction <add>, %mul3A, %reduce_sum3A [1] : vector<1280x128xf32> to vector<1280xf32>
    %broadcast_in_dim3A = vector.shape_cast %reduce_sum3A_31 : vector<1280xf32> to vector<1280x1xf32>
    %add3A_32 = arith.constant 1.000000e+00 : f32
    %add3A_33 = vector.broadcast %add3A_32 : f32 to vector<1280x1xf32>
    %add3A_34 = arith.addf %add3A_33, %broadcast_in_dim3A : vector<1280x1xf32>
    %max3A = arith.constant 1.000000e+00 : f32
    %max3A_35 = vector.broadcast %max3A : f32 to vector<1280x1xf32>
    %max3A_36 = arith.maximumf %add3A_34, %max3A_35 : vector<1280x1xf32>
    %div3A = vector.broadcast %max3A_36 : vector<1280x1xf32> to vector<1280x128xf32>
    %div3A_37 = arith.divf %add3A_12, %div3A : vector<1280x128xf32>
    %get3A_38 = arith.constant 0 : index
    %get3A_39 = arith.constant 0 : index
    %get3A_40 = vector.load %arg6[%get3A_38, %get3A_39] : memref<128x128xf32, #tpu.memory_space<vmem>>, vector<128x128xf32>
    %dot_general3A_41 = arith.constant dense<0.000000e+00> : vector<1280x128xf32>
    %dot_general3A_42 = tpu.matmul %div3A_37, %get3A_40, %dot_general3A_41 {dimension_numbers = #tpu.dot_dimension_numbers<[1], [0], [0], [1], [0, 0, 1, 1], [], []>, transpose_lhs_hint = false} : vector<1280x128xf32>, vector<128x128xf32>, vector<1280x128xf32> -> vector<1280x128xf32>
    %get3A_43 = arith.constant 0 : index
    %get3A_44 = arith.constant 0 : index
    %get3A_45 = vector.load %arg8[%get3A_43, %get3A_44] : memref<128x128xf32, #tpu.memory_space<vmem>>, vector<128x128xf32>
    %dot_general3A_46 = arith.constant dense<0.000000e+00> : vector<1280x128xf32>
    %dot_general3A_47 = tpu.matmul %get3A_1, %get3A_45, %dot_general3A_46 {dimension_numbers = #tpu.dot_dimension_numbers<[1], [0], [0], [1], [0, 0, 1, 1], [], []>, transpose_lhs_hint = false} : vector<1280x128xf32>, vector<128x128xf32>, vector<1280x128xf32> -> vector<1280x128xf32>
    %add3A_48 = arith.addf %dot_general3A_42, %dot_general3A_47 : vector<1280x128xf32>
    %get3A_49 = arith.constant 0 : index
    %get3A_50 = arith.constant 0 : index
    %get3A_51 = vector.load %arg7[%get3A_49, %get3A_50] : memref<1x128xf32, #tpu.memory_space<vmem>>, vector<1x128xf32>
    %add3A_52 = vector.broadcast %get3A_51 : vector<1x128xf32> to vector<1280x128xf32>
    %add3A_53 = arith.addf %add3A_48, %add3A_52 : vector<1280x128xf32>
    %swap3A = arith.constant 0 : index
    %swap3A_54 = arith.constant 0 : index
    %swap3A_55 = vector.load %arg9[%swap3A, %swap3A_54] : memref<1280x128xf32, #tpu.memory_space<vmem>>, vector<1280x128xf32>
    tpu.vector_store %arg9[%swap3A, %swap3A_54], %add3A_53 {strides = array<i32>} : memref<1280x128xf32, #tpu.memory_space<vmem>>, vector<1280x128xf32>,
    return
  }
  func.func @transform_0(%arg0: i32) -> (i32, i32) {
    %c0_i32 = arith.constant 0 : i32
    %c0_i32_0 = arith.constant 0 : i32
    return %arg0, %c0_i32 : i32, i32
  }
  func.func @transform_1(%arg0: i32) -> (i32, i32, i32) {
    %c0_i32 = arith.constant 0 : i32
    %c0_i32_0 = arith.constant 0 : i32
    %c0_i32_1 = arith.constant 0 : i32
    return %c0_i32, %arg0, %c0_i32_0 : i32, i32, i32
  }
  func.func @transform_2(%arg0: i32) -> (i32, i32, i32) {
    %c0_i32 = arith.constant 0 : i32
    %c0_i32_0 = arith.constant 0 : i32
    %c0_i32_1 = arith.constant 0 : i32
    %c0_i32_2 = arith.constant 0 : i32
    return %c0_i32, %c0_i32_0, %c0_i32_1 : i32, i32, i32
  }
  func.func @transform_3(%arg0: i32) -> (i32, i32) {
    %c0_i32 = arith.constant 0 : i32
    %c0_i32_0 = arith.constant 0 : i32
    return %arg0, %c0_i32 : i32, i32
  }
  func.func @transform_4(%arg0: i32) -> (i32, i32) {
    %c0_i32 = arith.constant 0 : i32
    %c0_i32_0 = arith.constant 0 : i32
    %c0_i32_1 = arith.constant 0 : i32
    return %c0_i32, %c0_i32_0 : i32, i32
  }
  func.func @transform_5(%arg0: i32) -> (i32, i32) {
    %c0_i32 = arith.constant 0 : i32
    %c0_i32_0 = arith.constant 0 : i32
    %c0_i32_1 = arith.constant 0 : i32
    return %c0_i32, %c0_i32_0 : i32, i32
  }
  func.func @transform_6(%arg0: i32) -> (i32, i32) {
    %c0_i32 = arith.constant 0 : i32
    %c0_i32_0 = arith.constant 0 : i32
    %c0_i32_1 = arith.constant 0 : i32
    return %c0_i32, %c0_i32_0 : i32, i32
  }
  func.func @transform_7(%arg0: i32) -> (i32, i32) {
    %c0_i32 = arith.constant 0 : i32
    %c0_i32_0 = arith.constant 0 : i32
    %c0_i32_1 = arith.constant 0 : i32
    return %c0_i32, %c0_i32_0 : i32, i32
  }
  func.func @transform_8(%arg0: i32) -> (i32, i32) {
    %c0_i32 = arith.constant 0 : i32
    %c0_i32_0 = arith.constant 0 : i32
    return %arg0, %c0_i32 : i32, i32
  }
}

</mosaic_0001>

<sc_bundles>
// kernel: kernel.12.cloned.1.call-start
scs
__scs_entry_jumppad:
0x0: {  	(pc) =	sbr.rel $0x88, $3  }
0x1: {  	(tag) =	ssettag $0x0;
	lr =	simm.s32 $0x1  }
0x2: {  	[smem:$0x3F96] =	sst lr;
	_ =	strace $0xD0000000  }
0x3: {  	_ = 	snop  }
0x4: {  	_ = 	snop  }
0x5: {  	_ = 	snop  }
0x6: {  	_ = 	snop  }
0x7: {  	_ = 	snop  }
__scs_overlays_trampoline_lowered:
0x8: {  	[smem:$0x3FA5] =	sst s0  }
0x9: {  	[smem:$0x3FA6] =	sst s1  }
0xa: {  	[smem:$0x3FA7] =	sst s2  }
0xb: {  	[smem:$0x3FA8] =	sst s3  }
0xc: {  	[smem:$0x3FA9] =	sst s4  }
0xd: {  	[smem:$0x3FAA] =	sst s5  }
0xe: {  	[smem:$0x3FAB] =	sst s6  }
0xf: {  	[smem:$0x3FAC] =	sst s7  }
0x10: {  	[smem:$0x3FAD] =	sst s8  }
0x11: {  	[smem:$0x3FAE] =	sst s9;
	s0 =	simm.s32 @!p0 $0x0  }
0x12: {  	s1 =	sld [smem:$0x3F94];
	s0 =	simm.s32 @p0 $0x1  }
0x13: {  	[smem:$0x3FAF] =	sst s0;
	s0 =	simm.s32 @!p1 $0x0  }
0x14: {  	s2 =	sld [smem:$0x3F93];
	s0 =	simm.s32 @p1 $0x1  }
0x15: {  	[smem:$0x3FB0] =	sst s0;
	s0 =	simm.s32 @!p2 $0x0  }
0x16: {  	s3 =	sld [smem:$0x3FDB];
	s0 =	simm.s32 @p2 $0x1  }
0x17: {  	s4 =	simm.s32 $0x1BF5;
	[smem:$0x3FB2] =	sst s0  }
0x18: {  	s0 =	sld [smem:$0x3F95];
	_ =	swait.ge [sflag:s4], $0x0  }
0x19: {  	s7 =	sld [smem:$0x3F96]  }
0x1a: {  	s8 =	sadd.s32 $0xFFFFE003, lr  }
0x1b: {  	s9 =	sadd.s32 $0xFFFFFEF7, lr;
	s5 =	simm.s32 $0xFFFFFFFF;
	p2 =	slt.u32 s8, $0xFFFFF086  }
0x1c: {  	p1 =	slt.u32 s9, $0xF7A;
	s5 =	simm.s32 @!p2 $0x0  }
0x1d: {  	s5 =	simm.s32 @p1 $0x1;
	p0 =	seq.s32 s7, s2  }
0x1e: {  	s7 =	smul.u32 @!p0 $0xF7A, s2;
	p2 =	seq.s32 @!p0 s5, $0x0  }
0x1f: {  	s9 =	smul.u32 $0xF7A, s1;
	s8 =	simm.s32 @!p0 $0x1BF5;
	p2 =	por !p2, p0  }
0x20: {  	[sflag:s8] =	ssyncset.s32 @!p0 $0xFFFFF086;
	s6 =	sadd.s32 @!p0 s3, s7;
	s7 =	simm.s32 @!p0 $0x108  }
0x21: {  	s3 =	sadd.s32 s3, s9;
	s6 =	sadd.s32 @!p0 $0x88, s6;
	s7 =	simm.s32 @p2 $0x1082  }
0x22: {  	[simem:s7], [sflag:s8] =	dma.local @!p0 [hbm:s6], $0xF7A  }
0x23: {  	s9 =	sor.u32 $0xD0000000, s2;
	s6 =	simm.s32 $0x108;
	_ =	swait.ge @!p0 [sflag:s8], $0x0  }
0x24: {  	s3 =	sadd.s32 $0x88, s3;
	s6 =	simm.s32 @!p1 $0x1082;
	[sflag:s4] =	ssyncset.s32 $0xFFFFF086  }
0x25: {  	[simem:s6], [sflag:s4] =	dma.local [hbm:s3], $0xF7A  }
0x26: {  	[smem:$0x3F96] =	sst s1;
	(tag) =	ssettag s2;
	_ =	strace s9  }
0x27: {  	s1 =	sld [smem:$0x3FA6]  }
0x28: {  	s2 =	sld [smem:$0x3FA7]  }
0x29: {  	s4 =	sld [smem:$0x3FA9]  }
0x2a: {  	p0 =	seq.s32 s5, $0x0;
	s5 =	sld [smem:$0x3FAA]  }
0x2b: {  	s6 =	sld [smem:$0x3FAB]  }
0x2c: {  	s7 =	sld [smem:$0x3FAC]  }
0x2d: {  	s3 =	simm.s32 $0x108;
	s8 =	sld [smem:$0x3FAD]  }
0x2e: {  	s3 =	simm.s32 @!p0 $0x1082;
	s9 =	sld [smem:$0x3FAE]  }
0x2f: {  	lr =	sadd.s32 s0, s3;
	s0 =	sld [smem:$0x3FA5]  }
0x30: {  	s3 =	sld [smem:$0x3FA8]  }
0x31: {  	[smem:$0x3FB1] =	sst s10  }
0x32: {  	s10 =	sld [smem:$0x3FAF];
	_ =	sdelay $0x3  }
0x33: {  	p0 =	seq.s32 s10, $0x1;
	s10 =	sld [smem:$0x3FB1];
	_ =	sdelay $0x3  }
0x34: {  	[smem:$0x3FB1] =	sst s10  }
0x35: {  	s10 =	sld [smem:$0x3FB0];
	_ =	sdelay $0x3  }
0x36: {  	p1 =	seq.s32 s10, $0x1;
	s10 =	sld [smem:$0x3FB1];
	_ =	sdelay $0x3  }
0x37: {  	[smem:$0x3FB1] =	sst s10  }
0x38: {  	s10 =	sld [smem:$0x3FB2]  }
0x39: {  	_ = 	snop;
	(pc) =	sbr.ind lr, $3  }
0x3a: {  	_ = 	snop  }
0x3b: {  	_ = 	snop  }
0x3c: {  	p2 =	seq.s32 s10, $0x1;
	s10 =	sld [smem:$0x3FB1]  }
0x3d: {  	_ =	shalt  }
0x3e: {  	_ =	shalt  }
0x3f: {  	_ =	shalt  }
0x40: {  	_ =	shalt  }
0x41: {  	_ =	shalt  }
0x42: {  	_ =	shalt  }
0x43: {  	_ =	shalt  }
0x44: {  	_ =	shalt  }
0x45: {  	_ =	shalt  }
0x46: {  	_ =	shalt  }
0x47: {  	_ =	shalt  }
0x48: {  	_ =	shalt  }
0x49: {  	_ =	shalt  }
0x4a: {  	_ =	shalt  }
0x4b: {  	_ =	shalt  }
0x4c: {  	_ =	shalt  }
0x4d: {  	_ =	shalt  }
0x4e: {  	_ =	shalt  }
0x4f: {  	_ =	shalt  }
0x50: {  	_ =	shalt  }
0x51: {  	_ =	shalt  }
0x52: {  	_ =	shalt  }
0x53: {  	_ =	shalt  }
0x54: {  	_ =	shalt  }
0x55: {  	_ =	shalt  }
0x56: {  	_ =	shalt  }
0x57: {  	_ =	shalt  }
0x58: {  	_ =	shalt  }
0x59: {  	_ =	shalt  }
0x5a: {  	_ =	shalt  }
0x5b: {  	_ =	shalt  }
0x5c: {  	_ =	shalt  }
0x5d: {  	_ =	shalt  }
0x5e: {  	_ =	shalt  }
0x5f: {  	_ =	shalt  }
0x60: {  	_ =	shalt  }
0x61: {  	_ =	shalt  }
0x62: {  	_ =	shalt  }
0x63: {  	_ =	shalt  }
0x64: {  	_ =	shalt  }
0x65: {  	_ =	shalt  }
0x66: {  	_ =	shalt  }
0x67: {  	_ =	shalt  }
0x68: {  	_ =	shalt  }
0x69: {  	_ =	shalt  }
0x6a: {  	_ =	shalt  }
0x6b: {  	_ =	shalt  }
0x6c: {  	_ =	shalt  }
0x6d: {  	_ =	shalt  }
0x6e: {  	_ =	shalt  }
0x6f: {  	_ =	shalt  }
0x70: {  	_ =	shalt  }
0x71: {  	_ =	shalt  }
0x72: {  	_ =	shalt  }
0x73: {  	_ =	shalt  }
0x74: {  	_ =	shalt  }
0x75: {  	_ =	shalt  }
0x76: {  	_ =	shalt  }
0x77: {  	_ =	shalt  }
0x78: {  	_ =	shalt  }
0x79: {  	_ =	shalt  }
0x7a: {  	_ =	shalt  }
0x7b: {  	_ =	shalt  }
0x7c: {  	_ =	shalt  }
0x7d: {  	_ =	shalt  }
0x7e: {  	_ =	shalt  }
0x7f: {  	_ =	shalt  }
0x80: {  	_ =	shalt  }
0x81: {  	_ =	shalt  }
0x82: {  	_ =	shalt  }
0x83: {  	_ =	shalt  }
0x84: {  	_ =	shalt  }
0x85: {  	_ =	shalt  }
0x86: {  	_ =	shalt  }
0x87: {  	_ =	shalt  }
.Lfunc_end0:
.L_simem_size_0:
called_computation.1_lowered:
.L_overlay_start_0:
0x88: {  	s2 =	sld [smem:$0x3FD9]  }
0x89: {  	s3 =	sld [smem:$0x3FFE];
	_ =	sdelay $0x1  }
0x8a: {  	s1 =	srdreg.scid  }
0x8b: {  	s0 =	sand.u32 $0x1, s1  }
0x8c: {  	s17 =	sshll.u32 s0, $0xA;
	s2 =	sadd.s32 s3, s2  }
0x8d: {  	s2 =	sadd.s32 s2, s17  }
0x8e: {  	[smem:$0x3FBD] =	sst s2  }
0x8f: {  	_ = 	snop  }
0x90: {  	s18 =	sld [smem:$0x3FD0];
	(tm) =	ssettm $0x1  }
0x91: {  	s19 =	sld [smem:$0x3FFB];
	_ =	sdelay $0x3  }
0x92: {  	_ =	strace s19  }
0x93: {  	s2 =	sld [smem:$0x3FFC];
	_ =	sdelay $0x3  }
0x94: {  	_ =	strace s2  }
0x95: {  	s2 =	sld [smem:$0x3FFD];
	_ =	sdelay $0x3  }
0x96: {  	_ =	strace s2  }
0x97: {  	_ =	strace $0x8FFFFFFF  }
0x98: {  	s20 =	sld [smem:$0x3FDB];
	_ =	sdelay $0x1  }
0x99: {  	s4 =	simm.s32 $_scs_section_size  }
0x9a: {  	s5 =	simm.s32 $_size__tile_overlayer_lowered;
	s6 =	simm.s32 $_tile_overlayer_lowered  }
0x9b: {  	s7 =	simm.s32 $0x1BFF;
	s21 =	sshll.u32 s6, $0x1;
	s4 =	sadd.s32 s4, s20  }
0x9c: {  	s22 =	simm.s32 $0x0;
	s5 =	sshll.u32 s5, $0x1;
	s6 =	sadd.s32 s21, s4  }
0x9d: {  	[timem:s22], [sflag:s7] =	dma.local [hbm:s6], s5  }
0x9e: {  	_ =	swait.ge [sflag:s7], s5  }
0x9f: {  	s5 =	ssub.s32 $0x0, s5;
	[sflag:s7] =	ssyncset.done $0x0  }
0xa0: {  	[sflag:s7] =	ssyncadd.s32 s5;
	_ =	sdelay $0x1  }
0xa1: {  	s23 =	simm.s32 $0x1B8B  }
0xa2: {  	_ =	swait.ge [sflag:s23], $0x1  }
0xa3: {  	[sflag:s23] =	ssyncset.done $0x0  }
0xa4: {  	[sflag:s23] =	ssyncadd.s32 $0xFFFFFFFF  }
0xa5: {  	s5 =	sld [smem:$0x0]  }
0xa6: {  	s6 =	sand.u32 $0xFFFFFFFE, s1  }
0xa7: {  	p0 =	sne.s32 s1, s6  }
0xa8: {  	s6 =	sshll.u32 @p0 s6, $0xE  }
0xa9: {  	s6 =	sadd.s32 @p0 $0x11B8D, s6;
	s7 =	sshll.u32 @p0 s5, $0x11  }
0xaa: {  	s6 =	sor.u32 @p0 s7, s6  }
0xab: {  	[sflag:s6] =	ssyncadd.remote.s32 @p0 $0x1;
	_ =	sdelay $0x1  }
0xac: {  	s6 =	simm.s32 @p0 $0x1B8D  }
0xad: {  	_ =	swait.eq @p0 [sflag:s6], $0x1  }
0xae: {  	[sflag:s6] =	ssyncadd.s32 @p0 $0xFFFFFFFF  }
0xaf: {  	s7 =	sshll.u32 @!p0 s1, $0xE  }
0xb0: {  	s7 =	sor.u32 @!p0 $0x4000, s7;
	s6 =	simm.s32 @!p0 $0x1B8D  }
0xb1: {  	s5 =	sshll.u32 @!p0 s5, $0x11;
	s7 =	sadd.s32 @!p0 $0x11B8D, s7;
	_ =	swait.eq @!p0 [sflag:s6], $0x1  }
0xb2: {  	s5 =	sor.u32 @!p0 s5, s7;
	[sflag:s6] =	ssyncadd.s32 @!p0 $0xFFFFFFFF  }
0xb3: {  	s25 =	simm.s32 $0x1B8E;
	s24 =	sld [smem:$0x3FFE];
	[sflag:s5] =	ssyncadd.remote.s32 @!p0 $0x1  }
0xb4: {  	s26 =	simm.s32 $execute0_lowered;
	[smem:$0x3FD2] =	sst s25  }
0xb5: {  	s6 =	sshll.u32 s26, $0x1;
	_ =	strace $0x80000049;
	[dreg:$0x1] =	wrdreg $0xFFFFFFFF  }
0xb6: {  	s28 =	simm.s32 $_size_execute0_lowered;
	s4 =	sadd.s32 s4, s6;
	[dreg:$0x0] =	wrdreg $0x0  }
0xb7: {  	s6 =	sshll.u32 s28, $0x1;
	[dreg:$0x2] =	wrdreg s4  }
0xb8: {  	[dreg:$0x3] =	wrdreg s6  }
0xb9: {  	[dreg:$0x4] =	wrdreg $0xC0  }
0xba: {  	_ =	task [dreg:s22], $0x5FFFF  }
0xbb: {  	[dreg:$0x1] =	wrdreg $0xFFFFFFFF  }
0xbc: {  	[dreg:$0x0] =	wrdreg $0x60  }
0xbd: {  	[dreg:$0x2] =	wrdreg s24  }
0xbe: {  	[dreg:$0x3] =	wrdreg s18  }
0xbf: {  	[dreg:$0x4] =	wrdreg $0xA8000  }
0xc0: {  	[dreg:$0x5] =	wrdreg $0xA  }
0xc1: {  	_ =	task.clear_ibuf [dreg:s22], $0x6FFFF;
	_ =	strace $0x90000049  }
0xc2: {  	s29 =	simm.s32 $0xA;
	_ =	strace $0x8000004B  }
0xc3: {  	_ =	swait.ge [sflag:s29], $0x1  }
0xc4: {  	[sflag:s29] =	ssyncadd.s32 $0xFFFFFFFF  }
0xc5: {  	_ =	strace $0x9000004B  }
0xc6: {  	_ =	sfence  }
0xc7: {  	s30 =	sld [smem:$0x0];
	_ =	sdelay $0x2  }
0xc8: {  	s31 =	sshll.u32 s1, $0xD;
	s1 =	sshrl.u32 s1, $0x2  }
0xc9: {  	s4 =	sand.u32 $0x4000, s31;
	s1 =	sadd.s32 s1, s30  }
0xca: {  	s0 =	sor.u32 s4, s0;
	s1 =	sshll.u32 s1, $0x11  }
0xcb: {  	s0 =	sor.u32 s1, s0  }
0xcc: {  	s0 =	sadd.s32 $0x8F2B, s0  }
0xcd: {  	[sflag:s0] =	ssyncadd.remote.s32 $0x1  }
0xce: {  	_ =	sfence.sel $0xFFFF  }
0xcf: {  	[dreg:$0x0] =	wrdreg $0xFFFFFFFF;
	(pc) =	sbr.abs _section_cstart, $3  }
0xd0: {  	[dreg:$0x1] =	wrdreg $0xFFFFFFFF  }
0xd1: {  	_ =	task.clear_ibuf [dreg:s22], $0x2FFFF;
	_ =	strace $0x9FFFFFFF  }
0xd2: {  	(tm) =	ssettm $0x7FFFFFFF  }
0xd3: {  	_ =	shalt  }
tec
execute0_lowered:
.L_overlay_start_1:
0x0: {  	(tag) =	ssettag $0x1  }
0x1: {  	s0 =	rddreg [dreg:$0x0]  }
0x2: {  	s2 =	rddreg [dreg:$0x1]  }
0x3: {  	s3 =	rddreg [dreg:$0x2]  }
0x4: {  	s4 =	simm.s32 $0x0;
	s1 =	stileid.u32;
	s5 =	srdreg.scid  }
0x5: {  	s17 =	simm.s32 $0x4;
	s19 =	simm.s32 $0x1;
	s22 =	simm.s32 $0x60  }
0x6: {  	s23 =	simm.s32 $0x1800;
	s28 =	simm.s32 $0x0;
	[smem:$0x7FF] =	sst s4  }
0x7: {  	s7 =	smul.u32 $0x14000, s1;
	s8 =	sand.u32 $0x1, s5;
	s5 =	sadd.s32 $0x12600, s0  }
0x8: {  	s6 =	sadd.s32 $0x3600, s0;
	s24 =	sshll.u32 s1, $0x1;
	s12 =	smul.u32 $0x50000, s1  }
0x9: {  	s29 =	sshll.u32 s1, $0x6;
	_ =	strace $0x8000004A;
	s9 =	smul.u32 $0x140000, s8  }
0xa: {  	s11 =	ssub.s32 $0x2, s8;
	s8 =	sor.u32 s8, s24;
	s24 =	simm.s32 $0x80  }
0xb: {  	s10 =	sshrl.u32 s7, $0x3;
	s13 =	sshrl.u32 s11, $0x1;
	s26 =	sshrl.u32 s12, $0x2  }
0xc: {  	s10 =	sadd.s32 s10, s0;
	s7 =	sadd.s32 s7, s9;
	s15 =	ssub.s32 s11, s13  }
0xd: {  	s16 =	sadd.s32 s26, s3;
	s25 =	sshrl.u32 s7, $0x3;
	s7 =	smul.u32 $0x3800, s8  }
.Ltmp0:
0xe: {  	s9 =	sor.u32 $0x1C04, s29;
	s26 =	simm.s32 $0x3;
	(pc) =	sbr.rel .LBB2_1-.Ltmp0, $4  }
0xf: {  	s8 =	sadd.s32 $0x3A600, s10;
	s15 =	smax.u32 s15, $0x1;
	s16 =	sshrl.u32 s16, $0x3  }
0x10: {  	s0 =	sadd.s32 s25, s0;
	s25 =	simm.s32 $0x4800;
	s30 =	sshrl.u32 s7, $0x3  }
0x11: {  	s14 =	sadd.s32 $0x62600, s0;
	s31 =	sor.u32 $0x80, s30;
	s10 =	sadd.s32 s2, s30  }
0x12: {  	s11 =	sadd.s32 s6, s30;
	s12 =	sadd.s32 s2, s31;
	s13 =	sadd.s32 s6, s31  }
.LBB2_7:
0x13: {  	_ =	swait.ge [sflag:s26], $0x3000  }
0x14: {  	s28 =	sadd.s32 $0x1, s28;
	[sflag:s26] =	ssyncset.done $0x0  }
0x15: {  	p0 =	sne.s32 s28, s15;
	[sflag:s26] =	ssyncadd.s32 $0xFFFFD000  }
.Ltmp1:
0x16: {  	[bflag:$0x0] =	sbarrier.arrive $0xFFFF;
	(pc) =	sbr.rel @!p0 .LBB2_8-.Ltmp1, $4  }
0x17: {  	[hbm:s14], [sflag:s9] =	dma.local [spmem:s16], $0x2800  }
0x18: {  	_ =	swait.ge [sflag:s17], $0x2800  }
0x19: {  	[sflag:s17] =	ssyncset.done $0x0  }
0x1a: {  	[sflag:s17] =	ssyncadd.s32 $0xFFFFD800  }
.LBB2_1:
0x1b: {  	[spmem:s16], [sflag:s9] =	dma.local [hbm:s8], $0x2800  }
0x1c: {  	_ =	swait.ge [sflag:s17], $0x2800  }
0x1d: {  	[sflag:s17] =	ssyncset.done $0x0  }
0x1e: {  	[sflag:s17] =	ssyncadd.s32 $0xFFFFD800  }
0x1f: {  	[tilespmem:s4], [sflag:$0x1] =	stream.linear.gather [hbm4b:s10+s4], $0x400, $0x38;
	[tilespmem:$0x1E800] =	vst v63  }
0x20: {  	s0 =	simm.s32 $0xC00  }
0x21: {  	[tilespmem:s0], [sflag:$0x1] =	stream.linear.gather [hbm4b:s11+s4], $0x400, $0x38;
	[tilespmem:$0x1E800] =	vst v63  }
0x22: {  	_ =	swait.ge [sflag:s19], $0x400  }
0x23: {  	[sflag:s19] =	ssyncset.done $0x0  }
0x24: {  	[sflag:s19] =	ssyncadd.s32 $0xFFFFFC00  }
0x25: {  	_ =	swait.ge [sflag:s19], $0x400  }
0x26: {  	[sflag:s19] =	ssyncset.done $0x0  }
0x27: {  	s21 =	simm.s32 $0x400;
	[sflag:s19] =	ssyncadd.s32 $0xFFFFFC00  }
0x28: {  	[tilespmem:s21], [sflag:$0x1] =	stream.linear.gather [hbm4b:s12+s4], $0x400, $0x38;
	[tilespmem:$0x1E800] =	vst v63  }
0x29: {  	s31 =	simm.s32 $0x1000  }
0x2a: {  	[tilespmem:s31], [sflag:$0x1] =	stream.linear.gather [hbm4b:s13+s4], $0x400, $0x38;
	[tilespmem:$0x1E800] =	vst v63  }
0x2b: {  	_ = 	snop  }
0x2c: {  	[tilespmem:s23], [sflag:$0x2] =	stream.indirect.gather [hbm4b:s5+s22], $0x80, s4, s22, $0xb8;
	[tilespmem:$0x1E800] =	vst v63  }
.Ltmp2:
0x2d: {  	_ = 	snop;
	(pc) =	sbr.rel .LBB2_2-.Ltmp2, $4  }
0x2e: {  	_ = 	snop  }
0x2f: {  	[tilespmem:s25], [sflag:$0x2] =	stream.indirect.gather [hbm4b:s5+s22], $0x80, s24, s22, $0xb8;
	[tilespmem:$0x1E800] =	vst v63  }
0x30: {  	[bflag:$0x0] =	sbarrier.arrive $0xFFFF  }
0x31: {  	s29 =	simm.s32 $0x0;
	s30 =	simm.s32 $0x0  }
.LBB2_5:
0x32: {  	s1 =	smul.u32 $0xAB, s31  }
0x33: {  	s18 =	sshrl.u32 s31, $0x3  }
0x34: {  	s20 =	smul.u32 $0xAB, s18;
	s1 =	sshrl.u32 s1, $0x9  }
0x35: {  	s1 =	sand.u32 $0x7F, s1  }
0x36: {  	s20 =	sshrl.u32 s20, $0x9;
	s1 =	smul.u32 $0x3, s1  }
0x37: {  	s20 =	sand.u32 $0x7F, s20  }
0x38: {  	s20 =	smul.u32 $0x3, s20;
	s1 =	ssub.s32 s31, s1  }
0x39: {  	s1 =	sand.u32 $0xFF, s1  }
0x3a: {  	s18 =	ssub.s32 s18, s20;
	s1 =	smul.u32 $0xC000, s1  }
0x3b: {  	s18 =	sand.u32 $0xFF, s18  }
0x3c: {  	s0 =	sshll.u32 s0, $0x7;
	s18 =	sshll.u32 s18, $0xA;
	s1 =	sshrl.u32 s1, $0x2  }
0x3d: {  	s0 =	sor.u32 s0, s18;
	s1 =	sadd.s32 $0x1800, s1  }
0x3e: {  	[tilespmem:s1], [sflag:$0x2] =	stream.indirect.gather [hbm4b:s5+s22], $0x80, s0, s22, $0xb8;
	[tilespmem:$0x1E800] =	vst v63  }
.LBB2_6:
0x3f: {  	s30 =	sadd.s32 $0x1, s30  }
0x40: {  	p0 =	sne.s32 s30, $0x70  }
.Ltmp3:
0x41: {  	_ = 	snop;
	(pc) =	sbr.rel @!p0 .LBB2_7-.Ltmp3, $2  }
0x42: {  	_ =	sdelay $0x2  }
0x43: {  	s29 =	sadd.s32 $0x200, s29  }
.LBB2_2:
0x44: {  	s0 =	smul.u32 $0xAB, s30;
	s31 =	sshrl.u32 s30, $0x3  }
0x45: {  	s1 =	smul.u32 $0xAB, s31  }
0x46: {  	s0 =	sshrl.u32 s0, $0x9  }
0x47: {  	s0 =	sand.u32 $0x7F, s0;
	s1 =	sshrl.u32 s1, $0x9  }
0x48: {  	s0 =	smul.u32 $0x3, s0;
	s1 =	sand.u32 $0x7F, s1  }
0x49: {  	s1 =	smul.u32 $0x3, s1  }
0x4a: {  	s0 =	ssub.s32 s30, s0  }
0x4b: {  	p0 =	seq.s32 s29, $0x0;
	s0 =	sand.u32 $0xFF, s0;
	s1 =	ssub.s32 s31, s1  }
0x4c: {  	s31 =	sand.u32 $0xE00, s29;
	s18 =	smul.u32 $0xC000, s0;
	s0 =	simm.s32 $0x2  }
.Ltmp4:
0x4d: {  	s1 =	sand.u32 $0xFF, s1;
	s31 =	sshrl.u32 s31, $0x2;
	(pc) =	sbr.rel @p0 .LBB2_5-.Ltmp4, $4  }
0x4e: {  	_ =	swait.ge [sflag:s0], $0x3000;
	s1 =	sshll.u32 s1, $0xA;
	s18 =	sshrl.u32 s18, $0x2  }
0x4f: {  	[sflag:s0] =	ssyncset.done $0x0;
	s1 =	sor.u32 s31, s1;
	s31 =	simm.s32 $0x2  }
0x50: {  	s18 =	sadd.s32 $0x1800, s18;
	[sflag:s0] =	ssyncadd.s32 $0xFFFFD000;
	s1 =	sadd.s32 $0xC00, s1  }
0x51: {  	[spmem:s3] =	stream.indirect.scatter.add.f32 [tilespmem:s18], [sflag:$0x3], $0x80, s1, s22, $0xb8;
	[tilespmem:$0x1E800] =	vst v63  }
0x52: {  	p0 =	sgt.u32 s30, $0x6D  }
.Ltmp5:
0x53: {  	_ = 	snop;
	(pc) =	sbr.rel @p0 .LBB2_6-.Ltmp5, $4  }
0x54: {  	_ = 	snop  }
0x55: {  	_ =	swait.ge [sflag:s26], $0x3000  }
0x56: {  	[sflag:s26] =	ssyncset.done $0x0  }
0x57: {  	[sflag:s26] =	ssyncadd.s32 $0xFFFFD000  }
0x58: {  	s31 =	sadd.s32 $0x2, s30  }
0x59: {  	s1 =	sand.u32 $0x7, s31  }
0x5a: {  	p0 =	sne.s32 s1, $0x0  }
0x5b: {  	p1 =	sgt.u32 @!p0 s30, $0x65  }
0x5c: {  	p2 =	por p1, p0  }
0x5d: {  	s0 =	sshrl.u32 @!p2 s31, $0x3  }
0x5e: {  	s0 =	sadd.s32 @!p2 $0x1, s0  }
0x5f: {  	s18 =	smul.u32 @!p2 $0xAB, s0  }
0x60: {  	s20 =	simm.s32 @!p0 $0x1  }
0x61: {  	_ =	swait.ge @!p0 [sflag:s20], $0x400;
	s18 =	sshrl.u32 @!p2 s18, $0x9  }
0x62: {  	[sflag:s20] =	ssyncset.done @!p0 $0x0;
	s18 =	sand.u32 @!p2 $0x7F, s18  }
0x63: {  	[sflag:s20] =	ssyncadd.s32 @!p0 $0xFFFFFC00;
	s18 =	smul.u32 @!p2 $0x3, s18  }
0x64: {  	_ =	swait.ge @!p0 [sflag:s20], $0x400;
	s21 =	sshll.u32 @!p2 s0, $0xA  }
0x65: {  	[sflag:s20] =	ssyncset.done @!p0 $0x0;
	s21 =	sadd.s32 @!p2 s7, s21;
	s0 =	ssub.s32 @!p2 s0, s18  }
0x66: {  	[sflag:s20] =	ssyncadd.s32 @!p0 $0xFFFFFC00;
	s18 =	sshrl.u32 @!p2 s21, $0x3;
	s0 =	sand.u32 @!p2 $0xFF, s0  }
0x67: {  	s21 =	simm.s32 @!p2 $0x0;
	s20 =	sadd.s32 @!p2 s2, s18;
	s0 =	sshll.u32 @!p2 s0, $0xA  }
0x68: {  	[tilespmem:s0], [sflag:$0x1] =	stream.linear.gather @!p2 [hbm4b:s20+s21], $0x400, $0x38;
	[tilespmem:$0x1E800] =	vst v63  }
.Ltmp6:
0x69: {  	s18 =	sadd.s32 @!p2 s6, s18;
	s0 =	sadd.s32 @!p2 $0xC00, s0;
	(pc) =	sbr.rel .LBB2_5-.Ltmp6, $4  }
0x6a: {  	[tilespmem:s0], [sflag:$0x1] =	stream.linear.gather @!p2 [hbm4b:s18+s21], $0x400, $0x38;
	[tilespmem:$0x1E800] =	vst v63  }
0x6b: {  	p1 =	por !p1, p0;
	s0 =	simm.s32 @!p0 $0x0  }
0x6c: {  	s0 =	simm.s32 @p1 $0x0  }
0x6d: {  	s0 =	smov.u32 @p0 s1  }
.LBB2_8:
0x6e: {  	_ =	sfence.sel $0x180000  }
0x6f: {  	[bflag:$0x0] =	sbarrier.arrive $0xFFFF  }
0x70: {  	_ =	strace $0x9000004A  }
0x71: {  	s0 =	stileid.u32;
	[bflag:$0x2] =	sbarrier.arrive $0xFFFF  }
0x72: {  	p0 =	sne.s32 s0, $0x0;
	s0 =	rddreg [dreg:$0x3]  }
0x73: {  	s0 =	sadd.s32 @!p0 $0x100000, s0  }
0x74: {  	[sflag:s0] =	ssyncadd.tile.s32 @!p0 $0x1;
	_ =	shalt  }
.Lfunc_end2:
_tile_overlayer_lowered:
.L_overlay_start_2:
0x75: {  	(tag) =	ssettag $0x2  }
0x76: {  	s0 =	rddreg [dreg:$0x0];
	s2 =	stileid.u32  }
0x77: {  	s1 =	rddreg [dreg:$0x1];
	p0 =	sne.s32 s2, $0x0  }
0x78: {  	s3 =	rddreg [dreg:$0x2];
	[bflag:$0x3] =	sbarrier.arrive $0xFFFF;
	s2 =	simm.s32 @!p0 $0x1C04  }
0x79: {  	[timem:s3], [sflag:s2] =	dma.local @!p0 [hbm:s0], s1  }
0x7a: {  	s0 =	simm.s32 @!p0 $0x4  }
0x7b: {  	_ =	swait.ge @!p0 [sflag:s0], s1  }
0x7c: {  	s1 =	ssub.s32 @!p0 $0x0, s1;
	[sflag:s0] =	ssyncset.done @!p0 $0x0  }
0x7d: {  	[sflag:s0] =	ssyncadd.s32 @!p0 s1  }
0x7e: {  	[bflag:$0x3] =	sbarrier.arrive $0xFFFF  }
0x7f: {  	_ =	shalt  }

// kernel: kernel.15.cloned.1.call-start
scs
__scs_entry_jumppad:
0x0: {  	(pc) =	sbr.rel $0x88, $3  }
0x1: {  	(tag) =	ssettag $0x0;
	lr =	simm.s32 $0x1  }
0x2: {  	[smem:$0x3F96] =	sst lr;
	_ =	strace $0xD0000000  }
0x3: {  	_ = 	snop  }
0x4: {  	_ = 	snop  }
0x5: {  	_ = 	snop  }
0x6: {  	_ = 	snop  }
0x7: {  	_ = 	snop  }
__scs_overlays_trampoline_lowered:
0x8: {  	[smem:$0x3FA5] =	sst s0  }
0x9: {  	[smem:$0x3FA6] =	sst s1  }
0xa: {  	[smem:$0x3FA7] =	sst s2  }
0xb: {  	[smem:$0x3FA8] =	sst s3  }
0xc: {  	[smem:$0x3FA9] =	sst s4  }
0xd: {  	[smem:$0x3FAA] =	sst s5  }
0xe: {  	[smem:$0x3FAB] =	sst s6  }
0xf: {  	[smem:$0x3FAC] =	sst s7  }
0x10: {  	[smem:$0x3FAD] =	sst s8  }
0x11: {  	[smem:$0x3FAE] =	sst s9;
	s0 =	simm.s32 @!p0 $0x0  }
0x12: {  	s1 =	sld [smem:$0x3F94];
	s0 =	simm.s32 @p0 $0x1  }
0x13: {  	[smem:$0x3FAF] =	sst s0;
	s0 =	simm.s32 @!p1 $0x0  }
0x14: {  	s2 =	sld [smem:$0x3F93];
	s0 =	simm.s32 @p1 $0x1  }
0x15: {  	[smem:$0x3FB0] =	sst s0;
	s0 =	simm.s32 @!p2 $0x0  }
0x16: {  	s3 =	sld [smem:$0x3FDB];
	s0 =	simm.s32 @p2 $0x1  }
0x17: {  	s4 =	simm.s32 $0x1BF5;
	[smem:$0x3FB2] =	sst s0  }
0x18: {  	s0 =	sld [smem:$0x3F95];
	_ =	swait.ge [sflag:s4], $0x0  }
0x19: {  	s7 =	sld [smem:$0x3F96]  }
0x1a: {  	s8 =	sadd.s32 $0xFFFFE003, lr  }
0x1b: {  	s9 =	sadd.s32 $0xFFFFFEF7, lr;
	s5 =	simm.s32 $0xFFFFFFFF;
	p2 =	slt.u32 s8, $0xFFFFF086  }
0x1c: {  	p1 =	slt.u32 s9, $0xF7A;
	s5 =	simm.s32 @!p2 $0x0  }
0x1d: {  	s5 =	simm.s32 @p1 $0x1;
	p0 =	seq.s32 s7, s2  }
0x1e: {  	s7 =	smul.u32 @!p0 $0xF7A, s2;
	p2 =	seq.s32 @!p0 s5, $0x0  }
0x1f: {  	s9 =	smul.u32 $0xF7A, s1;
	s8 =	simm.s32 @!p0 $0x1BF5;
	p2 =	por !p2, p0  }
0x20: {  	[sflag:s8] =	ssyncset.s32 @!p0 $0xFFFFF086;
	s6 =	sadd.s32 @!p0 s3, s7;
	s7 =	simm.s32 @!p0 $0x108  }
0x21: {  	s3 =	sadd.s32 s3, s9;
	s6 =	sadd.s32 @!p0 $0x88, s6;
	s7 =	simm.s32 @p2 $0x1082  }
0x22: {  	[simem:s7], [sflag:s8] =	dma.local @!p0 [hbm:s6], $0xF7A  }
0x23: {  	s9 =	sor.u32 $0xD0000000, s2;
	s6 =	simm.s32 $0x108;
	_ =	swait.ge @!p0 [sflag:s8], $0x0  }
0x24: {  	s3 =	sadd.s32 $0x88, s3;
	s6 =	simm.s32 @!p1 $0x1082;
	[sflag:s4] =	ssyncset.s32 $0xFFFFF086  }
0x25: {  	[simem:s6], [sflag:s4] =	dma.local [hbm:s3], $0xF7A  }
0x26: {  	[smem:$0x3F96] =	sst s1;
	(tag) =	ssettag s2;
	_ =	strace s9  }
0x27: {  	s1 =	sld [smem:$0x3FA6]  }
0x28: {  	s2 =	sld [smem:$0x3FA7]  }
0x29: {  	s4 =	sld [smem:$0x3FA9]  }
0x2a: {  	p0 =	seq.s32 s5, $0x0;
	s5 =	sld [smem:$0x3FAA]  }
0x2b: {  	s6 =	sld [smem:$0x3FAB]  }
0x2c: {  	s7 =	sld [smem:$0x3FAC]  }
0x2d: {  	s3 =	simm.s32 $0x108;
	s8 =	sld [smem:$0x3FAD]  }
0x2e: {  	s3 =	simm.s32 @!p0 $0x1082;
	s9 =	sld [smem:$0x3FAE]  }
0x2f: {  	lr =	sadd.s32 s0, s3;
	s0 =	sld [smem:$0x3FA5]  }
0x30: {  	s3 =	sld [smem:$0x3FA8]  }
0x31: {  	[smem:$0x3FB1] =	sst s10  }
0x32: {  	s10 =	sld [smem:$0x3FAF];
	_ =	sdelay $0x3  }
0x33: {  	p0 =	seq.s32 s10, $0x1;
	s10 =	sld [smem:$0x3FB1];
	_ =	sdelay $0x3  }
0x34: {  	[smem:$0x3FB1] =	sst s10  }
0x35: {  	s10 =	sld [smem:$0x3FB0];
	_ =	sdelay $0x3  }
0x36: {  	p1 =	seq.s32 s10, $0x1;
	s10 =	sld [smem:$0x3FB1];
	_ =	sdelay $0x3  }
0x37: {  	[smem:$0x3FB1] =	sst s10  }
0x38: {  	s10 =	sld [smem:$0x3FB2]  }
0x39: {  	_ = 	snop;
	(pc) =	sbr.ind lr, $3  }
0x3a: {  	_ = 	snop  }
0x3b: {  	_ = 	snop  }
0x3c: {  	p2 =	seq.s32 s10, $0x1;
	s10 =	sld [smem:$0x3FB1]  }
0x3d: {  	_ =	shalt  }
0x3e: {  	_ =	shalt  }
0x3f: {  	_ =	shalt  }
0x40: {  	_ =	shalt  }
0x41: {  	_ =	shalt  }
0x42: {  	_ =	shalt  }
0x43: {  	_ =	shalt  }
0x44: {  	_ =	shalt  }
0x45: {  	_ =	shalt  }
0x46: {  	_ =	shalt  }
0x47: {  	_ =	shalt  }
0x48: {  	_ =	shalt  }
0x49: {  	_ =	shalt  }
0x4a: {  	_ =	shalt  }
0x4b: {  	_ =	shalt  }
0x4c: {  	_ =	shalt  }
0x4d: {  	_ =	shalt  }
0x4e: {  	_ =	shalt  }
0x4f: {  	_ =	shalt  }
0x50: {  	_ =	shalt  }
0x51: {  	_ =	shalt  }
0x52: {  	_ =	shalt  }
0x53: {  	_ =	shalt  }
0x54: {  	_ =	shalt  }
0x55: {  	_ =	shalt  }
0x56: {  	_ =	shalt  }
0x57: {  	_ =	shalt  }
0x58: {  	_ =	shalt  }
0x59: {  	_ =	shalt  }
0x5a: {  	_ =	shalt  }
0x5b: {  	_ =	shalt  }
0x5c: {  	_ =	shalt  }
0x5d: {  	_ =	shalt  }
0x5e: {  	_ =	shalt  }
0x5f: {  	_ =	shalt  }
0x60: {  	_ =	shalt  }
0x61: {  	_ =	shalt  }
0x62: {  	_ =	shalt  }
0x63: {  	_ =	shalt  }
0x64: {  	_ =	shalt  }
0x65: {  	_ =	shalt  }
0x66: {  	_ =	shalt  }
0x67: {  	_ =	shalt  }
0x68: {  	_ =	shalt  }
0x69: {  	_ =	shalt  }
0x6a: {  	_ =	shalt  }
0x6b: {  	_ =	shalt  }
0x6c: {  	_ =	shalt  }
0x6d: {  	_ =	shalt  }
0x6e: {  	_ =	shalt  }
0x6f: {  	_ =	shalt  }
0x70: {  	_ =	shalt  }
0x71: {  	_ =	shalt  }
0x72: {  	_ =	shalt  }
0x73: {  	_ =	shalt  }
0x74: {  	_ =	shalt  }
0x75: {  	_ =	shalt  }
0x76: {  	_ =	shalt  }
0x77: {  	_ =	shalt  }
0x78: {  	_ =	shalt  }
0x79: {  	_ =	shalt  }
0x7a: {  	_ =	shalt  }
0x7b: {  	_ =	shalt  }
0x7c: {  	_ =	shalt  }
0x7d: {  	_ =	shalt  }
0x7e: {  	_ =	shalt  }
0x7f: {  	_ =	shalt  }
0x80: {  	_ =	shalt  }
0x81: {  	_ =	shalt  }
0x82: {  	_ =	shalt  }
0x83: {  	_ =	shalt  }
0x84: {  	_ =	shalt  }
0x85: {  	_ =	shalt  }
0x86: {  	_ =	shalt  }
0x87: {  	_ =	shalt  }
.Lfunc_end0:
.L_simem_size_0:
called_computation.2_lowered:
.L_overlay_start_0:
0x88: {  	s2 =	sld [smem:$0x3FD9]  }
0x89: {  	s3 =	sld [smem:$0x3FFE];
	_ =	sdelay $0x1  }
0x8a: {  	s1 =	srdreg.scid  }
0x8b: {  	s0 =	sand.u32 $0x1, s1  }
0x8c: {  	s17 =	sshll.u32 s0, $0xA;
	s2 =	sadd.s32 s3, s2  }
0x8d: {  	s2 =	sadd.s32 s2, s17  }
0x8e: {  	[smem:$0x3FBD] =	sst s2  }
0x8f: {  	_ = 	snop  }
0x90: {  	s2 =	sld [smem:$0x3FD0];
	(tm) =	ssettm $0x1  }
0x91: {  	s18 =	sld [smem:$0x3FFB];
	_ =	sdelay $0x3  }
0x92: {  	_ =	strace s18  }
0x93: {  	s3 =	sld [smem:$0x3FFC];
	_ =	sdelay $0x3  }
0x94: {  	_ =	strace s3  }
0x95: {  	s3 =	sld [smem:$0x3FFD];
	_ =	sdelay $0x3  }
0x96: {  	_ =	strace s3  }
0x97: {  	_ =	strace $0x8FFFFFFF  }
0x98: {  	s19 =	sld [smem:$0x3FDB];
	_ =	sdelay $0x1  }
0x99: {  	s4 =	simm.s32 $_scs_section_size  }
0x9a: {  	s5 =	simm.s32 $_size__tile_overlayer_lowered;
	s6 =	simm.s32 $_tile_overlayer_lowered  }
0x9b: {  	s22 =	simm.s32 $0x1BFF;
	s21 =	sshll.u32 s6, $0x1;
	s3 =	sadd.s32 s4, s19  }
0x9c: {  	s7 =	simm.s32 $0x0;
	s20 =	sshll.u32 s5, $0x1;
	s5 =	sadd.s32 s21, s3  }
0x9d: {  	[timem:s7], [sflag:s22] =	dma.local [hbm:s5], s20  }
0x9e: {  	_ =	swait.ge [sflag:s22], s20  }
0x9f: {  	s4 =	ssub.s32 $0x0, s20;
	[sflag:s22] =	ssyncset.done $0x0  }
0xa0: {  	[sflag:s22] =	ssyncadd.s32 s4;
	_ =	sdelay $0x1  }
0xa1: {  	s23 =	simm.s32 $0x1B8B  }
0xa2: {  	_ =	swait.ge [sflag:s23], $0x1  }
0xa3: {  	[sflag:s23] =	ssyncset.done $0x0  }
0xa4: {  	s25 =	simm.s32 $0x1B8E;
	s24 =	sld [smem:$0x3FFE];
	[sflag:s23] =	ssyncadd.s32 $0xFFFFFFFF  }
0xa5: {  	s26 =	simm.s32 $execute0_lowered;
	[smem:$0x3FD2] =	sst s25  }
0xa6: {  	s5 =	sshll.u32 s26, $0x1;
	_ =	strace $0x8000004C;
	[dreg:$0x1] =	wrdreg $0xFFFFFFFF  }
0xa7: {  	s28 =	simm.s32 $_size_execute0_lowered;
	s3 =	sadd.s32 s3, s5;
	[dreg:$0x0] =	wrdreg $0x0  }
0xa8: {  	s5 =	sshll.u32 s28, $0x1;
	[dreg:$0x2] =	wrdreg s3  }
0xa9: {  	[dreg:$0x3] =	wrdreg s5  }
0xaa: {  	[dreg:$0x4] =	wrdreg $0xC0  }
0xab: {  	_ =	task [dreg:s7], $0x5FFFF  }
0xac: {  	[dreg:$0x1] =	wrdreg $0xFFFFFFFF  }
0xad: {  	[dreg:$0x0] =	wrdreg $0x60  }
0xae: {  	[dreg:$0x2] =	wrdreg s24  }
0xaf: {  	[dreg:$0x3] =	wrdreg s2  }
0xb0: {  	[dreg:$0x4] =	wrdreg $0xA8000  }
0xb1: {  	[dreg:$0x5] =	wrdreg $0x9  }
0xb2: {  	_ =	task.clear_ibuf [dreg:s7], $0x6FFFF;
	_ =	strace $0x9000004C  }
0xb3: {  	s29 =	simm.s32 $0x9;
	_ =	strace $0x8000004E  }
0xb4: {  	_ =	swait.ge [sflag:s29], $0x1  }
0xb5: {  	[sflag:s29] =	ssyncadd.s32 $0xFFFFFFFF  }
0xb6: {  	_ =	strace $0x9000004E  }
0xb7: {  	_ =	sfence  }
0xb8: {  	s30 =	sld [smem:$0x0];
	_ =	sdelay $0x2  }
0xb9: {  	s31 =	sshll.u32 s1, $0xD;
	s1 =	sshrl.u32 s1, $0x2  }
0xba: {  	s3 =	sand.u32 $0x4000, s31;
	s1 =	sadd.s32 s1, s30  }
0xbb: {  	s0 =	sor.u32 s3, s0;
	s1 =	sshll.u32 s1, $0x11  }
0xbc: {  	s0 =	sor.u32 s1, s0  }
0xbd: {  	s0 =	sadd.s32 $0x8F2B, s0  }
0xbe: {  	[sflag:s0] =	ssyncadd.remote.s32 $0x1  }
0xbf: {  	_ =	sfence.sel $0xFFFF  }
0xc0: {  	[dreg:$0x0] =	wrdreg $0xFFFFFFFF;
	(pc) =	sbr.abs _section_cstart, $3  }
0xc1: {  	[dreg:$0x1] =	wrdreg $0xFFFFFFFF  }
0xc2: {  	_ =	task.clear_ibuf [dreg:s7], $0x2FFFF;
	_ =	strace $0x9FFFFFFF  }
0xc3: {  	(tm) =	ssettm $0x7FFFFFFF  }
tec
execute0_lowered:
.L_overlay_start_1:
0x0: {  	(tag) =	ssettag $0x1  }
0x1: {  	s0 =	rddreg [dreg:$0x0]  }
0x2: {  	s2 =	rddreg [dreg:$0x1]  }
0x3: {  	s3 =	rddreg [dreg:$0x2]  }
0x4: {  	s4 =	simm.s32 $0x0;
	s1 =	stileid.u32;
	s5 =	srdreg.scid  }
0x5: {  	s17 =	simm.s32 $0x4;
	s19 =	simm.s32 $0x1;
	s22 =	simm.s32 $0x60  }
0x6: {  	s23 =	simm.s32 $0x1800;
	s28 =	simm.s32 $0x0;
	[smem:$0x7FF] =	sst s4  }
0x7: {  	s7 =	smul.u32 $0x14000, s1;
	s8 =	sand.u32 $0x1, s5;
	s5 =	sadd.s32 $0x11600, s0  }
0x8: {  	s6 =	sadd.s32 $0x3600, s0;
	s24 =	sshll.u32 s1, $0x1;
	s12 =	smul.u32 $0x50000, s1  }
0x9: {  	s29 =	sshll.u32 s1, $0x6;
	_ =	strace $0x8000004D;
	s9 =	smul.u32 $0x140000, s8  }
0xa: {  	s11 =	ssub.s32 $0x2, s8;
	s8 =	sor.u32 s8, s24;
	s24 =	simm.s32 $0x80  }
0xb: {  	s10 =	sshrl.u32 s7, $0x3;
	s13 =	sshrl.u32 s11, $0x1;
	s26 =	sshrl.u32 s12, $0x2  }
0xc: {  	s10 =	sadd.s32 s10, s0;
	s7 =	sadd.s32 s7, s9;
	s15 =	ssub.s32 s11, s13  }
0xd: {  	s16 =	sadd.s32 s26, s3;
	s25 =	sshrl.u32 s7, $0x3;
	s7 =	smul.u32 $0x3800, s8  }
.Ltmp0:
0xe: {  	s9 =	sor.u32 $0x1C04, s29;
	s26 =	simm.s32 $0x3;
	(pc) =	sbr.rel .LBB2_1-.Ltmp0, $4  }
0xf: {  	s8 =	sadd.s32 $0x3A600, s10;
	s15 =	smax.u32 s15, $0x1;
	s16 =	sshrl.u32 s16, $0x3  }
0x10: {  	s0 =	sadd.s32 s25, s0;
	s25 =	simm.s32 $0x4800;
	s30 =	sshrl.u32 s7, $0x3  }
0x11: {  	s14 =	sadd.s32 $0x62600, s0;
	s31 =	sor.u32 $0x80, s30;
	s10 =	sadd.s32 s2, s30  }
0x12: {  	s11 =	sadd.s32 s6, s30;
	s12 =	sadd.s32 s2, s31;
	s13 =	sadd.s32 s6, s31  }
.LBB2_7:
0x13: {  	_ =	swait.ge [sflag:s26], $0x3000  }
0x14: {  	s28 =	sadd.s32 $0x1, s28;
	[sflag:s26] =	ssyncset.done $0x0  }
0x15: {  	p0 =	sne.s32 s28, s15;
	[sflag:s26] =	ssyncadd.s32 $0xFFFFD000  }
.Ltmp1:
0x16: {  	[bflag:$0x0] =	sbarrier.arrive $0xFFFF;
	(pc) =	sbr.rel @!p0 .LBB2_8-.Ltmp1, $4  }
0x17: {  	[hbm:s14], [sflag:s9] =	dma.local [spmem:s16], $0x2800  }
0x18: {  	_ =	swait.ge [sflag:s17], $0x2800  }
0x19: {  	[sflag:s17] =	ssyncset.done $0x0  }
0x1a: {  	[sflag:s17] =	ssyncadd.s32 $0xFFFFD800  }
.LBB2_1:
0x1b: {  	[spmem:s16], [sflag:s9] =	dma.local [hbm:s8], $0x2800  }
0x1c: {  	_ =	swait.ge [sflag:s17], $0x2800  }
0x1d: {  	[sflag:s17] =	ssyncset.done $0x0  }
0x1e: {  	[sflag:s17] =	ssyncadd.s32 $0xFFFFD800  }
0x1f: {  	[tilespmem:s4], [sflag:$0x1] =	stream.linear.gather [hbm4b:s10+s4], $0x400, $0x38;
	[tilespmem:$0x1E800] =	vst v63  }
0x20: {  	s0 =	simm.s32 $0xC00  }
0x21: {  	[tilespmem:s0], [sflag:$0x1] =	stream.linear.gather [hbm4b:s11+s4], $0x400, $0x38;
	[tilespmem:$0x1E800] =	vst v63  }
0x22: {  	_ =	swait.ge [sflag:s19], $0x400  }
0x23: {  	[sflag:s19] =	ssyncset.done $0x0  }
0x24: {  	[sflag:s19] =	ssyncadd.s32 $0xFFFFFC00  }
0x25: {  	_ =	swait.ge [sflag:s19], $0x400  }
0x26: {  	[sflag:s19] =	ssyncset.done $0x0  }
0x27: {  	s21 =	simm.s32 $0x400;
	[sflag:s19] =	ssyncadd.s32 $0xFFFFFC00  }
0x28: {  	[tilespmem:s21], [sflag:$0x1] =	stream.linear.gather [hbm4b:s12+s4], $0x400, $0x38;
	[tilespmem:$0x1E800] =	vst v63  }
0x29: {  	s31 =	simm.s32 $0x1000  }
0x2a: {  	[tilespmem:s31], [sflag:$0x1] =	stream.linear.gather [hbm4b:s13+s4], $0x400, $0x38;
	[tilespmem:$0x1E800] =	vst v63  }
0x2b: {  	_ = 	snop  }
0x2c: {  	[tilespmem:s23], [sflag:$0x2] =	stream.indirect.gather [hbm4b:s5+s22], $0x80, s4, s22, $0xb8;
	[tilespmem:$0x1E800] =	vst v63  }
.Ltmp2:
0x2d: {  	_ = 	snop;
	(pc) =	sbr.rel .LBB2_2-.Ltmp2, $4  }
0x2e: {  	_ = 	snop  }
0x2f: {  	[tilespmem:s25], [sflag:$0x2] =	stream.indirect.gather [hbm4b:s5+s22], $0x80, s24, s22, $0xb8;
	[tilespmem:$0x1E800] =	vst v63  }
0x30: {  	[bflag:$0x0] =	sbarrier.arrive $0xFFFF  }
0x31: {  	s29 =	simm.s32 $0x0;
	s30 =	simm.s32 $0x0  }
.LBB2_5:
0x32: {  	s1 =	smul.u32 $0xAB, s31  }
0x33: {  	s18 =	sshrl.u32 s31, $0x3  }
0x34: {  	s20 =	smul.u32 $0xAB, s18;
	s1 =	sshrl.u32 s1, $0x9  }
0x35: {  	s1 =	sand.u32 $0x7F, s1  }
0x36: {  	s20 =	sshrl.u32 s20, $0x9;
	s1 =	smul.u32 $0x3, s1  }
0x37: {  	s20 =	sand.u32 $0x7F, s20  }
0x38: {  	s20 =	smul.u32 $0x3, s20;
	s1 =	ssub.s32 s31, s1  }
0x39: {  	s1 =	sand.u32 $0xFF, s1  }
0x3a: {  	s18 =	ssub.s32 s18, s20;
	s1 =	smul.u32 $0xC000, s1  }
0x3b: {  	s18 =	sand.u32 $0xFF, s18  }
0x3c: {  	s0 =	sshll.u32 s0, $0x7;
	s18 =	sshll.u32 s18, $0xA;
	s1 =	sshrl.u32 s1, $0x2  }
0x3d: {  	s0 =	sor.u32 s0, s18;
	s1 =	sadd.s32 $0x1800, s1  }
0x3e: {  	[tilespmem:s1], [sflag:$0x2] =	stream.indirect.gather [hbm4b:s5+s22], $0x80, s0, s22, $0xb8;
	[tilespmem:$0x1E800] =	vst v63  }
.LBB2_6:
0x3f: {  	s30 =	sadd.s32 $0x1, s30  }
0x40: {  	p0 =	sne.s32 s30, $0x70  }
.Ltmp3:
0x41: {  	_ = 	snop;
	(pc) =	sbr.rel @!p0 .LBB2_7-.Ltmp3, $2  }
0x42: {  	_ =	sdelay $0x2  }
0x43: {  	s29 =	sadd.s32 $0x200, s29  }
.LBB2_2:
0x44: {  	s0 =	smul.u32 $0xAB, s30;
	s31 =	sshrl.u32 s30, $0x3  }
0x45: {  	s1 =	smul.u32 $0xAB, s31  }
0x46: {  	s0 =	sshrl.u32 s0, $0x9  }
0x47: {  	s0 =	sand.u32 $0x7F, s0;
	s1 =	sshrl.u32 s1, $0x9  }
0x48: {  	s0 =	smul.u32 $0x3, s0;
	s1 =	sand.u32 $0x7F, s1  }
0x49: {  	s1 =	smul.u32 $0x3, s1  }
0x4a: {  	s0 =	ssub.s32 s30, s0  }
0x4b: {  	p0 =	seq.s32 s29, $0x0;
	s0 =	sand.u32 $0xFF, s0;
	s1 =	ssub.s32 s31, s1  }
0x4c: {  	s31 =	sand.u32 $0xE00, s29;
	s18 =	smul.u32 $0xC000, s0;
	s0 =	simm.s32 $0x2  }
.Ltmp4:
0x4d: {  	s1 =	sand.u32 $0xFF, s1;
	s31 =	sshrl.u32 s31, $0x2;
	(pc) =	sbr.rel @p0 .LBB2_5-.Ltmp4, $4  }
0x4e: {  	_ =	swait.ge [sflag:s0], $0x3000;
	s1 =	sshll.u32 s1, $0xA;
	s18 =	sshrl.u32 s18, $0x2  }
0x4f: {  	[sflag:s0] =	ssyncset.done $0x0;
	s1 =	sor.u32 s31, s1;
	s31 =	simm.s32 $0x2  }
0x50: {  	s18 =	sadd.s32 $0x1800, s18;
	[sflag:s0] =	ssyncadd.s32 $0xFFFFD000;
	s1 =	sadd.s32 $0xC00, s1  }
0x51: {  	[spmem:s3] =	stream.indirect.scatter.add.f32 [tilespmem:s18], [sflag:$0x3], $0x80, s1, s22, $0xb8;
	[tilespmem:$0x1E800] =	vst v63  }
0x52: {  	p0 =	sgt.u32 s30, $0x6D  }
.Ltmp5:
0x53: {  	_ = 	snop;
	(pc) =	sbr.rel @p0 .LBB2_6-.Ltmp5, $4  }
0x54: {  	_ = 	snop  }
0x55: {  	_ =	swait.ge [sflag:s26], $0x3000  }
0x56: {  	[sflag:s26] =	ssyncset.done $0x0  }
0x57: {  	[sflag:s26] =	ssyncadd.s32 $0xFFFFD000  }
0x58: {  	s31 =	sadd.s32 $0x2, s30  }
0x59: {  	s1 =	sand.u32 $0x7, s31  }
0x5a: {  	p0 =	sne.s32 s1, $0x0  }
0x5b: {  	p1 =	sgt.u32 @!p0 s30, $0x65  }
0x5c: {  	p2 =	por p1, p0  }
0x5d: {  	s0 =	sshrl.u32 @!p2 s31, $0x3  }
0x5e: {  	s0 =	sadd.s32 @!p2 $0x1, s0  }
0x5f: {  	s18 =	smul.u32 @!p2 $0xAB, s0  }
0x60: {  	s20 =	simm.s32 @!p0 $0x1  }
0x61: {  	_ =	swait.ge @!p0 [sflag:s20], $0x400;
	s18 =	sshrl.u32 @!p2 s18, $0x9  }
0x62: {  	[sflag:s20] =	ssyncset.done @!p0 $0x0;
	s18 =	sand.u32 @!p2 $0x7F, s18  }
0x63: {  	[sflag:s20] =	ssyncadd.s32 @!p0 $0xFFFFFC00;
	s18 =	smul.u32 @!p2 $0x3, s18  }
0x64: {  	_ =	swait.ge @!p0 [sflag:s20], $0x400;
	s21 =	sshll.u32 @!p2 s0, $0xA  }
0x65: {  	[sflag:s20] =	ssyncset.done @!p0 $0x0;
	s21 =	sadd.s32 @!p2 s7, s21;
	s0 =	ssub.s32 @!p2 s0, s18  }
0x66: {  	[sflag:s20] =	ssyncadd.s32 @!p0 $0xFFFFFC00;
	s18 =	sshrl.u32 @!p2 s21, $0x3;
	s0 =	sand.u32 @!p2 $0xFF, s0  }
0x67: {  	s21 =	simm.s32 @!p2 $0x0;
	s20 =	sadd.s32 @!p2 s2, s18;
	s0 =	sshll.u32 @!p2 s0, $0xA  }
0x68: {  	[tilespmem:s0], [sflag:$0x1] =	stream.linear.gather @!p2 [hbm4b:s20+s21], $0x400, $0x38;
	[tilespmem:$0x1E800] =	vst v63  }
.Ltmp6:
0x69: {  	s18 =	sadd.s32 @!p2 s6, s18;
	s0 =	sadd.s32 @!p2 $0xC00, s0;
	(pc) =	sbr.rel .LBB2_5-.Ltmp6, $4  }
0x6a: {  	[tilespmem:s0], [sflag:$0x1] =	stream.linear.gather @!p2 [hbm4b:s18+s21], $0x400, $0x38;
	[tilespmem:$0x1E800] =	vst v63  }
0x6b: {  	p1 =	por !p1, p0;
	s0 =	simm.s32 @!p0 $0x0  }
0x6c: {  	s0 =	simm.s32 @p1 $0x0  }
0x6d: {  	s0 =	smov.u32 @p0 s1  }
.LBB2_8:
0x6e: {  	_ =	sfence.sel $0x180000  }
0x6f: {  	[bflag:$0x0] =	sbarrier.arrive $0xFFFF  }
0x70: {  	_ =	strace $0x9000004D  }
0x71: {  	s0 =	stileid.u32;
	[bflag:$0x2] =	sbarrier.arrive $0xFFFF  }
0x72: {  	p0 =	sne.s32 s0, $0x0;
	s0 =	rddreg [dreg:$0x3]  }
0x73: {  	s0 =	sadd.s32 @!p0 $0x100000, s0  }
0x74: {  	[sflag:s0] =	ssyncadd.tile.s32 @!p0 $0x1;
	_ =	shalt  }
.Lfunc_end2:
_tile_overlayer_lowered:
.L_overlay_start_2:
0x75: {  	(tag) =	ssettag $0x2  }
0x76: {  	s0 =	rddreg [dreg:$0x0];
	s2 =	stileid.u32  }
0x77: {  	s1 =	rddreg [dreg:$0x1];
	p0 =	sne.s32 s2, $0x0  }
0x78: {  	s3 =	rddreg [dreg:$0x2];
	[bflag:$0x3] =	sbarrier.arrive $0xFFFF;
	s2 =	simm.s32 @!p0 $0x1C04  }
0x79: {  	[timem:s3], [sflag:s2] =	dma.local @!p0 [hbm:s0], s1  }
0x7a: {  	s0 =	simm.s32 @!p0 $0x4  }
0x7b: {  	_ =	swait.ge @!p0 [sflag:s0], s1  }
0x7c: {  	s1 =	ssub.s32 @!p0 $0x0, s1;
	[sflag:s0] =	ssyncset.done @!p0 $0x0  }
0x7d: {  	[sflag:s0] =	ssyncadd.s32 @!p0 s1  }
0x7e: {  	[bflag:$0x3] =	sbarrier.arrive $0xFFFF  }
0x7f: {  	_ =	shalt  }

// kernel: kernel.18.cloned.1.call-start
scs
__scs_entry_jumppad:
0x0: {  	(pc) =	sbr.rel $0x88, $3  }
0x1: {  	(tag) =	ssettag $0x0;
	lr =	simm.s32 $0x1  }
0x2: {  	[smem:$0x3F96] =	sst lr;
	_ =	strace $0xD0000000  }
0x3: {  	_ = 	snop  }
0x4: {  	_ = 	snop  }
0x5: {  	_ = 	snop  }
0x6: {  	_ = 	snop  }
0x7: {  	_ = 	snop  }
__scs_overlays_trampoline_lowered:
0x8: {  	[smem:$0x3FA5] =	sst s0  }
0x9: {  	[smem:$0x3FA6] =	sst s1  }
0xa: {  	[smem:$0x3FA7] =	sst s2  }
0xb: {  	[smem:$0x3FA8] =	sst s3  }
0xc: {  	[smem:$0x3FA9] =	sst s4  }
0xd: {  	[smem:$0x3FAA] =	sst s5  }
0xe: {  	[smem:$0x3FAB] =	sst s6  }
0xf: {  	[smem:$0x3FAC] =	sst s7  }
0x10: {  	[smem:$0x3FAD] =	sst s8  }
0x11: {  	[smem:$0x3FAE] =	sst s9;
	s0 =	simm.s32 @!p0 $0x0  }
0x12: {  	s1 =	sld [smem:$0x3F94];
	s0 =	simm.s32 @p0 $0x1  }
0x13: {  	[smem:$0x3FAF] =	sst s0;
	s0 =	simm.s32 @!p1 $0x0  }
0x14: {  	s2 =	sld [smem:$0x3F93];
	s0 =	simm.s32 @p1 $0x1  }
0x15: {  	[smem:$0x3FB0] =	sst s0;
	s0 =	simm.s32 @!p2 $0x0  }
0x16: {  	s3 =	sld [smem:$0x3FDB];
	s0 =	simm.s32 @p2 $0x1  }
0x17: {  	s4 =	simm.s32 $0x1BF5;
	[smem:$0x3FB2] =	sst s0  }
0x18: {  	s0 =	sld [smem:$0x3F95];
	_ =	swait.ge [sflag:s4], $0x0  }
0x19: {  	s7 =	sld [smem:$0x3F96]  }
0x1a: {  	s8 =	sadd.s32 $0xFFFFE003, lr  }
0x1b: {  	s9 =	sadd.s32 $0xFFFFFEF7, lr;
	s5 =	simm.s32 $0xFFFFFFFF;
	p2 =	slt.u32 s8, $0xFFFFF086  }
0x1c: {  	p1 =	slt.u32 s9, $0xF7A;
	s5 =	simm.s32 @!p2 $0x0  }
0x1d: {  	s5 =	simm.s32 @p1 $0x1;
	p0 =	seq.s32 s7, s2  }
0x1e: {  	s7 =	smul.u32 @!p0 $0xF7A, s2;
	p2 =	seq.s32 @!p0 s5, $0x0  }
0x1f: {  	s9 =	smul.u32 $0xF7A, s1;
	s8 =	simm.s32 @!p0 $0x1BF5;
	p2 =	por !p2, p0  }
0x20: {  	[sflag:s8] =	ssyncset.s32 @!p0 $0xFFFFF086;
	s6 =	sadd.s32 @!p0 s3, s7;
	s7 =	simm.s32 @!p0 $0x108  }
0x21: {  	s3 =	sadd.s32 s3, s9;
	s6 =	sadd.s32 @!p0 $0x88, s6;
	s7 =	simm.s32 @p2 $0x1082  }
0x22: {  	[simem:s7], [sflag:s8] =	dma.local @!p0 [hbm:s6], $0xF7A  }
0x23: {  	s9 =	sor.u32 $0xD0000000, s2;
	s6 =	simm.s32 $0x108;
	_ =	swait.ge @!p0 [sflag:s8], $0x0  }
0x24: {  	s3 =	sadd.s32 $0x88, s3;
	s6 =	simm.s32 @!p1 $0x1082;
	[sflag:s4] =	ssyncset.s32 $0xFFFFF086  }
0x25: {  	[simem:s6], [sflag:s4] =	dma.local [hbm:s3], $0xF7A  }
0x26: {  	[smem:$0x3F96] =	sst s1;
	(tag) =	ssettag s2;
	_ =	strace s9  }
0x27: {  	s1 =	sld [smem:$0x3FA6]  }
0x28: {  	s2 =	sld [smem:$0x3FA7]  }
0x29: {  	s4 =	sld [smem:$0x3FA9]  }
0x2a: {  	p0 =	seq.s32 s5, $0x0;
	s5 =	sld [smem:$0x3FAA]  }
0x2b: {  	s6 =	sld [smem:$0x3FAB]  }
0x2c: {  	s7 =	sld [smem:$0x3FAC]  }
0x2d: {  	s3 =	simm.s32 $0x108;
	s8 =	sld [smem:$0x3FAD]  }
0x2e: {  	s3 =	simm.s32 @!p0 $0x1082;
	s9 =	sld [smem:$0x3FAE]  }
0x2f: {  	lr =	sadd.s32 s0, s3;
	s0 =	sld [smem:$0x3FA5]  }
0x30: {  	s3 =	sld [smem:$0x3FA8]  }
0x31: {  	[smem:$0x3FB1] =	sst s10  }
0x32: {  	s10 =	sld [smem:$0x3FAF];
	_ =	sdelay $0x3  }
0x33: {  	p0 =	seq.s32 s10, $0x1;
	s10 =	sld [smem:$0x3FB1];
	_ =	sdelay $0x3  }
0x34: {  	[smem:$0x3FB1] =	sst s10  }
0x35: {  	s10 =	sld [smem:$0x3FB0];
	_ =	sdelay $0x3  }
0x36: {  	p1 =	seq.s32 s10, $0x1;
	s10 =	sld [smem:$0x3FB1];
	_ =	sdelay $0x3  }
0x37: {  	[smem:$0x3FB1] =	sst s10  }
0x38: {  	s10 =	sld [smem:$0x3FB2]  }
0x39: {  	_ = 	snop;
	(pc) =	sbr.ind lr, $3  }
0x3a: {  	_ = 	snop  }
0x3b: {  	_ = 	snop  }
0x3c: {  	p2 =	seq.s32 s10, $0x1;
	s10 =	sld [smem:$0x3FB1]  }
0x3d: {  	_ =	shalt  }
0x3e: {  	_ =	shalt  }
0x3f: {  	_ =	shalt  }
0x40: {  	_ =	shalt  }
0x41: {  	_ =	shalt  }
0x42: {  	_ =	shalt  }
0x43: {  	_ =	shalt  }
0x44: {  	_ =	shalt  }
0x45: {  	_ =	shalt  }
0x46: {  	_ =	shalt  }
0x47: {  	_ =	shalt  }
0x48: {  	_ =	shalt  }
0x49: {  	_ =	shalt  }
0x4a: {  	_ =	shalt  }
0x4b: {  	_ =	shalt  }
0x4c: {  	_ =	shalt  }
0x4d: {  	_ =	shalt  }
0x4e: {  	_ =	shalt  }
0x4f: {  	_ =	shalt  }
0x50: {  	_ =	shalt  }
0x51: {  	_ =	shalt  }
0x52: {  	_ =	shalt  }
0x53: {  	_ =	shalt  }
0x54: {  	_ =	shalt  }
0x55: {  	_ =	shalt  }
0x56: {  	_ =	shalt  }
0x57: {  	_ =	shalt  }
0x58: {  	_ =	shalt  }
0x59: {  	_ =	shalt  }
0x5a: {  	_ =	shalt  }
0x5b: {  	_ =	shalt  }
0x5c: {  	_ =	shalt  }
0x5d: {  	_ =	shalt  }
0x5e: {  	_ =	shalt  }
0x5f: {  	_ =	shalt  }
0x60: {  	_ =	shalt  }
0x61: {  	_ =	shalt  }
0x62: {  	_ =	shalt  }
0x63: {  	_ =	shalt  }
0x64: {  	_ =	shalt  }
0x65: {  	_ =	shalt  }
0x66: {  	_ =	shalt  }
0x67: {  	_ =	shalt  }
0x68: {  	_ =	shalt  }
0x69: {  	_ =	shalt  }
0x6a: {  	_ =	shalt  }
0x6b: {  	_ =	shalt  }
0x6c: {  	_ =	shalt  }
0x6d: {  	_ =	shalt  }
0x6e: {  	_ =	shalt  }
0x6f: {  	_ =	shalt  }
0x70: {  	_ =	shalt  }
0x71: {  	_ =	shalt  }
0x72: {  	_ =	shalt  }
0x73: {  	_ =	shalt  }
0x74: {  	_ =	shalt  }
0x75: {  	_ =	shalt  }
0x76: {  	_ =	shalt  }
0x77: {  	_ =	shalt  }
0x78: {  	_ =	shalt  }
0x79: {  	_ =	shalt  }
0x7a: {  	_ =	shalt  }
0x7b: {  	_ =	shalt  }
0x7c: {  	_ =	shalt  }
0x7d: {  	_ =	shalt  }
0x7e: {  	_ =	shalt  }
0x7f: {  	_ =	shalt  }
0x80: {  	_ =	shalt  }
0x81: {  	_ =	shalt  }
0x82: {  	_ =	shalt  }
0x83: {  	_ =	shalt  }
0x84: {  	_ =	shalt  }
0x85: {  	_ =	shalt  }
0x86: {  	_ =	shalt  }
0x87: {  	_ =	shalt  }
.Lfunc_end0:
.L_simem_size_0:
called_computation.3_lowered:
.L_overlay_start_0:
0x88: {  	s2 =	sld [smem:$0x3FD9]  }
0x89: {  	s3 =	sld [smem:$0x3FFE];
	_ =	sdelay $0x1  }
0x8a: {  	s1 =	srdreg.scid  }
0x8b: {  	s0 =	sand.u32 $0x1, s1  }
0x8c: {  	s17 =	sshll.u32 s0, $0xA;
	s2 =	sadd.s32 s3, s2  }
0x8d: {  	s2 =	sadd.s32 s2, s17  }
0x8e: {  	[smem:$0x3FBD] =	sst s2  }
0x8f: {  	_ = 	snop  }
0x90: {  	s2 =	sld [smem:$0x3FD0];
	(tm) =	ssettm $0x1  }
0x91: {  	s18 =	sld [smem:$0x3FFB];
	_ =	sdelay $0x3  }
0x92: {  	_ =	strace s18  }
0x93: {  	s3 =	sld [smem:$0x3FFC];
	_ =	sdelay $0x3  }
0x94: {  	_ =	strace s3  }
0x95: {  	s3 =	sld [smem:$0x3FFD];
	_ =	sdelay $0x3  }
0x96: {  	_ =	strace s3  }
0x97: {  	_ =	strace $0x8FFFFFFF  }
0x98: {  	s19 =	sld [smem:$0x3FDB];
	_ =	sdelay $0x1  }
0x99: {  	s4 =	simm.s32 $_scs_section_size  }
0x9a: {  	s5 =	simm.s32 $_size__tile_overlayer_lowered;
	s6 =	simm.s32 $_tile_overlayer_lowered  }
0x9b: {  	s22 =	simm.s32 $0x1BFF;
	s21 =	sshll.u32 s6, $0x1;
	s3 =	sadd.s32 s4, s19  }
0x9c: {  	s7 =	simm.s32 $0x0;
	s20 =	sshll.u32 s5, $0x1;
	s5 =	sadd.s32 s21, s3  }
0x9d: {  	[timem:s7], [sflag:s22] =	dma.local [hbm:s5], s20  }
0x9e: {  	_ =	swait.ge [sflag:s22], s20  }
0x9f: {  	s4 =	ssub.s32 $0x0, s20;
	[sflag:s22] =	ssyncset.done $0x0  }
0xa0: {  	[sflag:s22] =	ssyncadd.s32 s4;
	_ =	sdelay $0x1  }
0xa1: {  	s23 =	simm.s32 $0x1B8B  }
0xa2: {  	_ =	swait.ge [sflag:s23], $0x1  }
0xa3: {  	[sflag:s23] =	ssyncset.done $0x0  }
0xa4: {  	s25 =	simm.s32 $0x1B8E;
	s24 =	sld [smem:$0x3FFE];
	[sflag:s23] =	ssyncadd.s32 $0xFFFFFFFF  }
0xa5: {  	s26 =	simm.s32 $execute0_lowered;
	[smem:$0x3FD2] =	sst s25  }
0xa6: {  	s5 =	sshll.u32 s26, $0x1;
	_ =	strace $0x8000004F;
	[dreg:$0x1] =	wrdreg $0xFFFFFFFF  }
0xa7: {  	s28 =	simm.s32 $_size_execute0_lowered;
	s3 =	sadd.s32 s3, s5;
	[dreg:$0x0] =	wrdreg $0x0  }
0xa8: {  	s5 =	sshll.u32 s28, $0x1;
	[dreg:$0x2] =	wrdreg s3  }
0xa9: {  	[dreg:$0x3] =	wrdreg s5  }
0xaa: {  	[dreg:$0x4] =	wrdreg $0xC0  }
0xab: {  	_ =	task [dreg:s7], $0x5FFFF  }
0xac: {  	[dreg:$0x1] =	wrdreg $0xFFFFFFFF  }
0xad: {  	[dreg:$0x0] =	wrdreg $0x60  }
0xae: {  	[dreg:$0x2] =	wrdreg s24  }
0xaf: {  	[dreg:$0x3] =	wrdreg s2  }
0xb0: {  	[dreg:$0x4] =	wrdreg $0xA8000  }
0xb1: {  	[dreg:$0x5] =	wrdreg $0x9  }
0xb2: {  	_ =	task.clear_ibuf [dreg:s7], $0x6FFFF;
	_ =	strace $0x9000004F  }
0xb3: {  	s29 =	simm.s32 $0x9;
	_ =	strace $0x80000051  }
0xb4: {  	_ =	swait.ge [sflag:s29], $0x1  }
0xb5: {  	[sflag:s29] =	ssyncadd.s32 $0xFFFFFFFF  }
0xb6: {  	_ =	strace $0x90000051  }
0xb7: {  	_ =	sfence  }
0xb8: {  	s30 =	sld [smem:$0x0];
	_ =	sdelay $0x2  }
0xb9: {  	s31 =	sshll.u32 s1, $0xD;
	s1 =	sshrl.u32 s1, $0x2  }
0xba: {  	s3 =	sand.u32 $0x4000, s31;
	s1 =	sadd.s32 s1, s30  }
0xbb: {  	s0 =	sor.u32 s3, s0;
	s1 =	sshll.u32 s1, $0x11  }
0xbc: {  	s0 =	sor.u32 s1, s0  }
0xbd: {  	s0 =	sadd.s32 $0x8F2B, s0  }
0xbe: {  	[sflag:s0] =	ssyncadd.remote.s32 $0x1  }
0xbf: {  	_ =	sfence.sel $0xFFFF  }
0xc0: {  	[dreg:$0x0] =	wrdreg $0xFFFFFFFF;
	(pc) =	sbr.abs _section_cstart, $3  }
0xc1: {  	[dreg:$0x1] =	wrdreg $0xFFFFFFFF  }
0xc2: {  	_ =	task.clear_ibuf [dreg:s7], $0x2FFFF;
	_ =	strace $0x9FFFFFFF  }
0xc3: {  	(tm) =	ssettm $0x7FFFFFFF  }
tec
execute0_lowered:
.L_overlay_start_1:
0x0: {  	(tag) =	ssettag $0x1  }
0x1: {  	s0 =	rddreg [dreg:$0x0]  }
0x2: {  	s2 =	rddreg [dreg:$0x1]  }
0x3: {  	s3 =	rddreg [dreg:$0x2]  }
0x4: {  	s4 =	simm.s32 $0x0;
	s1 =	stileid.u32;
	s5 =	srdreg.scid  }
0x5: {  	s17 =	simm.s32 $0x4;
	s19 =	simm.s32 $0x1;
	s22 =	simm.s32 $0x60  }
0x6: {  	s23 =	simm.s32 $0x1800;
	s28 =	simm.s32 $0x0;
	[smem:$0x7FF] =	sst s4  }
0x7: {  	s7 =	smul.u32 $0x14000, s1;
	s8 =	sand.u32 $0x1, s5;
	s5 =	sadd.s32 $0x11600, s0  }
0x8: {  	s6 =	sadd.s32 $0x3600, s0;
	s24 =	sshll.u32 s1, $0x1;
	s12 =	smul.u32 $0x50000, s1  }
0x9: {  	s29 =	sshll.u32 s1, $0x6;
	_ =	strace $0x80000050;
	s9 =	smul.u32 $0x140000, s8  }
0xa: {  	s11 =	ssub.s32 $0x2, s8;
	s8 =	sor.u32 s8, s24;
	s24 =	simm.s32 $0x80  }
0xb: {  	s10 =	sshrl.u32 s7, $0x3;
	s13 =	sshrl.u32 s11, $0x1;
	s26 =	sshrl.u32 s12, $0x2  }
0xc: {  	s10 =	sadd.s32 s10, s0;
	s7 =	sadd.s32 s7, s9;
	s15 =	ssub.s32 s11, s13  }
0xd: {  	s16 =	sadd.s32 s26, s3;
	s25 =	sshrl.u32 s7, $0x3;
	s7 =	smul.u32 $0x3800, s8  }
.Ltmp0:
0xe: {  	s9 =	sor.u32 $0x1C04, s29;
	s26 =	simm.s32 $0x3;
	(pc) =	sbr.rel .LBB2_1-.Ltmp0, $4  }
0xf: {  	s8 =	sadd.s32 $0x3A600, s10;
	s15 =	smax.u32 s15, $0x1;
	s16 =	sshrl.u32 s16, $0x3  }
0x10: {  	s0 =	sadd.s32 s25, s0;
	s25 =	simm.s32 $0x4800;
	s30 =	sshrl.u32 s7, $0x3  }
0x11: {  	s14 =	sadd.s32 $0x62600, s0;
	s31 =	sor.u32 $0x80, s30;
	s10 =	sadd.s32 s2, s30  }
0x12: {  	s11 =	sadd.s32 s6, s30;
	s12 =	sadd.s32 s2, s31;
	s13 =	sadd.s32 s6, s31  }
.LBB2_7:
0x13: {  	_ =	swait.ge [sflag:s26], $0x3000  }
0x14: {  	s28 =	sadd.s32 $0x1, s28;
	[sflag:s26] =	ssyncset.done $0x0  }
0x15: {  	p0 =	sne.s32 s28, s15;
	[sflag:s26] =	ssyncadd.s32 $0xFFFFD000  }
.Ltmp1:
0x16: {  	[bflag:$0x0] =	sbarrier.arrive $0xFFFF;
	(pc) =	sbr.rel @!p0 .LBB2_8-.Ltmp1, $4  }
0x17: {  	[hbm:s14], [sflag:s9] =	dma.local [spmem:s16], $0x2800  }
0x18: {  	_ =	swait.ge [sflag:s17], $0x2800  }
0x19: {  	[sflag:s17] =	ssyncset.done $0x0  }
0x1a: {  	[sflag:s17] =	ssyncadd.s32 $0xFFFFD800  }
.LBB2_1:
0x1b: {  	[spmem:s16], [sflag:s9] =	dma.local [hbm:s8], $0x2800  }
0x1c: {  	_ =	swait.ge [sflag:s17], $0x2800  }
0x1d: {  	[sflag:s17] =	ssyncset.done $0x0  }
0x1e: {  	[sflag:s17] =	ssyncadd.s32 $0xFFFFD800  }
0x1f: {  	[tilespmem:s4], [sflag:$0x1] =	stream.linear.gather [hbm4b:s10+s4], $0x400, $0x38;
	[tilespmem:$0x1E800] =	vst v63  }
0x20: {  	s0 =	simm.s32 $0xC00  }
0x21: {  	[tilespmem:s0], [sflag:$0x1] =	stream.linear.gather [hbm4b:s11+s4], $0x400, $0x38;
	[tilespmem:$0x1E800] =	vst v63  }
0x22: {  	_ =	swait.ge [sflag:s19], $0x400  }
0x23: {  	[sflag:s19] =	ssyncset.done $0x0  }
0x24: {  	[sflag:s19] =	ssyncadd.s32 $0xFFFFFC00  }
0x25: {  	_ =	swait.ge [sflag:s19], $0x400  }
0x26: {  	[sflag:s19] =	ssyncset.done $0x0  }
0x27: {  	s21 =	simm.s32 $0x400;
	[sflag:s19] =	ssyncadd.s32 $0xFFFFFC00  }
0x28: {  	[tilespmem:s21], [sflag:$0x1] =	stream.linear.gather [hbm4b:s12+s4], $0x400, $0x38;
	[tilespmem:$0x1E800] =	vst v63  }
0x29: {  	s31 =	simm.s32 $0x1000  }
0x2a: {  	[tilespmem:s31], [sflag:$0x1] =	stream.linear.gather [hbm4b:s13+s4], $0x400, $0x38;
	[tilespmem:$0x1E800] =	vst v63  }
0x2b: {  	_ = 	snop  }
0x2c: {  	[tilespmem:s23], [sflag:$0x2] =	stream.indirect.gather [hbm4b:s5+s22], $0x80, s4, s22, $0xb8;
	[tilespmem:$0x1E800] =	vst v63  }
.Ltmp2:
0x2d: {  	_ = 	snop;
	(pc) =	sbr.rel .LBB2_2-.Ltmp2, $4  }
0x2e: {  	_ = 	snop  }
0x2f: {  	[tilespmem:s25], [sflag:$0x2] =	stream.indirect.gather [hbm4b:s5+s22], $0x80, s24, s22, $0xb8;
	[tilespmem:$0x1E800] =	vst v63  }
0x30: {  	[bflag:$0x0] =	sbarrier.arrive $0xFFFF  }
0x31: {  	s29 =	simm.s32 $0x0;
	s30 =	simm.s32 $0x0  }
.LBB2_5:
0x32: {  	s1 =	smul.u32 $0xAB, s31  }
0x33: {  	s18 =	sshrl.u32 s31, $0x3  }
0x34: {  	s20 =	smul.u32 $0xAB, s18;
	s1 =	sshrl.u32 s1, $0x9  }
0x35: {  	s1 =	sand.u32 $0x7F, s1  }
0x36: {  	s20 =	sshrl.u32 s20, $0x9;
	s1 =	smul.u32 $0x3, s1  }
0x37: {  	s20 =	sand.u32 $0x7F, s20  }
0x38: {  	s20 =	smul.u32 $0x3, s20;
	s1 =	ssub.s32 s31, s1  }
0x39: {  	s1 =	sand.u32 $0xFF, s1  }
0x3a: {  	s18 =	ssub.s32 s18, s20;
	s1 =	smul.u32 $0xC000, s1  }
0x3b: {  	s18 =	sand.u32 $0xFF, s18  }
0x3c: {  	s0 =	sshll.u32 s0, $0x7;
	s18 =	sshll.u32 s18, $0xA;
	s1 =	sshrl.u32 s1, $0x2  }
0x3d: {  	s0 =	sor.u32 s0, s18;
	s1 =	sadd.s32 $0x1800, s1  }
0x3e: {  	[tilespmem:s1], [sflag:$0x2] =	stream.indirect.gather [hbm4b:s5+s22], $0x80, s0, s22, $0xb8;
	[tilespmem:$0x1E800] =	vst v63  }
.LBB2_6:
0x3f: {  	s30 =	sadd.s32 $0x1, s30  }
0x40: {  	p0 =	sne.s32 s30, $0x70  }
.Ltmp3:
0x41: {  	_ = 	snop;
	(pc) =	sbr.rel @!p0 .LBB2_7-.Ltmp3, $2  }
0x42: {  	_ =	sdelay $0x2  }
0x43: {  	s29 =	sadd.s32 $0x200, s29  }
.LBB2_2:
0x44: {  	s0 =	smul.u32 $0xAB, s30;
	s31 =	sshrl.u32 s30, $0x3  }
0x45: {  	s1 =	smul.u32 $0xAB, s31  }
0x46: {  	s0 =	sshrl.u32 s0, $0x9  }
0x47: {  	s0 =	sand.u32 $0x7F, s0;
	s1 =	sshrl.u32 s1, $0x9  }
0x48: {  	s0 =	smul.u32 $0x3, s0;
	s1 =	sand.u32 $0x7F, s1  }
0x49: {  	s1 =	smul.u32 $0x3, s1  }
0x4a: {  	s0 =	ssub.s32 s30, s0  }
0x4b: {  	p0 =	seq.s32 s29, $0x0;
	s0 =	sand.u32 $0xFF, s0;
	s1 =	ssub.s32 s31, s1  }
0x4c: {  	s31 =	sand.u32 $0xE00, s29;
	s18 =	smul.u32 $0xC000, s0;
	s0 =	simm.s32 $0x2  }
.Ltmp4:
0x4d: {  	s1 =	sand.u32 $0xFF, s1;
	s31 =	sshrl.u32 s31, $0x2;
	(pc) =	sbr.rel @p0 .LBB2_5-.Ltmp4, $4  }
0x4e: {  	_ =	swait.ge [sflag:s0], $0x3000;
	s1 =	sshll.u32 s1, $0xA;
	s18 =	sshrl.u32 s18, $0x2  }
0x4f: {  	[sflag:s0] =	ssyncset.done $0x0;
	s1 =	sor.u32 s31, s1;
	s31 =	simm.s32 $0x2  }
0x50: {  	s18 =	sadd.s32 $0x1800, s18;
	[sflag:s0] =	ssyncadd.s32 $0xFFFFD000;
	s1 =	sadd.s32 $0xC00, s1  }
0x51: {  	[spmem:s3] =	stream.indirect.scatter.add.f32 [tilespmem:s18], [sflag:$0x3], $0x80, s1, s22, $0xb8;
	[tilespmem:$0x1E800] =	vst v63  }
0x52: {  	p0 =	sgt.u32 s30, $0x6D  }
.Ltmp5:
0x53: {  	_ = 	snop;
	(pc) =	sbr.rel @p0 .LBB2_6-.Ltmp5, $4  }
0x54: {  	_ = 	snop  }
0x55: {  	_ =	swait.ge [sflag:s26], $0x3000  }
0x56: {  	[sflag:s26] =	ssyncset.done $0x0  }
0x57: {  	[sflag:s26] =	ssyncadd.s32 $0xFFFFD000  }
0x58: {  	s31 =	sadd.s32 $0x2, s30  }
0x59: {  	s1 =	sand.u32 $0x7, s31  }
0x5a: {  	p0 =	sne.s32 s1, $0x0  }
0x5b: {  	p1 =	sgt.u32 @!p0 s30, $0x65  }
0x5c: {  	p2 =	por p1, p0  }
0x5d: {  	s0 =	sshrl.u32 @!p2 s31, $0x3  }
0x5e: {  	s0 =	sadd.s32 @!p2 $0x1, s0  }
0x5f: {  	s18 =	smul.u32 @!p2 $0xAB, s0  }
0x60: {  	s20 =	simm.s32 @!p0 $0x1  }
0x61: {  	_ =	swait.ge @!p0 [sflag:s20], $0x400;
	s18 =	sshrl.u32 @!p2 s18, $0x9  }
0x62: {  	[sflag:s20] =	ssyncset.done @!p0 $0x0;
	s18 =	sand.u32 @!p2 $0x7F, s18  }
0x63: {  	[sflag:s20] =	ssyncadd.s32 @!p0 $0xFFFFFC00;
	s18 =	smul.u32 @!p2 $0x3, s18  }
0x64: {  	_ =	swait.ge @!p0 [sflag:s20], $0x400;
	s21 =	sshll.u32 @!p2 s0, $0xA  }
0x65: {  	[sflag:s20] =	ssyncset.done @!p0 $0x0;
	s21 =	sadd.s32 @!p2 s7, s21;
	s0 =	ssub.s32 @!p2 s0, s18  }
0x66: {  	[sflag:s20] =	ssyncadd.s32 @!p0 $0xFFFFFC00;
	s18 =	sshrl.u32 @!p2 s21, $0x3;
	s0 =	sand.u32 @!p2 $0xFF, s0  }
0x67: {  	s21 =	simm.s32 @!p2 $0x0;
	s20 =	sadd.s32 @!p2 s2, s18;
	s0 =	sshll.u32 @!p2 s0, $0xA  }
0x68: {  	[tilespmem:s0], [sflag:$0x1] =	stream.linear.gather @!p2 [hbm4b:s20+s21], $0x400, $0x38;
	[tilespmem:$0x1E800] =	vst v63  }
.Ltmp6:
0x69: {  	s18 =	sadd.s32 @!p2 s6, s18;
	s0 =	sadd.s32 @!p2 $0xC00, s0;
	(pc) =	sbr.rel .LBB2_5-.Ltmp6, $4  }
0x6a: {  	[tilespmem:s0], [sflag:$0x1] =	stream.linear.gather @!p2 [hbm4b:s18+s21], $0x400, $0x38;
	[tilespmem:$0x1E800] =	vst v63  }
0x6b: {  	p1 =	por !p1, p0;
	s0 =	simm.s32 @!p0 $0x0  }
0x6c: {  	s0 =	simm.s32 @p1 $0x0  }
0x6d: {  	s0 =	smov.u32 @p0 s1  }
.LBB2_8:
0x6e: {  	_ =	sfence.sel $0x180000  }
0x6f: {  	[bflag:$0x0] =	sbarrier.arrive $0xFFFF  }
0x70: {  	_ =	strace $0x90000050  }
0x71: {  	s0 =	stileid.u32;
	[bflag:$0x2] =	sbarrier.arrive $0xFFFF  }
0x72: {  	p0 =	sne.s32 s0, $0x0;
	s0 =	rddreg [dreg:$0x3]  }
0x73: {  	s0 =	sadd.s32 @!p0 $0x100000, s0  }
0x74: {  	[sflag:s0] =	ssyncadd.tile.s32 @!p0 $0x1;
	_ =	shalt  }
.Lfunc_end2:
_tile_overlayer_lowered:
.L_overlay_start_2:
0x75: {  	(tag) =	ssettag $0x2  }
0x76: {  	s0 =	rddreg [dreg:$0x0];
	s2 =	stileid.u32  }
0x77: {  	s1 =	rddreg [dreg:$0x1];
	p0 =	sne.s32 s2, $0x0  }
0x78: {  	s3 =	rddreg [dreg:$0x2];
	[bflag:$0x3] =	sbarrier.arrive $0xFFFF;
	s2 =	simm.s32 @!p0 $0x1C04  }
0x79: {  	[timem:s3], [sflag:s2] =	dma.local @!p0 [hbm:s0], s1  }
0x7a: {  	s0 =	simm.s32 @!p0 $0x4  }
0x7b: {  	_ =	swait.ge @!p0 [sflag:s0], s1  }
0x7c: {  	s1 =	ssub.s32 @!p0 $0x0, s1;
	[sflag:s0] =	ssyncset.done @!p0 $0x0  }
0x7d: {  	[sflag:s0] =	ssyncadd.s32 @!p0 s1  }
0x7e: {  	[bflag:$0x3] =	sbarrier.arrive $0xFFFF  }
0x7f: {  	_ =	shalt  }

// kernel: kernel.9.cloned.1.call-start
scs
__scs_entry_jumppad:
0x0: {  	(pc) =	sbr.rel $0x88, $3  }
0x1: {  	(tag) =	ssettag $0x0;
	lr =	simm.s32 $0x1  }
0x2: {  	[smem:$0x3F96] =	sst lr;
	_ =	strace $0xD0000000  }
0x3: {  	_ = 	snop  }
0x4: {  	_ = 	snop  }
0x5: {  	_ = 	snop  }
0x6: {  	_ = 	snop  }
0x7: {  	_ = 	snop  }
__scs_overlays_trampoline_lowered:
0x8: {  	[smem:$0x3FA5] =	sst s0  }
0x9: {  	[smem:$0x3FA6] =	sst s1  }
0xa: {  	[smem:$0x3FA7] =	sst s2  }
0xb: {  	[smem:$0x3FA8] =	sst s3  }
0xc: {  	[smem:$0x3FA9] =	sst s4  }
0xd: {  	[smem:$0x3FAA] =	sst s5  }
0xe: {  	[smem:$0x3FAB] =	sst s6  }
0xf: {  	[smem:$0x3FAC] =	sst s7  }
0x10: {  	[smem:$0x3FAD] =	sst s8  }
0x11: {  	[smem:$0x3FAE] =	sst s9;
	s0 =	simm.s32 @!p0 $0x0  }
0x12: {  	s1 =	sld [smem:$0x3F94];
	s0 =	simm.s32 @p0 $0x1  }
0x13: {  	[smem:$0x3FAF] =	sst s0;
	s0 =	simm.s32 @!p1 $0x0  }
0x14: {  	s2 =	sld [smem:$0x3F93];
	s0 =	simm.s32 @p1 $0x1  }
0x15: {  	[smem:$0x3FB0] =	sst s0;
	s0 =	simm.s32 @!p2 $0x0  }
0x16: {  	s3 =	sld [smem:$0x3FDB];
	s0 =	simm.s32 @p2 $0x1  }
0x17: {  	s4 =	simm.s32 $0x1BF5;
	[smem:$0x3FB2] =	sst s0  }
0x18: {  	s0 =	sld [smem:$0x3F95];
	_ =	swait.ge [sflag:s4], $0x0  }
0x19: {  	s7 =	sld [smem:$0x3F96]  }
0x1a: {  	s8 =	sadd.s32 $0xFFFFE003, lr  }
0x1b: {  	s9 =	sadd.s32 $0xFFFFFEF7, lr;
	s5 =	simm.s32 $0xFFFFFFFF;
	p2 =	slt.u32 s8, $0xFFFFF086  }
0x1c: {  	p1 =	slt.u32 s9, $0xF7A;
	s5 =	simm.s32 @!p2 $0x0  }
0x1d: {  	s5 =	simm.s32 @p1 $0x1;
	p0 =	seq.s32 s7, s2  }
0x1e: {  	s7 =	smul.u32 @!p0 $0xF7A, s2;
	p2 =	seq.s32 @!p0 s5, $0x0  }
0x1f: {  	s9 =	smul.u32 $0xF7A, s1;
	s8 =	simm.s32 @!p0 $0x1BF5;
	p2 =	por !p2, p0  }
0x20: {  	[sflag:s8] =	ssyncset.s32 @!p0 $0xFFFFF086;
	s6 =	sadd.s32 @!p0 s3, s7;
	s7 =	simm.s32 @!p0 $0x108  }
0x21: {  	s3 =	sadd.s32 s3, s9;
	s6 =	sadd.s32 @!p0 $0x88, s6;
	s7 =	simm.s32 @p2 $0x1082  }
0x22: {  	[simem:s7], [sflag:s8] =	dma.local @!p0 [hbm:s6], $0xF7A  }
0x23: {  	s9 =	sor.u32 $0xD0000000, s2;
	s6 =	simm.s32 $0x108;
	_ =	swait.ge @!p0 [sflag:s8], $0x0  }
0x24: {  	s3 =	sadd.s32 $0x88, s3;
	s6 =	simm.s32 @!p1 $0x1082;
	[sflag:s4] =	ssyncset.s32 $0xFFFFF086  }
0x25: {  	[simem:s6], [sflag:s4] =	dma.local [hbm:s3], $0xF7A  }
0x26: {  	[smem:$0x3F96] =	sst s1;
	(tag) =	ssettag s2;
	_ =	strace s9  }
0x27: {  	s1 =	sld [smem:$0x3FA6]  }
0x28: {  	s2 =	sld [smem:$0x3FA7]  }
0x29: {  	s4 =	sld [smem:$0x3FA9]  }
0x2a: {  	p0 =	seq.s32 s5, $0x0;
	s5 =	sld [smem:$0x3FAA]  }
0x2b: {  	s6 =	sld [smem:$0x3FAB]  }
0x2c: {  	s7 =	sld [smem:$0x3FAC]  }
0x2d: {  	s3 =	simm.s32 $0x108;
	s8 =	sld [smem:$0x3FAD]  }
0x2e: {  	s3 =	simm.s32 @!p0 $0x1082;
	s9 =	sld [smem:$0x3FAE]  }
0x2f: {  	lr =	sadd.s32 s0, s3;
	s0 =	sld [smem:$0x3FA5]  }
0x30: {  	s3 =	sld [smem:$0x3FA8]  }
0x31: {  	[smem:$0x3FB1] =	sst s10  }
0x32: {  	s10 =	sld [smem:$0x3FAF];
	_ =	sdelay $0x3  }
0x33: {  	p0 =	seq.s32 s10, $0x1;
	s10 =	sld [smem:$0x3FB1];
	_ =	sdelay $0x3  }
0x34: {  	[smem:$0x3FB1] =	sst s10  }
0x35: {  	s10 =	sld [smem:$0x3FB0];
	_ =	sdelay $0x3  }
0x36: {  	p1 =	seq.s32 s10, $0x1;
	s10 =	sld [smem:$0x3FB1];
	_ =	sdelay $0x3  }
0x37: {  	[smem:$0x3FB1] =	sst s10  }
0x38: {  	s10 =	sld [smem:$0x3FB2]  }
0x39: {  	_ = 	snop;
	(pc) =	sbr.ind lr, $3  }
0x3a: {  	_ = 	snop  }
0x3b: {  	_ = 	snop  }
0x3c: {  	p2 =	seq.s32 s10, $0x1;
	s10 =	sld [smem:$0x3FB1]  }
0x3d: {  	_ =	shalt  }
0x3e: {  	_ =	shalt  }
0x3f: {  	_ =	shalt  }
0x40: {  	_ =	shalt  }
0x41: {  	_ =	shalt  }
0x42: {  	_ =	shalt  }
0x43: {  	_ =	shalt  }
0x44: {  	_ =	shalt  }
0x45: {  	_ =	shalt  }
0x46: {  	_ =	shalt  }
0x47: {  	_ =	shalt  }
0x48: {  	_ =	shalt  }
0x49: {  	_ =	shalt  }
0x4a: {  	_ =	shalt  }
0x4b: {  	_ =	shalt  }
0x4c: {  	_ =	shalt  }
0x4d: {  	_ =	shalt  }
0x4e: {  	_ =	shalt  }
0x4f: {  	_ =	shalt  }
0x50: {  	_ =	shalt  }
0x51: {  	_ =	shalt  }
0x52: {  	_ =	shalt  }
0x53: {  	_ =	shalt  }
0x54: {  	_ =	shalt  }
0x55: {  	_ =	shalt  }
0x56: {  	_ =	shalt  }
0x57: {  	_ =	shalt  }
0x58: {  	_ =	shalt  }
0x59: {  	_ =	shalt  }
0x5a: {  	_ =	shalt  }
0x5b: {  	_ =	shalt  }
0x5c: {  	_ =	shalt  }
0x5d: {  	_ =	shalt  }
0x5e: {  	_ =	shalt  }
0x5f: {  	_ =	shalt  }
0x60: {  	_ =	shalt  }
0x61: {  	_ =	shalt  }
0x62: {  	_ =	shalt  }
0x63: {  	_ =	shalt  }
0x64: {  	_ =	shalt  }
0x65: {  	_ =	shalt  }
0x66: {  	_ =	shalt  }
0x67: {  	_ =	shalt  }
0x68: {  	_ =	shalt  }
0x69: {  	_ =	shalt  }
0x6a: {  	_ =	shalt  }
0x6b: {  	_ =	shalt  }
0x6c: {  	_ =	shalt  }
0x6d: {  	_ =	shalt  }
0x6e: {  	_ =	shalt  }
0x6f: {  	_ =	shalt  }
0x70: {  	_ =	shalt  }
0x71: {  	_ =	shalt  }
0x72: {  	_ =	shalt  }
0x73: {  	_ =	shalt  }
0x74: {  	_ =	shalt  }
0x75: {  	_ =	shalt  }
0x76: {  	_ =	shalt  }
0x77: {  	_ =	shalt  }
0x78: {  	_ =	shalt  }
0x79: {  	_ =	shalt  }
0x7a: {  	_ =	shalt  }
0x7b: {  	_ =	shalt  }
0x7c: {  	_ =	shalt  }
0x7d: {  	_ =	shalt  }
0x7e: {  	_ =	shalt  }
0x7f: {  	_ =	shalt  }
0x80: {  	_ =	shalt  }
0x81: {  	_ =	shalt  }
0x82: {  	_ =	shalt  }
0x83: {  	_ =	shalt  }
0x84: {  	_ =	shalt  }
0x85: {  	_ =	shalt  }
0x86: {  	_ =	shalt  }
0x87: {  	_ =	shalt  }
.Lfunc_end0:
.L_simem_size_0:
called_computation_lowered:
.L_overlay_start_0:
0x88: {  	s2 =	sld [smem:$0x3FD9]  }
0x89: {  	s3 =	sld [smem:$0x3FFE];
	_ =	sdelay $0x1  }
0x8a: {  	s1 =	srdreg.scid  }
0x8b: {  	s0 =	sand.u32 $0x1, s1  }
0x8c: {  	s16 =	sshll.u32 s0, $0xA;
	s2 =	sadd.s32 s3, s2  }
0x8d: {  	s2 =	sadd.s32 s2, s16  }
0x8e: {  	[smem:$0x3FBD] =	sst s2  }
0x8f: {  	_ = 	snop  }
0x90: {  	(tm) =	ssettm $0x1  }
0x91: {  	s17 =	sld [smem:$0x3FFB];
	_ =	sdelay $0x3  }
0x92: {  	_ =	strace s17  }
0x93: {  	s2 =	sld [smem:$0x3FFC];
	_ =	sdelay $0x3  }
0x94: {  	_ =	strace s2  }
0x95: {  	s2 =	sld [smem:$0x3FFD];
	_ =	sdelay $0x3  }
0x96: {  	_ =	strace s2  }
0x97: {  	_ =	strace $0x8FFFFFFF  }
0x98: {  	s18 =	sld [smem:$0x3FDB];
	_ =	sdelay $0x1  }
0x99: {  	s19 =	simm.s32 $_scs_section_size  }
0x9a: {  	s4 =	simm.s32 $_size__tile_overlayer_lowered;
	s5 =	simm.s32 $_tile_overlayer_lowered  }
0x9b: {  	s22 =	simm.s32 $0x1BFF;
	s21 =	sshll.u32 s5, $0x1;
	s2 =	sadd.s32 s19, s18  }
0x9c: {  	s6 =	simm.s32 $0x0;
	s20 =	sshll.u32 s4, $0x1;
	s4 =	sadd.s32 s21, s2  }
0x9d: {  	[timem:s6], [sflag:s22] =	dma.local [hbm:s4], s20  }
0x9e: {  	_ =	swait.ge [sflag:s22], s20  }
0x9f: {  	s3 =	ssub.s32 $0x0, s20;
	[sflag:s22] =	ssyncset.done $0x0  }
0xa0: {  	[sflag:s22] =	ssyncadd.s32 s3;
	_ =	sdelay $0x1  }
0xa1: {  	s23 =	simm.s32 $0x1B8B  }
0xa2: {  	_ =	swait.ge [sflag:s23], $0x1  }
0xa3: {  	[sflag:s23] =	ssyncset.done $0x0  }
0xa4: {  	s25 =	simm.s32 $0x1B8E;
	s24 =	sld [smem:$0x3FFE];
	[sflag:s23] =	ssyncadd.s32 $0xFFFFFFFF  }
0xa5: {  	s26 =	simm.s32 $execute0_lowered;
	[smem:$0x3FD2] =	sst s25  }
0xa6: {  	s4 =	sshll.u32 s26, $0x1;
	_ =	strace $0x80000046;
	[dreg:$0x1] =	wrdreg $0xFFFFFFFF  }
0xa7: {  	s28 =	simm.s32 $_size_execute0_lowered;
	s2 =	sadd.s32 s2, s4;
	[dreg:$0x0] =	wrdreg $0x0  }
0xa8: {  	s4 =	sshll.u32 s28, $0x1;
	[dreg:$0x2] =	wrdreg s2  }
0xa9: {  	[dreg:$0x3] =	wrdreg s4  }
0xaa: {  	[dreg:$0x4] =	wrdreg $0xC0  }
0xab: {  	_ =	task [dreg:s6], $0x5FFFF  }
0xac: {  	[dreg:$0x1] =	wrdreg $0xFFFFFFFF  }
0xad: {  	[dreg:$0x0] =	wrdreg $0x60  }
0xae: {  	[dreg:$0x2] =	wrdreg s24  }
0xaf: {  	[dreg:$0x3] =	wrdreg $0x38800  }
0xb0: {  	[dreg:$0x4] =	wrdreg $0x9  }
0xb1: {  	_ =	task.clear_ibuf [dreg:s6], $0x5FFFF;
	_ =	strace $0x90000046  }
0xb2: {  	s29 =	simm.s32 $0x9;
	_ =	strace $0x80000048  }
0xb3: {  	_ =	swait.ge [sflag:s29], $0x1  }
0xb4: {  	[sflag:s29] =	ssyncadd.s32 $0xFFFFFFFF  }
0xb5: {  	_ =	strace $0x90000048  }
0xb6: {  	_ =	sfence  }
0xb7: {  	s30 =	sld [smem:$0x0];
	_ =	sdelay $0x2  }
0xb8: {  	s31 =	sshll.u32 s1, $0xD;
	s1 =	sshrl.u32 s1, $0x2  }
0xb9: {  	s3 =	sand.u32 $0x4000, s31;
	s1 =	sadd.s32 s1, s30  }
0xba: {  	s0 =	sor.u32 s3, s0;
	s1 =	sshll.u32 s1, $0x11  }
0xbb: {  	s0 =	sor.u32 s1, s0  }
0xbc: {  	s0 =	sadd.s32 $0x8F2B, s0  }
0xbd: {  	[sflag:s0] =	ssyncadd.remote.s32 $0x1  }
0xbe: {  	_ =	sfence.sel $0xFFFF  }
0xbf: {  	[dreg:$0x0] =	wrdreg $0xFFFFFFFF;
	(pc) =	sbr.abs _section_cstart, $3  }
0xc0: {  	[dreg:$0x1] =	wrdreg $0xFFFFFFFF  }
0xc1: {  	_ =	task.clear_ibuf [dreg:s6], $0x2FFFF;
	_ =	strace $0x9FFFFFFF  }
0xc2: {  	(tm) =	ssettm $0x7FFFFFFF  }
0xc3: {  	_ =	shalt  }
tec
execute0_lowered:
.L_overlay_start_1:
0x0: {  	(tag) =	ssettag $0x1  }
0x1: {  	s1 =	srdreg.scid;
	s4 =	rddreg [dreg:$0x0]  }
0x2: {  	s0 =	stileid.u32;
	s2 =	rddreg [dreg:$0x1];
	s3 =	simm.s32 $0x0  }
0x3: {  	s5 =	sand.u32 $0x1, s1;
	s18 =	sshll.u32 s0, $0x1;
	s1 =	rddreg [dreg:$0x2]  }
0x4: {  	[smem:$0x7FF] =	sst s3;
	s10 =	smul.u32 $0x280, s0;
	s11 =	sadd.s32 $0x11C00, s4  }
0x5: {  	s19 =	sshll.u32 s0, $0x6;
	s6 =	sor.u32 s5, s18;
	_ =	strace $0x80000047  }
0x6: {  	s7 =	ssub.s32 $0x2, s5;
	s14 =	smul.u32 $0x2800, s5;
	s5 =	sor.u32 $0x1C02, s19  }
0x7: {  	s6 =	smul.u32 $0x700, s6;
	s8 =	sshrl.u32 s10, $0x3;
	s9 =	sshrl.u32 s7, $0x1  }
0x8: {  	s13 =	sadd.s32 s10, s2;
	s20 =	sand.u32 $0x3C00, s10;
	s21 =	sand.u32 $0x380, s10  }
0x9: {  	s22 =	sadd.s32 $0x80, s10;
	s16 =	sadd.s32 $0x100, s10;
	s26 =	sadd.s32 $0x180, s10  }
0xa: {  	s18 =	sadd.s32 $0x200, s10;
	s8 =	sadd.s32 s8, s4;
	s12 =	ssub.s32 s7, s9  }
0xb: {  	s7 =	sadd.s32 s14, s20;
	s23 =	sand.u32 $0x7C00, s22;
	s15 =	sand.u32 $0x380, s22  }
0xc: {  	s24 =	sand.u32 $0x7C00, s16;
	s17 =	sand.u32 $0x380, s16;
	s20 =	sadd.s32 s22, s2  }
0xd: {  	s28 =	sand.u32 $0x7C00, s26;
	s30 =	sand.u32 $0x380, s26;
	s19 =	sand.u32 $0x7C00, s18  }
0xe: {  	s31 =	sand.u32 $0x380, s18;
	s22 =	sadd.s32 s26, s2;
	s13 =	sshrl.u32 s13, $0x3  }
0xf: {  	s6 =	sadd.s32 s6, s4;
	s4 =	sadd.s32 $0x11600, s8;
	s7 =	sor.u32 s21, s7  }
0x10: {  	s8 =	sadd.s32 s14, s23;
	s29 =	sadd.s32 s14, s28;
	s21 =	sadd.s32 s16, s2  }
0x11: {  	s23 =	sadd.s32 s18, s2;
	s12 =	smax.u32 s12, $0x1;
	s16 =	simm.s32 $0x3800  }
0x12: {  	s18 =	simm.s32 $0x100;
	s20 =	sshrl.u32 s20, $0x3;
	s22 =	sshrl.u32 s22, $0x3  }
0x13: {  	s6 =	sadd.s32 $0x3600, s6;
	s7 =	sshrl.u32 s7, $0x3;
	s8 =	sor.u32 s15, s8  }
0x14: {  	s15 =	sadd.s32 s14, s24;
	s10 =	sor.u32 s30, s29;
	s14 =	sadd.s32 s14, s19  }
0x15: {  	s19 =	simm.s32 $0x1;
	s21 =	sshrl.u32 s21, $0x3;
	s23 =	sshrl.u32 s23, $0x3  }
0x16: {  	s24 =	simm.s32 $0x0;
	s8 =	sshrl.u32 s8, $0x3;
	s7 =	sadd.s32 s11, s7  }
0x17: {  	s15 =	sor.u32 s17, s15;
	s10 =	sshrl.u32 s10, $0x3;
	s14 =	sor.u32 s31, s14  }
0x18: {  	s17 =	simm.s32 $0x80;
	s8 =	sadd.s32 s11, s8;
	s25 =	sshrl.u32 s15, $0x3  }
0x19: {  	s10 =	sadd.s32 s11, s10;
	s14 =	sshrl.u32 s14, $0x3;
	s15 =	simm.s32 $0x60  }
0x1a: {  	v0 =	vimm.f32 $1.000000000e+00;
	s9 =	sadd.s32 s11, s25;
	s11 =	sadd.s32 s11, s14;
	s14 =	simm.s32 $0x2  }
.LBB2_1:
0x1b: {  	[spmem:s13], [sflag:s5] =	dma.local [hbm:s4], $0x50  }
0x1c: {  	_ =	swait.ge [sflag:s14], $0x50  }
0x1d: {  	[sflag:s14] =	ssyncset.done $0x0  }
0x1e: {  	[sflag:s14] =	ssyncadd.s32 $0xFFFFFFB0  }
0x1f: {  	[tilespmem:s3], [sflag:$0x2] =	stream.linear.gather [hbm4b:s6+s3], $0x3800, $0x38;
	[tilespmem:$0x3B00] =	vst v63  }
0x20: {  	_ =	swait.ge [sflag:s14], $0x3800  }
0x21: {  	[sflag:s14] =	ssyncset.done $0x0  }
0x22: {  	[sflag:s14] =	ssyncadd.s32 $0xFFFFC800  }
0x23: {  	[tilespmem:$0x3800] =	vst v0  }
0x24: {  	[tilespmem:$0x3810] =	vst v0  }
0x25: {  	[tilespmem:$0x3820] =	vst v0  }
0x26: {  	[tilespmem:$0x3830] =	vst v0  }
0x27: {  	[tilespmem:$0x3840] =	vst v0  }
0x28: {  	[tilespmem:$0x3850] =	vst v0  }
0x29: {  	[bflag:$0x0] =	sbarrier.arrive $0xFFFF  }
0x2a: {  	[spmem:s2] =	stream.indirect.scatter.add.f32 [tilespmem:s16], [sflag:$0x1], $0x1, s3, s15, $0xb8;
	[tilespmem:$0x3B00] =	vst v63  }
0x2b: {  	_ = 	snop  }
0x2c: {  	[spmem:s2] =	stream.indirect.scatter.add.f32 [tilespmem:s16], [sflag:$0x1], $0x1, s17, s15, $0xb8;
	[tilespmem:$0x3B00] =	vst v63  }
0x2d: {  	_ = 	snop  }
0x2e: {  	[spmem:s2] =	stream.indirect.scatter.add.f32 [tilespmem:s16], [sflag:$0x1], $0x1, s18, s15, $0xb8;
	[tilespmem:$0x3B00] =	vst v63  }
0x2f: {  	s25 =	simm.s32 $0x180  }
0x30: {  	[spmem:s2] =	stream.indirect.scatter.add.f32 [tilespmem:s16], [sflag:$0x1], $0x1, s25, s15, $0xb8;
	[tilespmem:$0x3B00] =	vst v63  }
0x31: {  	_ =	swait.ge [sflag:s19], $0x60  }
0x32: {  	s25 =	simm.s32 $0x800;
	[sflag:s19] =	ssyncset.done $0x0  }
.LBB2_2:
0x33: {  	s26 =	sshra.s32 s25, $0x2;
	[sflag:s19] =	ssyncadd.s32 $0xFFFFFFA0;
	p0 =	sne.s32 s25, $0xDE00  }
0x34: {  	[spmem:s2] =	stream.indirect.scatter.add.f32 [tilespmem:s16], [sflag:$0x1], $0x1, s26, s15, $0xb8;
	[tilespmem:$0x3B00] =	vst v63  }
.Ltmp0:
0x35: {  	_ = 	snop;
	(pc) =	sbr.rel @p0 .LBB2_2-.Ltmp0, $4  }
0x36: {  	_ = 	snop  }
0x37: {  	s25 =	sadd.s32 $0x200, s25  }
0x38: {  	_ =	swait.ge [sflag:s19], $0x60  }
0x39: {  	[sflag:s19] =	ssyncset.done $0x0  }
0x3a: {  	[sflag:s19] =	ssyncadd.s32 $0xFFFFFFA0  }
0x3b: {  	_ =	swait.ge [sflag:s19], $0x60  }
0x3c: {  	[sflag:s19] =	ssyncset.done $0x0  }
0x3d: {  	[sflag:s19] =	ssyncadd.s32 $0xFFFFFFA0  }
0x3e: {  	_ =	swait.ge [sflag:s19], $0x60  }
0x3f: {  	[sflag:s19] =	ssyncset.done $0x0  }
0x40: {  	[sflag:s19] =	ssyncadd.s32 $0xFFFFFFA0  }
0x41: {  	_ =	swait.ge [sflag:s19], $0x60  }
0x42: {  	[sflag:s19] =	ssyncset.done $0x0  }
0x43: {  	[sflag:s19] =	ssyncadd.s32 $0xFFFFFFA0  }
0x44: {  	[bflag:$0x0] =	sbarrier.arrive $0xFFFF  }
0x45: {  	[hbm:s7], [sflag:s5] =	dma.local [spmem:s13], $0x10  }
0x46: {  	_ =	swait.ge [sflag:s14], $0x10  }
0x47: {  	[sflag:s14] =	ssyncset.done $0x0  }
0x48: {  	[sflag:s14] =	ssyncadd.s32 $0xFFFFFFF0  }
0x49: {  	[hbm:s8], [sflag:s5] =	dma.local [spmem:s20], $0x10  }
0x4a: {  	_ =	swait.ge [sflag:s14], $0x10  }
0x4b: {  	[sflag:s14] =	ssyncset.done $0x0  }
0x4c: {  	[sflag:s14] =	ssyncadd.s32 $0xFFFFFFF0  }
0x4d: {  	[hbm:s9], [sflag:s5] =	dma.local [spmem:s21], $0x10  }
0x4e: {  	_ =	swait.ge [sflag:s14], $0x10  }
0x4f: {  	[sflag:s14] =	ssyncset.done $0x0  }
0x50: {  	[sflag:s14] =	ssyncadd.s32 $0xFFFFFFF0  }
0x51: {  	[hbm:s10], [sflag:s5] =	dma.local [spmem:s22], $0x10  }
0x52: {  	s24 =	sadd.s32 $0x1, s24;
	_ =	swait.ge [sflag:s14], $0x10  }
0x53: {  	p0 =	sne.s32 s24, s12;
	[sflag:s14] =	ssyncset.done $0x0  }
.Ltmp1:
0x54: {  	[sflag:s14] =	ssyncadd.s32 $0xFFFFFFF0;
	(pc) =	sbr.rel @p0 .LBB2_1-.Ltmp1, $4  }
0x55: {  	[hbm:s11], [sflag:s5] =	dma.local [spmem:s23], $0x10  }
0x56: {  	_ =	swait.ge [sflag:s14], $0x10  }
0x57: {  	[sflag:s14] =	ssyncset.done $0x0  }
0x58: {  	[sflag:s14] =	ssyncadd.s32 $0xFFFFFFF0  }
0x59: {  	_ =	sfence.sel $0x180000  }
0x5a: {  	[bflag:$0x0] =	sbarrier.arrive $0xFFFF  }
0x5b: {  	p0 =	sne.s32 s0, $0x0;
	_ =	strace $0x90000047  }
0x5c: {  	s0 =	sadd.s32 @!p0 $0x100000, s1;
	[bflag:$0x2] =	sbarrier.arrive $0xFFFF  }
0x5d: {  	[sflag:s0] =	ssyncadd.tile.s32 @!p0 $0x1;
	_ =	shalt  }
.Lfunc_end2:
_tile_overlayer_lowered:
.L_overlay_start_2:
0x5e: {  	(tag) =	ssettag $0x2  }
0x5f: {  	s0 =	rddreg [dreg:$0x0];
	s2 =	stileid.u32  }
0x60: {  	s1 =	rddreg [dreg:$0x1];
	p0 =	sne.s32 s2, $0x0  }
0x61: {  	s3 =	rddreg [dreg:$0x2];
	[bflag:$0x3] =	sbarrier.arrive $0xFFFF;
	s2 =	simm.s32 @!p0 $0x1C02  }
0x62: {  	[timem:s3], [sflag:s2] =	dma.local @!p0 [hbm:s0], s1  }
0x63: {  	s0 =	simm.s32 @!p0 $0x2  }
0x64: {  	_ =	swait.ge @!p0 [sflag:s0], s1  }
0x65: {  	s1 =	ssub.s32 @!p0 $0x0, s1;
	[sflag:s0] =	ssyncset.done @!p0 $0x0  }
0x66: {  	[sflag:s0] =	ssyncadd.s32 @!p0 s1  }
0x67: {  	[bflag:$0x3] =	sbarrier.arrive $0xFFFF  }
0x68: {  	_ =	shalt  }

</sc_bundles>
